<compile_context>
chip_gen: v7x
topology: tpu7x:2x2x1
jax: 0.10.2.dev20260603
libtpu: 0.0.44.dev20260713+nightly
codegen_flags: <defaults>
</compile_context>

<pallas_src>
import functools

import jax
import jax.numpy as jnp
from jax import lax
from jax.experimental import pallas as pl
from jax.experimental.pallas import tpu as pltpu
from jax.experimental.pallas import tpu_sc as plsc

N = 10000
E = 320000
C = 128
H = 8
Dh = C // H
NC = 2
NS = 16
NW = NC * NS
EPW = E // NW
K = 80
NCHUNK = EPW // K
NPAD = 10112
RPT = NPAD // NS



BLK0 = 2000


def _proj_body(xu, xi, wu, bu, wi, bi, asu, adu, ast, adt, perm,
               hu_o, hi_o, alsu_o, aldu_o, alst_o, aldt_o):
  del perm
  hu = jnp.dot(xu[...], wu[...], preferred_element_type=jnp.float32) + bu[...]
  hi = jnp.dot(xi[...], wi[...], preferred_element_type=jnp.float32) + bi[...]
  hu_o[...] = hu
  hi_o[...] = hi
  alsu_o[...] = jnp.dot(hu, asu[...], preferred_element_type=jnp.float32)
  aldt_o[...] = jnp.dot(hu, adt[...], preferred_element_type=jnp.float32)
  alst_o[...] = jnp.dot(hi, ast[...], preferred_element_type=jnp.float32)
  aldu_o[...] = jnp.dot(hi, adu[...], preferred_element_type=jnp.float32)


def _project(x_user, x_item, W_user, b_user, W_item, b_item, A_su, A_du,
             A_st, A_dt, P):
  n_blk = N // BLK0
  row = pl.BlockSpec((BLK0, C), lambda i: (i, 0))
  w = pl.BlockSpec((C, C), lambda i: (0, 0))
  b = pl.BlockSpec((1, C), lambda i: (0, 0))
  a = pl.BlockSpec((C, 16), lambda i: (0, 0))
  al = pl.BlockSpec((BLK0, 16), lambda i: (i, 0))
  f32 = jnp.float32
  return pl.pallas_call(
      _proj_body,
      grid=(n_blk,),
      in_specs=[row, row, w, b, w, b, a, a, a, a, w],
      out_specs=[row, row, al, al, al, al],
      out_shape=[
          jax.ShapeDtypeStruct((N, C), f32),
          jax.ShapeDtypeStruct((N, C), f32),
          jax.ShapeDtypeStruct((N, 16), f32),
          jax.ShapeDtypeStruct((N, 16), f32),
          jax.ShapeDtypeStruct((N, 16), f32),
          jax.ShapeDtypeStruct((N, 16), f32),
      ],
  )(x_user, x_item, W_user, b_user.reshape(1, C), W_item,
    b_item.reshape(1, C), A_su, A_du, A_st, A_dt, P)


def _att_mat(att):
  k = lax.broadcasted_iota(jnp.int32, (C, 16), 0)
  hh = lax.broadcasted_iota(jnp.int32, (C, 16), 1)
  return jnp.where(k // Dh == hh, att.reshape(C)[:, None], 0.0)




def _bcast16(v, h):
  idx = jnp.full((16, 1), h, dtype=jnp.int32)
  dnums = lax.GatherDimensionNumbers(
      offset_dims=(), collapsed_slice_dims=(0,), start_index_map=(0,))
  return lax.gather(v, idx, dnums, slice_sizes=(1,),
                    mode=lax.GatherScatterMode.PROMISE_IN_BOUNDS)


def _sc_body(hu, hi, alsu, aldu, alst, aldt, src_ut, dst_ut, src_tu, dst_tu,
             acc_ut, s_ut, acc_tu, s_tu,
             sidx0, didx0, sdidx0, srows0, salv0, dalv0, sbuf0, ebuf0,
             acc_sh, s_sh, sg0, ss0):
  cid = lax.axis_index("c")
  sid = lax.axis_index("s")
  wid = sid * NC + cid
  r0 = sid * RPT
  bufs = (
      (sidx0, didx0, sdidx0, srows0, salv0, dalv0, sbuf0, ebuf0, sg0, ss0),
  )

  for src_e, dst_e, hsrc, als, ald, acc_out, s_out in (
      (src_ut, dst_ut, hu, alsu, aldu, acc_ut, s_ut),
      (src_tu, dst_tu, hi, alst, aldt, acc_tu, s_tu),
  ):
    def zero_body(i, carry):
      z = jnp.zeros((16,), jnp.float32)
      for j in range(C // 16):
        sbuf0[i, pl.ds(j * 16, 16)] = z
      ebuf0[i, :] = z
      return carry

    lax.fori_loop(0, K, zero_body, 0)
    for j in range(RPT // K):
      pltpu.sync_copy(sbuf0.at[pl.ds(0, K)], acc_sh.at[pl.ds(r0 + j * K, K)])
      pltpu.sync_copy(ebuf0.at[pl.ds(0, K)], s_sh.at[pl.ds(r0 + j * K, K)])
    rem = RPT % K
    if rem:
      pltpu.sync_copy(sbuf0.at[pl.ds(0, rem)],
                      acc_sh.at[pl.ds(r0 + (RPT // K) * K, rem)])
      pltpu.sync_copy(ebuf0.at[pl.ds(0, rem)],
                      s_sh.at[pl.ds(r0 + (RPT // K) * K, rem)])
    plsc.subcore_barrier()

    def chunk_body(ci, carry):
      sidx, didx, _, srows, salv, dalv, sbuf, ebuf, sg, sh = bufs[0]
      base = pl.multiple_of(wid * EPW + ci * K, 8)
      pltpu.sync_copy(src_e.at[pl.ds(base, K)], sidx)
      pltpu.sync_copy(dst_e.at[pl.ds(base, K)], didx)
      d1 = pltpu.async_copy(hsrc.at[sidx], srows, sh)
      d2 = pltpu.async_copy(als.at[sidx], salv, sg)
      d3 = pltpu.async_copy(ald.at[didx], dalv, sg)
      d2.wait()
      d3.wait()

      @plsc.parallel_loop(0, K)
      def alpha_body(e):
        a = salv[e, :] + dalv[e, :]
        a = jnp.maximum(a, 0.2 * a)
        ebuf[e, :] = jnp.exp(a)

      d1.wait()

      @plsc.parallel_loop(0, K, unroll=4)
      def msg_body(e):
        ev = ebuf[e, :]
        for h in range(H):
          sbuf[e, pl.ds(h * 16, 16)] = srows[e, pl.ds(h * 16, 16)] * _bcast16(ev, h)
      pltpu.sync_copy(sbuf, acc_sh.at[didx], add=True)
      pltpu.sync_copy(ebuf, s_sh.at[didx], add=True)
      return carry

    lax.fori_loop(0, NCHUNK, chunk_body, 0)
    plsc.subcore_barrier()

    pltpu.sync_copy(acc_sh.at[pl.ds(r0, RPT)], acc_out.at[cid, pl.ds(r0, RPT)])
    pltpu.sync_copy(s_sh.at[pl.ds(r0, RPT)], s_out.at[cid, pl.ds(r0, RPT)])
    plsc.subcore_barrier()


def _sc_aggregate(hu, hi, alsu, aldu, alst, aldt, src_ut, dst_ut, src_tu,
                  dst_tu):
  f32 = jnp.float32
  mesh = plsc.VectorSubcoreMesh(core_axis_name="c", subcore_axis_name="s")
  out_type = [
      jax.ShapeDtypeStruct((NC, NPAD, C), f32),
      jax.ShapeDtypeStruct((NC, NPAD, 16), f32),
      jax.ShapeDtypeStruct((NC, NPAD, C), f32),
      jax.ShapeDtypeStruct((NC, NPAD, 16), f32),
  ]
  buf_set = [
      pltpu.VMEM((K,), jnp.int32),
      pltpu.VMEM((K,), jnp.int32),
      pltpu.VMEM((K,), jnp.int32),
      pltpu.VMEM((K, C), f32),
      pltpu.VMEM((K, 16), f32),
      pltpu.VMEM((K, 16), f32),
      pltpu.VMEM((K, C), f32),
      pltpu.VMEM((K, 16), f32),
  ]
  scratch = (buf_set + [
      pltpu.VMEM_SHARED((NPAD, C), f32),
      pltpu.VMEM_SHARED((NPAD, 16), f32),
      pltpu.SemaphoreType.DMA,
      pltpu.SemaphoreType.DMA,
  ])
  run = pl.kernel(_sc_body, out_type=out_type, mesh=mesh,
                  scratch_types=scratch,
                  compiler_params=pltpu.CompilerParams(
                      use_tc_tiling_on_sc=False, needs_layout_passes=False))
  return run(hu, hi, alsu, aldu, alst, aldt, src_ut, dst_ut, src_tu, dst_tu)



BLK2 = 2000


def _epi_body(acc_ref, s_ref, out_ref):
  acc = acc_ref[0] + acc_ref[1]
  s = s_ref[0] + s_ref[1]
  j = lax.broadcasted_iota(jnp.int32, (16, C), 0)
  k = lax.broadcasted_iota(jnp.int32, (16, C), 1)
  r = jnp.where(j == k // Dh, 1.0, 0.0)
  srep = jnp.dot(s, r, preferred_element_type=jnp.float32)
  out_ref[...] = jnp.maximum(acc / (srep + 1e-16), 0.0)


def _finish(acc, s):
  n_blk = N // BLK2
  return pl.pallas_call(
      _epi_body,
      grid=(n_blk,),
      in_specs=[
          pl.BlockSpec((NC, BLK2, C), lambda i: (0, i, 0)),
          pl.BlockSpec((NC, BLK2, 16), lambda i: (0, i, 0)),
      ],
      out_specs=pl.BlockSpec((BLK2, C), lambda i: (i, 0)),
      out_shape=jax.ShapeDtypeStruct((N, C), jnp.float32),
  )(acc, s)




def kernel(x_user, x_item, edge_index_ut, edge_index_tu, W_user, b_user,
           W_item, b_item, att_src_ut, att_dst_ut, att_src_tu, att_dst_tu,
           k_W, k_b, q):
  del k_W, k_b, q
  A_su = _att_mat(att_src_ut)
  A_du = _att_mat(att_dst_ut)
  A_st = _att_mat(att_src_tu)
  A_dt = _att_mat(att_dst_tu)
  kout = jnp.arange(C)
  kin = (2 * (kout // 32) + kout % 2) * Dh + (kout % 32) // 2
  P = (jnp.arange(C)[:, None] == kin[None, :]).astype(jnp.float32)
  hu, hi, alsu, aldu, alst, aldt = _project(
      x_user, x_item, W_user, b_user, W_item, b_item, A_su, A_du, A_st, A_dt,
      P)
  ei_ut = edge_index_ut.astype(jnp.int32)
  ei_tu = edge_index_tu.astype(jnp.int32)
  acc_ut, s_ut, acc_tu, s_tu = _sc_aggregate(
      hu, hi, alsu, aldu, alst, aldt, ei_ut[0], ei_ut[1], ei_tu[0], ei_tu[1])
  out_u = _finish(acc_tu, s_tu)
  out_i = _finish(acc_ut, s_ut)
  return jnp.concatenate([out_u, out_i], axis=0)

# --- scband reference (transcript-rebuilt; emitter-appended) ---
"""Pipeline reference for scband-han-16174846836856 (READ-ONLY COPY).

The authoritative reference and input builder live on the scoring server;
editing this copy changes nothing except your own understanding.
"""

import jax, jax.numpy as jnp
import numpy as np

N_U = 10000
N_I = 10000
E = 320000
D_IN = 128
C = 128
H = 8
Dh = C // H


def setup_inputs(seed: int = 0) -> dict:
    key = jax.random.key(seed)
    ks = jax.random.split(key, 16)
    inp = {}
    inp["x_user"] = jax.random.normal(ks[0], (N_U, D_IN), dtype=jnp.float32)
    inp["x_item"] = jax.random.normal(ks[1], (N_I, D_IN), dtype=jnp.float32)
    inp["edge_index_ut"] = jax.random.randint(ks[2], (2, E), 0, N_U, dtype=jnp.int64 if jax.config.jax_enable_x64 else jnp.int32)
    inp["edge_index_tu"] = jax.random.randint(ks[3], (2, E), 0, N_I, dtype=jnp.int64 if jax.config.jax_enable_x64 else jnp.int32)
    s = 1.0 / np.sqrt(D_IN)
    inp["W_user"] = jax.random.normal(ks[4], (D_IN, C), dtype=jnp.float32) * s
    inp["b_user"] = jnp.zeros((C,), dtype=jnp.float32)
    inp["W_item"] = jax.random.normal(ks[5], (D_IN, C), dtype=jnp.float32) * s
    inp["b_item"] = jnp.zeros((C,), dtype=jnp.float32)
    inp["att_src_ut"] = jax.random.normal(ks[6], (H, Dh), dtype=jnp.float32) * 0.1
    inp["att_dst_ut"] = jax.random.normal(ks[7], (H, Dh), dtype=jnp.float32) * 0.1
    inp["att_src_tu"] = jax.random.normal(ks[8], (H, Dh), dtype=jnp.float32) * 0.1
    inp["att_dst_tu"] = jax.random.normal(ks[9], (H, Dh), dtype=jnp.float32) * 0.1
    inp["k_W"] = jax.random.normal(ks[10], (C, C), dtype=jnp.float32) * (1.0 / np.sqrt(C))
    inp["k_b"] = jnp.zeros((C,), dtype=jnp.float32)
    inp["q"] = jax.random.normal(ks[11], (C,), dtype=jnp.float32) * 0.1
    return inp


def _seg_softmax(alpha, seg, num):
    m = jax.ops.segment_max(alpha, seg, num_segments=num)
    m = jnp.where(jnp.isfinite(m), m, 0.0)
    e = jnp.exp(alpha - m[seg])
    s = jax.ops.segment_sum(e, seg, num_segments=num)
    return e / (s[seg] + 1e-16)


def reference(x_user, x_item, edge_index_ut, edge_index_tu, W_user, b_user, W_item, b_item, att_src_ut, att_dst_ut, att_src_tu, att_dst_tu, k_W, k_b, q):
    # HANConv: per-node-type projection -> per-metapath GAT-style attention -> semantic attention.
    h_u = (x_user @ W_user + b_user).reshape(N_U, H, Dh)
    h_i = (x_item @ W_item + b_item).reshape(N_I, H, Dh)

    def metapath(h_src, h_dst, ei, a_s, a_d, num_dst):
        src, dst = ei[0], ei[1]
        al_s = (h_src * a_s[None, :, :]).sum(-1)  # [N_src, H]
        al_d = (h_dst * a_d[None, :, :]).sum(-1)  # [N_dst, H]
        alpha = al_s[src] + al_d[dst]             # gather -> [E, H]
        alpha = jax.nn.leaky_relu(alpha, 0.2)
        alpha = _seg_softmax(alpha, dst, num_dst)  # softmax over incoming edges per dst
        # dropout(0.2) omitted (eval mode)
        msg = h_src[src] * alpha[:, :, None]       # [E, H, Dh]
        out = jax.ops.segment_sum(msg, dst, num_segments=num_dst)  # scatter-add
        return jax.nn.relu(out.reshape(num_dst, C))

    out_i = metapath(h_u, h_i, edge_index_ut, att_src_ut, att_dst_ut, N_I)
    out_u = metapath(h_i, h_u, edge_index_tu, att_src_tu, att_dst_tu, N_U)

    def semantic(xs):
        out = jnp.stack(xs)  # [M, N, C]
        score = (q * jnp.tanh(out @ k_W + k_b)).sum(-1).mean(axis=1)  # [M]
        attn = jax.nn.softmax(score, axis=0)
        return (out * attn[:, None, None]).sum(0)

    z_u = semantic([out_u])
    z_i = semantic([out_i])
    return jnp.concatenate([z_u, z_i], axis=0)

if __name__ == "__main__":
    import jax
    _d = setup_inputs()
    print(jax.jit(kernel)(*tuple(_d.values())))

</pallas_src>

<mosaic_0001>
#map = affine_map<(d0, d1) -> (0, 0)>
#map1 = affine_map<(d0, d1) -> (0)>
#map2 = affine_map<(d0, d1) -> (0, 0, 0)>
module attributes {stable_mosaic.version = 14 : i64} {
  func.func @_sc_body(%arg0: i32, %arg1: i32, %arg2: memref<10000x128xf32, #tpu.memory_space<hbm>>, %arg3: memref<10000x128xf32, #tpu.memory_space<hbm>>, %arg4: memref<10000x16xf32, #tpu.memory_space<hbm>>, %arg5: memref<10000x16xf32, #tpu.memory_space<hbm>>, %arg6: memref<10000x16xf32, #tpu.memory_space<hbm>>, %arg7: memref<10000x16xf32, #tpu.memory_space<hbm>>, %arg8: memref<320000xi32, #tpu.memory_space<hbm>>, %arg9: memref<320000xi32, #tpu.memory_space<hbm>>, %arg10: memref<320000xi32, #tpu.memory_space<hbm>>, %arg11: memref<320000xi32, #tpu.memory_space<hbm>>, %arg12: memref<2x10112x128xf32, #tpu.memory_space<hbm>>, %arg13: memref<2x10112x16xf32, #tpu.memory_space<hbm>>, %arg14: memref<2x10112x128xf32, #tpu.memory_space<hbm>>, %arg15: memref<2x10112x16xf32, #tpu.memory_space<hbm>>, %arg16: memref<80xi32, #tpu.memory_space<vmem>>, %arg17: memref<80xi32, #tpu.memory_space<vmem>>, %arg18: memref<80xi32, #tpu.memory_space<vmem>>, %arg19: memref<80x128xf32, #tpu.memory_space<vmem>>, %arg20: memref<80x16xf32, #tpu.memory_space<vmem>>, %arg21: memref<80x16xf32, #tpu.memory_space<vmem>>, %arg22: memref<80x128xf32, #tpu.memory_space<vmem>>, %arg23: memref<80x16xf32, #tpu.memory_space<vmem>>, %arg24: memref<10112x128xf32, #tpu.memory_space<vmem_shared>>, %arg25: memref<10112x16xf32, #tpu.memory_space<vmem_shared>>, %arg26: memref<!tpu.dma_semaphore, #tpu.memory_space<semaphore_mem>>, %arg27: memref<!tpu.dma_semaphore, #tpu.memory_space<semaphore_mem>>) attributes {dimension_semantics = [#tpu.dimension_semantics<core_parallel>, #tpu.dimension_semantics<subcore_parallel>], iteration_bounds = array<i64: 2, 16>, scalar_prefetch = 0 : i64, scratch_operands = 12 : i64, tpu.core_type = #tpu.core_type<sc_vector_subcore>, window_params = [{transform_indices = #map}, {transform_indices = #map}, {transform_indices = #map}, {transform_indices = #map}, {transform_indices = #map}, {transform_indices = #map}, {transform_indices = #map1}, {transform_indices = #map1}, {transform_indices = #map1}, {transform_indices = #map1}, {transform_indices = #map2}, {transform_indices = #map2}, {transform_indices = #map2}, {transform_indices = #map2}]} {
    %mul3A = arith.constant 2 : i32
    %mul3A_0 = arith.muli %arg1, %mul3A : i32
    %add3A = arith.addi %mul3A_0, %arg0 : i32
    %mul3A_1 = arith.constant 632 : i32
    %mul3A_2 = arith.muli %arg1, %mul3A_1 : i32
    %scan3A = arith.constant 0 : i32
    %scan3A_3 = arith.constant 0 : i32
    %scan3A_4 = arith.constant 80 : i32
    %scan3A_5 = arith.addi %scan3A_3, %scan3A_4 : i32
    %scan3A_6 = arith.constant 1 : i32
    scf.for %scan3A_95 = %scan3A_3 to %scan3A_5 step %scan3A_6  : i32 {
      %broadcast_in_dim3A = arith.constant 0.000000e+00 : f32
      %broadcast_in_dim3A_96 = vector.broadcast %broadcast_in_dim3A : f32 to vector<16xf32>
      %swap3A = arith.index_cast %scan3A_95 : i32 to index
      %swap3A_97 = arith.constant 0 : index
      %swap3A_98 = tpu.vector_load %arg22[%swap3A, %swap3A_97] {strides = array<i32>} : memref<80x128xf32, #tpu.memory_space<vmem>>, vector<16xf32>,
      tpu.vector_store %arg22[%swap3A, %swap3A_97], %broadcast_in_dim3A_96 {strides = array<i32>} : memref<80x128xf32, #tpu.memory_space<vmem>>, vector<16xf32>,
      %swap3A_99 = arith.index_cast %scan3A_95 : i32 to index
      %swap3A_100 = arith.constant 16 : index
      %swap3A_101 = tpu.vector_load %arg22[%swap3A_99, %swap3A_100] {strides = array<i32>} : memref<80x128xf32, #tpu.memory_space<vmem>>, vector<16xf32>,
      tpu.vector_store %arg22[%swap3A_99, %swap3A_100], %broadcast_in_dim3A_96 {strides = array<i32>} : memref<80x128xf32, #tpu.memory_space<vmem>>, vector<16xf32>,
      %swap3A_102 = arith.index_cast %scan3A_95 : i32 to index
      %swap3A_103 = arith.constant 32 : index
      %swap3A_104 = tpu.vector_load %arg22[%swap3A_102, %swap3A_103] {strides = array<i32>} : memref<80x128xf32, #tpu.memory_space<vmem>>, vector<16xf32>,
      tpu.vector_store %arg22[%swap3A_102, %swap3A_103], %broadcast_in_dim3A_96 {strides = array<i32>} : memref<80x128xf32, #tpu.memory_space<vmem>>, vector<16xf32>,
      %swap3A_105 = arith.index_cast %scan3A_95 : i32 to index
      %swap3A_106 = arith.constant 48 : index
      %swap3A_107 = tpu.vector_load %arg22[%swap3A_105, %swap3A_106] {strides = array<i32>} : memref<80x128xf32, #tpu.memory_space<vmem>>, vector<16xf32>,
      tpu.vector_store %arg22[%swap3A_105, %swap3A_106], %broadcast_in_dim3A_96 {strides = array<i32>} : memref<80x128xf32, #tpu.memory_space<vmem>>, vector<16xf32>,
      %swap3A_108 = arith.index_cast %scan3A_95 : i32 to index
      %swap3A_109 = arith.constant 64 : index
      %swap3A_110 = tpu.vector_load %arg22[%swap3A_108, %swap3A_109] {strides = array<i32>} : memref<80x128xf32, #tpu.memory_space<vmem>>, vector<16xf32>,
      tpu.vector_store %arg22[%swap3A_108, %swap3A_109], %broadcast_in_dim3A_96 {strides = array<i32>} : memref<80x128xf32, #tpu.memory_space<vmem>>, vector<16xf32>,
      %swap3A_111 = arith.index_cast %scan3A_95 : i32 to index
      %swap3A_112 = arith.constant 80 : index
      %swap3A_113 = tpu.vector_load %arg22[%swap3A_111, %swap3A_112] {strides = array<i32>} : memref<80x128xf32, #tpu.memory_space<vmem>>, vector<16xf32>,
      tpu.vector_store %arg22[%swap3A_111, %swap3A_112], %broadcast_in_dim3A_96 {strides = array<i32>} : memref<80x128xf32, #tpu.memory_space<vmem>>, vector<16xf32>,
      %swap3A_114 = arith.index_cast %scan3A_95 : i32 to index
      %swap3A_115 = arith.constant 96 : index
      %swap3A_116 = tpu.vector_load %arg22[%swap3A_114, %swap3A_115] {strides = array<i32>} : memref<80x128xf32, #tpu.memory_space<vmem>>, vector<16xf32>,
      tpu.vector_store %arg22[%swap3A_114, %swap3A_115], %broadcast_in_dim3A_96 {strides = array<i32>} : memref<80x128xf32, #tpu.memory_space<vmem>>, vector<16xf32>,
      %swap3A_117 = arith.index_cast %scan3A_95 : i32 to index
      %swap3A_118 = arith.constant 112 : index
      %swap3A_119 = tpu.vector_load %arg22[%swap3A_117, %swap3A_118] {strides = array<i32>} : memref<80x128xf32, #tpu.memory_space<vmem>>, vector<16xf32>,
      tpu.vector_store %arg22[%swap3A_117, %swap3A_118], %broadcast_in_dim3A_96 {strides = array<i32>} : memref<80x128xf32, #tpu.memory_space<vmem>>, vector<16xf32>,
      %swap3A_120 = arith.index_cast %scan3A_95 : i32 to index
      %swap3A_121 = arith.constant 0 : index
      %swap3A_122 = tpu.vector_load %arg23[%swap3A_120, %swap3A_121] {strides = array<i32>} : memref<80x16xf32, #tpu.memory_space<vmem>>, vector<16xf32>,
      tpu.vector_store %arg23[%swap3A_120, %swap3A_121], %broadcast_in_dim3A_96 {strides = array<i32>} : memref<80x16xf32, #tpu.memory_space<vmem>>, vector<16xf32>,
    }
    %scan3A_7 = arith.constant 80 : i32
    %add3A_8 = arith.constant 0 : i32
    %add3A_9 = arith.addi %mul3A_2, %add3A_8 : i32
    "tpu.region"() ({
      %run_scoped3A = tpu.sem_alloc : memref<!tpu.dma_semaphore, #tpu.memory_space<semaphore_mem>>
      %dma_start3A = arith.constant 0 : i32
      %dma_start3A_95 = arith.constant 0 : i32
      %dma_start3A_96 = tpu.memref_slice %arg22[%dma_start3A, %dma_start3A_95] : memref<80x128xf32, #tpu.memory_space<vmem>> -> memref<80x128xf32, #tpu.memory_space<vmem>>
      %dma_start3A_97 = arith.constant 0 : i32
      %dma_start3A_98 = tpu.memref_slice %arg24[%add3A_9, %dma_start3A_97] : memref<10112x128xf32, #tpu.memory_space<vmem_shared>> -> memref<80x128xf32, #tpu.memory_space<vmem_shared>>
      %dma_start3A_99 = arith.constant 0 : i32
      %dma_start3A_100 = tpu.memref_slice %arg24[%add3A_9, %dma_start3A_99] : memref<10112x128xf32, #tpu.memory_space<vmem_shared>> -> memref<80x128xf32, #tpu.memory_space<vmem_shared>>
      %dma_start3A_101 = arith.constant 0 : i32
      %dma_start3A_102 = arith.constant 0 : i32
      %dma_start3A_103 = tpu.memref_slice %arg22[%dma_start3A_101, %dma_start3A_102] : memref<80x128xf32, #tpu.memory_space<vmem>> -> memref<80x128xf32, #tpu.memory_space<vmem>>
      tpu.enqueue_dma source(%dma_start3A_103 : memref<80x128xf32, #tpu.memory_space<vmem>>) target(%dma_start3A_100 : memref<80x128xf32, #tpu.memory_space<vmem_shared>>) target_semaphore(%run_scoped3A : memref<!tpu.dma_semaphore, #tpu.memory_space<semaphore_mem>>)
      %dma_wait3A = arith.constant 0 : i32
      %dma_wait3A_104 = arith.constant 0 : i32
      %dma_wait3A_105 = tpu.memref_slice %arg22[%dma_wait3A, %dma_wait3A_104] : memref<80x128xf32, #tpu.memory_space<vmem>> -> memref<80x128xf32, #tpu.memory_space<vmem>>
      %dma_wait3A_106 = arith.constant 0 : i32
      %dma_wait3A_107 = tpu.memref_slice %arg24[%add3A_9, %dma_wait3A_106] : memref<10112x128xf32, #tpu.memory_space<vmem_shared>> -> memref<80x128xf32, #tpu.memory_space<vmem_shared>>
      %dma_wait3A_108 = arith.constant 0 : i32
      %dma_wait3A_109 = tpu.memref_slice %arg24[%add3A_9, %dma_wait3A_108] : memref<10112x128xf32, #tpu.memory_space<vmem_shared>> -> memref<80x128xf32, #tpu.memory_space<vmem_shared>>
      %dma_wait3A_110 = arith.constant 0 : i32
      %dma_wait3A_111 = arith.constant 0 : i32
      %dma_wait3A_112 = tpu.memref_slice %arg22[%dma_wait3A_110, %dma_wait3A_111] : memref<80x128xf32, #tpu.memory_space<vmem>> -> memref<80x128xf32, #tpu.memory_space<vmem>>
      tpu.wait_dma2 semaphore(%run_scoped3A : memref<!tpu.dma_semaphore, #tpu.memory_space<semaphore_mem>>) src(%dma_wait3A_112 : memref<80x128xf32, #tpu.memory_space<vmem>>) dst(%dma_wait3A_109 : memref<80x128xf32, #tpu.memory_space<vmem_shared>>)
      tpu.yield
    }) : () -> ()
    %add3A_10 = arith.constant 0 : i32
    %add3A_11 = arith.addi %mul3A_2, %add3A_10 : i32
    "tpu.region"() ({
      %run_scoped3A = tpu.sem_alloc : memref<!tpu.dma_semaphore, #tpu.memory_space<semaphore_mem>>
      %dma_start3A = arith.constant 0 : i32
      %dma_start3A_95 = arith.constant 0 : i32
      %dma_start3A_96 = tpu.memref_slice %arg23[%dma_start3A, %dma_start3A_95] : memref<80x16xf32, #tpu.memory_space<vmem>> -> memref<80x16xf32, #tpu.memory_space<vmem>>
      %dma_start3A_97 = arith.constant 0 : i32
      %dma_start3A_98 = tpu.memref_slice %arg25[%add3A_11, %dma_start3A_97] : memref<10112x16xf32, #tpu.memory_space<vmem_shared>> -> memref<80x16xf32, #tpu.memory_space<vmem_shared>>
      %dma_start3A_99 = arith.constant 0 : i32
      %dma_start3A_100 = tpu.memref_slice %arg25[%add3A_11, %dma_start3A_99] : memref<10112x16xf32, #tpu.memory_space<vmem_shared>> -> memref<80x16xf32, #tpu.memory_space<vmem_shared>>
      %dma_start3A_101 = arith.constant 0 : i32
      %dma_start3A_102 = arith.constant 0 : i32
      %dma_start3A_103 = tpu.memref_slice %arg23[%dma_start3A_101, %dma_start3A_102] : memref<80x16xf32, #tpu.memory_space<vmem>> -> memref<80x16xf32, #tpu.memory_space<vmem>>
      tpu.enqueue_dma source(%dma_start3A_103 : memref<80x16xf32, #tpu.memory_space<vmem>>) target(%dma_start3A_100 : memref<80x16xf32, #tpu.memory_space<vmem_shared>>) target_semaphore(%run_scoped3A : memref<!tpu.dma_semaphore, #tpu.memory_space<semaphore_mem>>)
      %dma_wait3A = arith.constant 0 : i32
      %dma_wait3A_104 = arith.constant 0 : i32
      %dma_wait3A_105 = tpu.memref_slice %arg23[%dma_wait3A, %dma_wait3A_104] : memref<80x16xf32, #tpu.memory_space<vmem>> -> memref<80x16xf32, #tpu.memory_space<vmem>>
      %dma_wait3A_106 = arith.constant 0 : i32
      %dma_wait3A_107 = tpu.memref_slice %arg25[%add3A_11, %dma_wait3A_106] : memref<10112x16xf32, #tpu.memory_space<vmem_shared>> -> memref<80x16xf32, #tpu.memory_space<vmem_shared>>
      %dma_wait3A_108 = arith.constant 0 : i32
      %dma_wait3A_109 = tpu.memref_slice %arg25[%add3A_11, %dma_wait3A_108] : memref<10112x16xf32, #tpu.memory_space<vmem_shared>> -> memref<80x16xf32, #tpu.memory_space<vmem_shared>>
      %dma_wait3A_110 = arith.constant 0 : i32
      %dma_wait3A_111 = arith.constant 0 : i32
      %dma_wait3A_112 = tpu.memref_slice %arg23[%dma_wait3A_110, %dma_wait3A_111] : memref<80x16xf32, #tpu.memory_space<vmem>> -> memref<80x16xf32, #tpu.memory_space<vmem>>
      tpu.wait_dma2 semaphore(%run_scoped3A : memref<!tpu.dma_semaphore, #tpu.memory_space<semaphore_mem>>) src(%dma_wait3A_112 : memref<80x16xf32, #tpu.memory_space<vmem>>) dst(%dma_wait3A_109 : memref<80x16xf32, #tpu.memory_space<vmem_shared>>)
      tpu.yield
    }) : () -> ()
    %add3A_12 = arith.constant 80 : i32
    %add3A_13 = arith.addi %mul3A_2, %add3A_12 : i32
    "tpu.region"() ({
      %run_scoped3A = tpu.sem_alloc : memref<!tpu.dma_semaphore, #tpu.memory_space<semaphore_mem>>
      %dma_start3A = arith.constant 0 : i32
      %dma_start3A_95 = arith.constant 0 : i32
      %dma_start3A_96 = tpu.memref_slice %arg22[%dma_start3A, %dma_start3A_95] : memref<80x128xf32, #tpu.memory_space<vmem>> -> memref<80x128xf32, #tpu.memory_space<vmem>>
      %dma_start3A_97 = arith.constant 0 : i32
      %dma_start3A_98 = tpu.memref_slice %arg24[%add3A_13, %dma_start3A_97] : memref<10112x128xf32, #tpu.memory_space<vmem_shared>> -> memref<80x128xf32, #tpu.memory_space<vmem_shared>>
      %dma_start3A_99 = arith.constant 0 : i32
      %dma_start3A_100 = tpu.memref_slice %arg24[%add3A_13, %dma_start3A_99] : memref<10112x128xf32, #tpu.memory_space<vmem_shared>> -> memref<80x128xf32, #tpu.memory_space<vmem_shared>>
      %dma_start3A_101 = arith.constant 0 : i32
      %dma_start3A_102 = arith.constant 0 : i32
      %dma_start3A_103 = tpu.memref_slice %arg22[%dma_start3A_101, %dma_start3A_102] : memref<80x128xf32, #tpu.memory_space<vmem>> -> memref<80x128xf32, #tpu.memory_space<vmem>>
      tpu.enqueue_dma source(%dma_start3A_103 : memref<80x128xf32, #tpu.memory_space<vmem>>) target(%dma_start3A_100 : memref<80x128xf32, #tpu.memory_space<vmem_shared>>) target_semaphore(%run_scoped3A : memref<!tpu.dma_semaphore, #tpu.memory_space<semaphore_mem>>)
      %dma_wait3A = arith.constant 0 : i32
      %dma_wait3A_104 = arith.constant 0 : i32
      %dma_wait3A_105 = tpu.memref_slice %arg22[%dma_wait3A, %dma_wait3A_104] : memref<80x128xf32, #tpu.memory_space<vmem>> -> memref<80x128xf32, #tpu.memory_space<vmem>>
      %dma_wait3A_106 = arith.constant 0 : i32
      %dma_wait3A_107 = tpu.memref_slice %arg24[%add3A_13, %dma_wait3A_106] : memref<10112x128xf32, #tpu.memory_space<vmem_shared>> -> memref<80x128xf32, #tpu.memory_space<vmem_shared>>
      %dma_wait3A_108 = arith.constant 0 : i32
      %dma_wait3A_109 = tpu.memref_slice %arg24[%add3A_13, %dma_wait3A_108] : memref<10112x128xf32, #tpu.memory_space<vmem_shared>> -> memref<80x128xf32, #tpu.memory_space<vmem_shared>>
      %dma_wait3A_110 = arith.constant 0 : i32
      %dma_wait3A_111 = arith.constant 0 : i32
      %dma_wait3A_112 = tpu.memref_slice %arg22[%dma_wait3A_110, %dma_wait3A_111] : memref<80x128xf32, #tpu.memory_space<vmem>> -> memref<80x128xf32, #tpu.memory_space<vmem>>
      tpu.wait_dma2 semaphore(%run_scoped3A : memref<!tpu.dma_semaphore, #tpu.memory_space<semaphore_mem>>) src(%dma_wait3A_112 : memref<80x128xf32, #tpu.memory_space<vmem>>) dst(%dma_wait3A_109 : memref<80x128xf32, #tpu.memory_space<vmem_shared>>)
      tpu.yield
    }) : () -> ()
    %add3A_14 = arith.constant 80 : i32
    %add3A_15 = arith.addi %mul3A_2, %add3A_14 : i32
    "tpu.region"() ({
      %run_scoped3A = tpu.sem_alloc : memref<!tpu.dma_semaphore, #tpu.memory_space<semaphore_mem>>
      %dma_start3A = arith.constant 0 : i32
      %dma_start3A_95 = arith.constant 0 : i32
      %dma_start3A_96 = tpu.memref_slice %arg23[%dma_start3A, %dma_start3A_95] : memref<80x16xf32, #tpu.memory_space<vmem>> -> memref<80x16xf32, #tpu.memory_space<vmem>>
      %dma_start3A_97 = arith.constant 0 : i32
      %dma_start3A_98 = tpu.memref_slice %arg25[%add3A_15, %dma_start3A_97] : memref<10112x16xf32, #tpu.memory_space<vmem_shared>> -> memref<80x16xf32, #tpu.memory_space<vmem_shared>>
      %dma_start3A_99 = arith.constant 0 : i32
      %dma_start3A_100 = tpu.memref_slice %arg25[%add3A_15, %dma_start3A_99] : memref<10112x16xf32, #tpu.memory_space<vmem_shared>> -> memref<80x16xf32, #tpu.memory_space<vmem_shared>>
      %dma_start3A_101 = arith.constant 0 : i32
      %dma_start3A_102 = arith.constant 0 : i32
      %dma_start3A_103 = tpu.memref_slice %arg23[%dma_start3A_101, %dma_start3A_102] : memref<80x16xf32, #tpu.memory_space<vmem>> -> memref<80x16xf32, #tpu.memory_space<vmem>>
      tpu.enqueue_dma source(%dma_start3A_103 : memref<80x16xf32, #tpu.memory_space<vmem>>) target(%dma_start3A_100 : memref<80x16xf32, #tpu.memory_space<vmem_shared>>) target_semaphore(%run_scoped3A : memref<!tpu.dma_semaphore, #tpu.memory_space<semaphore_mem>>)
      %dma_wait3A = arith.constant 0 : i32
      %dma_wait3A_104 = arith.constant 0 : i32
      %dma_wait3A_105 = tpu.memref_slice %arg23[%dma_wait3A, %dma_wait3A_104] : memref<80x16xf32, #tpu.memory_space<vmem>> -> memref<80x16xf32, #tpu.memory_space<vmem>>
      %dma_wait3A_106 = arith.constant 0 : i32
      %dma_wait3A_107 = tpu.memref_slice %arg25[%add3A_15, %dma_wait3A_106] : memref<10112x16xf32, #tpu.memory_space<vmem_shared>> -> memref<80x16xf32, #tpu.memory_space<vmem_shared>>
      %dma_wait3A_108 = arith.constant 0 : i32
      %dma_wait3A_109 = tpu.memref_slice %arg25[%add3A_15, %dma_wait3A_108] : memref<10112x16xf32, #tpu.memory_space<vmem_shared>> -> memref<80x16xf32, #tpu.memory_space<vmem_shared>>
      %dma_wait3A_110 = arith.constant 0 : i32
      %dma_wait3A_111 = arith.constant 0 : i32
      %dma_wait3A_112 = tpu.memref_slice %arg23[%dma_wait3A_110, %dma_wait3A_111] : memref<80x16xf32, #tpu.memory_space<vmem>> -> memref<80x16xf32, #tpu.memory_space<vmem>>
      tpu.wait_dma2 semaphore(%run_scoped3A : memref<!tpu.dma_semaphore, #tpu.memory_space<semaphore_mem>>) src(%dma_wait3A_112 : memref<80x16xf32, #tpu.memory_space<vmem>>) dst(%dma_wait3A_109 : memref<80x16xf32, #tpu.memory_space<vmem_shared>>)
      tpu.yield
    }) : () -> ()
    %add3A_16 = arith.constant 160 : i32
    %add3A_17 = arith.addi %mul3A_2, %add3A_16 : i32
    "tpu.region"() ({
      %run_scoped3A = tpu.sem_alloc : memref<!tpu.dma_semaphore, #tpu.memory_space<semaphore_mem>>
      %dma_start3A = arith.constant 0 : i32
      %dma_start3A_95 = arith.constant 0 : i32
      %dma_start3A_96 = tpu.memref_slice %arg22[%dma_start3A, %dma_start3A_95] : memref<80x128xf32, #tpu.memory_space<vmem>> -> memref<80x128xf32, #tpu.memory_space<vmem>>
      %dma_start3A_97 = arith.constant 0 : i32
      %dma_start3A_98 = tpu.memref_slice %arg24[%add3A_17, %dma_start3A_97] : memref<10112x128xf32, #tpu.memory_space<vmem_shared>> -> memref<80x128xf32, #tpu.memory_space<vmem_shared>>
      %dma_start3A_99 = arith.constant 0 : i32
      %dma_start3A_100 = tpu.memref_slice %arg24[%add3A_17, %dma_start3A_99] : memref<10112x128xf32, #tpu.memory_space<vmem_shared>> -> memref<80x128xf32, #tpu.memory_space<vmem_shared>>
      %dma_start3A_101 = arith.constant 0 : i32
      %dma_start3A_102 = arith.constant 0 : i32
      %dma_start3A_103 = tpu.memref_slice %arg22[%dma_start3A_101, %dma_start3A_102] : memref<80x128xf32, #tpu.memory_space<vmem>> -> memref<80x128xf32, #tpu.memory_space<vmem>>
      tpu.enqueue_dma source(%dma_start3A_103 : memref<80x128xf32, #tpu.memory_space<vmem>>) target(%dma_start3A_100 : memref<80x128xf32, #tpu.memory_space<vmem_shared>>) target_semaphore(%run_scoped3A : memref<!tpu.dma_semaphore, #tpu.memory_space<semaphore_mem>>)
      %dma_wait3A = arith.constant 0 : i32
      %dma_wait3A_104 = arith.constant 0 : i32
      %dma_wait3A_105 = tpu.memref_slice %arg22[%dma_wait3A, %dma_wait3A_104] : memref<80x128xf32, #tpu.memory_space<vmem>> -> memref<80x128xf32, #tpu.memory_space<vmem>>
      %dma_wait3A_106 = arith.constant 0 : i32
      %dma_wait3A_107 = tpu.memref_slice %arg24[%add3A_17, %dma_wait3A_106] : memref<10112x128xf32, #tpu.memory_space<vmem_shared>> -> memref<80x128xf32, #tpu.memory_space<vmem_shared>>
      %dma_wait3A_108 = arith.constant 0 : i32
      %dma_wait3A_109 = tpu.memref_slice %arg24[%add3A_17, %dma_wait3A_108] : memref<10112x128xf32, #tpu.memory_space<vmem_shared>> -> memref<80x128xf32, #tpu.memory_space<vmem_shared>>
      %dma_wait3A_110 = arith.constant 0 : i32
      %dma_wait3A_111 = arith.constant 0 : i32
      %dma_wait3A_112 = tpu.memref_slice %arg22[%dma_wait3A_110, %dma_wait3A_111] : memref<80x128xf32, #tpu.memory_space<vmem>> -> memref<80x128xf32, #tpu.memory_space<vmem>>
      tpu.wait_dma2 semaphore(%run_scoped3A : memref<!tpu.dma_semaphore, #tpu.memory_space<semaphore_mem>>) src(%dma_wait3A_112 : memref<80x128xf32, #tpu.memory_space<vmem>>) dst(%dma_wait3A_109 : memref<80x128xf32, #tpu.memory_space<vmem_shared>>)
      tpu.yield
    }) : () -> ()
    %add3A_18 = arith.constant 160 : i32
    %add3A_19 = arith.addi %mul3A_2, %add3A_18 : i32
    "tpu.region"() ({
      %run_scoped3A = tpu.sem_alloc : memref<!tpu.dma_semaphore, #tpu.memory_space<semaphore_mem>>
      %dma_start3A = arith.constant 0 : i32
      %dma_start3A_95 = arith.constant 0 : i32
      %dma_start3A_96 = tpu.memref_slice %arg23[%dma_start3A, %dma_start3A_95] : memref<80x16xf32, #tpu.memory_space<vmem>> -> memref<80x16xf32, #tpu.memory_space<vmem>>
      %dma_start3A_97 = arith.constant 0 : i32
      %dma_start3A_98 = tpu.memref_slice %arg25[%add3A_19, %dma_start3A_97] : memref<10112x16xf32, #tpu.memory_space<vmem_shared>> -> memref<80x16xf32, #tpu.memory_space<vmem_shared>>
      %dma_start3A_99 = arith.constant 0 : i32
      %dma_start3A_100 = tpu.memref_slice %arg25[%add3A_19, %dma_start3A_99] : memref<10112x16xf32, #tpu.memory_space<vmem_shared>> -> memref<80x16xf32, #tpu.memory_space<vmem_shared>>
      %dma_start3A_101 = arith.constant 0 : i32
      %dma_start3A_102 = arith.constant 0 : i32
      %dma_start3A_103 = tpu.memref_slice %arg23[%dma_start3A_101, %dma_start3A_102] : memref<80x16xf32, #tpu.memory_space<vmem>> -> memref<80x16xf32, #tpu.memory_space<vmem>>
      tpu.enqueue_dma source(%dma_start3A_103 : memref<80x16xf32, #tpu.memory_space<vmem>>) target(%dma_start3A_100 : memref<80x16xf32, #tpu.memory_space<vmem_shared>>) target_semaphore(%run_scoped3A : memref<!tpu.dma_semaphore, #tpu.memory_space<semaphore_mem>>)
      %dma_wait3A = arith.constant 0 : i32
      %dma_wait3A_104 = arith.constant 0 : i32
      %dma_wait3A_105 = tpu.memref_slice %arg23[%dma_wait3A, %dma_wait3A_104] : memref<80x16xf32, #tpu.memory_space<vmem>> -> memref<80x16xf32, #tpu.memory_space<vmem>>
      %dma_wait3A_106 = arith.constant 0 : i32
      %dma_wait3A_107 = tpu.memref_slice %arg25[%add3A_19, %dma_wait3A_106] : memref<10112x16xf32, #tpu.memory_space<vmem_shared>> -> memref<80x16xf32, #tpu.memory_space<vmem_shared>>
      %dma_wait3A_108 = arith.constant 0 : i32
      %dma_wait3A_109 = tpu.memref_slice %arg25[%add3A_19, %dma_wait3A_108] : memref<10112x16xf32, #tpu.memory_space<vmem_shared>> -> memref<80x16xf32, #tpu.memory_space<vmem_shared>>
      %dma_wait3A_110 = arith.constant 0 : i32
      %dma_wait3A_111 = arith.constant 0 : i32
      %dma_wait3A_112 = tpu.memref_slice %arg23[%dma_wait3A_110, %dma_wait3A_111] : memref<80x16xf32, #tpu.memory_space<vmem>> -> memref<80x16xf32, #tpu.memory_space<vmem>>
      tpu.wait_dma2 semaphore(%run_scoped3A : memref<!tpu.dma_semaphore, #tpu.memory_space<semaphore_mem>>) src(%dma_wait3A_112 : memref<80x16xf32, #tpu.memory_space<vmem>>) dst(%dma_wait3A_109 : memref<80x16xf32, #tpu.memory_space<vmem_shared>>)
      tpu.yield
    }) : () -> ()
    %add3A_20 = arith.constant 240 : i32
    %add3A_21 = arith.addi %mul3A_2, %add3A_20 : i32
    "tpu.region"() ({
      %run_scoped3A = tpu.sem_alloc : memref<!tpu.dma_semaphore, #tpu.memory_space<semaphore_mem>>
      %dma_start3A = arith.constant 0 : i32
      %dma_start3A_95 = arith.constant 0 : i32
      %dma_start3A_96 = tpu.memref_slice %arg22[%dma_start3A, %dma_start3A_95] : memref<80x128xf32, #tpu.memory_space<vmem>> -> memref<80x128xf32, #tpu.memory_space<vmem>>
      %dma_start3A_97 = arith.constant 0 : i32
      %dma_start3A_98 = tpu.memref_slice %arg24[%add3A_21, %dma_start3A_97] : memref<10112x128xf32, #tpu.memory_space<vmem_shared>> -> memref<80x128xf32, #tpu.memory_space<vmem_shared>>
      %dma_start3A_99 = arith.constant 0 : i32
      %dma_start3A_100 = tpu.memref_slice %arg24[%add3A_21, %dma_start3A_99] : memref<10112x128xf32, #tpu.memory_space<vmem_shared>> -> memref<80x128xf32, #tpu.memory_space<vmem_shared>>
      %dma_start3A_101 = arith.constant 0 : i32
      %dma_start3A_102 = arith.constant 0 : i32
      %dma_start3A_103 = tpu.memref_slice %arg22[%dma_start3A_101, %dma_start3A_102] : memref<80x128xf32, #tpu.memory_space<vmem>> -> memref<80x128xf32, #tpu.memory_space<vmem>>
      tpu.enqueue_dma source(%dma_start3A_103 : memref<80x128xf32, #tpu.memory_space<vmem>>) target(%dma_start3A_100 : memref<80x128xf32, #tpu.memory_space<vmem_shared>>) target_semaphore(%run_scoped3A : memref<!tpu.dma_semaphore, #tpu.memory_space<semaphore_mem>>)
      %dma_wait3A = arith.constant 0 : i32
      %dma_wait3A_104 = arith.constant 0 : i32
      %dma_wait3A_105 = tpu.memref_slice %arg22[%dma_wait3A, %dma_wait3A_104] : memref<80x128xf32, #tpu.memory_space<vmem>> -> memref<80x128xf32, #tpu.memory_space<vmem>>
      %dma_wait3A_106 = arith.constant 0 : i32
      %dma_wait3A_107 = tpu.memref_slice %arg24[%add3A_21, %dma_wait3A_106] : memref<10112x128xf32, #tpu.memory_space<vmem_shared>> -> memref<80x128xf32, #tpu.memory_space<vmem_shared>>
      %dma_wait3A_108 = arith.constant 0 : i32
      %dma_wait3A_109 = tpu.memref_slice %arg24[%add3A_21, %dma_wait3A_108] : memref<10112x128xf32, #tpu.memory_space<vmem_shared>> -> memref<80x128xf32, #tpu.memory_space<vmem_shared>>
      %dma_wait3A_110 = arith.constant 0 : i32
      %dma_wait3A_111 = arith.constant 0 : i32
      %dma_wait3A_112 = tpu.memref_slice %arg22[%dma_wait3A_110, %dma_wait3A_111] : memref<80x128xf32, #tpu.memory_space<vmem>> -> memref<80x128xf32, #tpu.memory_space<vmem>>
      tpu.wait_dma2 semaphore(%run_scoped3A : memref<!tpu.dma_semaphore, #tpu.memory_space<semaphore_mem>>) src(%dma_wait3A_112 : memref<80x128xf32, #tpu.memory_space<vmem>>) dst(%dma_wait3A_109 : memref<80x128xf32, #tpu.memory_space<vmem_shared>>)
      tpu.yield
    }) : () -> ()
    %add3A_22 = arith.constant 240 : i32
    %add3A_23 = arith.addi %mul3A_2, %add3A_22 : i32
    "tpu.region"() ({
      %run_scoped3A = tpu.sem_alloc : memref<!tpu.dma_semaphore, #tpu.memory_space<semaphore_mem>>
      %dma_start3A = arith.constant 0 : i32
      %dma_start3A_95 = arith.constant 0 : i32
      %dma_start3A_96 = tpu.memref_slice %arg23[%dma_start3A, %dma_start3A_95] : memref<80x16xf32, #tpu.memory_space<vmem>> -> memref<80x16xf32, #tpu.memory_space<vmem>>
      %dma_start3A_97 = arith.constant 0 : i32
      %dma_start3A_98 = tpu.memref_slice %arg25[%add3A_23, %dma_start3A_97] : memref<10112x16xf32, #tpu.memory_space<vmem_shared>> -> memref<80x16xf32, #tpu.memory_space<vmem_shared>>
      %dma_start3A_99 = arith.constant 0 : i32
      %dma_start3A_100 = tpu.memref_slice %arg25[%add3A_23, %dma_start3A_99] : memref<10112x16xf32, #tpu.memory_space<vmem_shared>> -> memref<80x16xf32, #tpu.memory_space<vmem_shared>>
      %dma_start3A_101 = arith.constant 0 : i32
      %dma_start3A_102 = arith.constant 0 : i32
      %dma_start3A_103 = tpu.memref_slice %arg23[%dma_start3A_101, %dma_start3A_102] : memref<80x16xf32, #tpu.memory_space<vmem>> -> memref<80x16xf32, #tpu.memory_space<vmem>>
      tpu.enqueue_dma source(%dma_start3A_103 : memref<80x16xf32, #tpu.memory_space<vmem>>) target(%dma_start3A_100 : memref<80x16xf32, #tpu.memory_space<vmem_shared>>) target_semaphore(%run_scoped3A : memref<!tpu.dma_semaphore, #tpu.memory_space<semaphore_mem>>)
      %dma_wait3A = arith.constant 0 : i32
      %dma_wait3A_104 = arith.constant 0 : i32
      %dma_wait3A_105 = tpu.memref_slice %arg23[%dma_wait3A, %dma_wait3A_104] : memref<80x16xf32, #tpu.memory_space<vmem>> -> memref<80x16xf32, #tpu.memory_space<vmem>>
      %dma_wait3A_106 = arith.constant 0 : i32
      %dma_wait3A_107 = tpu.memref_slice %arg25[%add3A_23, %dma_wait3A_106] : memref<10112x16xf32, #tpu.memory_space<vmem_shared>> -> memref<80x16xf32, #tpu.memory_space<vmem_shared>>
      %dma_wait3A_108 = arith.constant 0 : i32
      %dma_wait3A_109 = tpu.memref_slice %arg25[%add3A_23, %dma_wait3A_108] : memref<10112x16xf32, #tpu.memory_space<vmem_shared>> -> memref<80x16xf32, #tpu.memory_space<vmem_shared>>
      %dma_wait3A_110 = arith.constant 0 : i32
      %dma_wait3A_111 = arith.constant 0 : i32
      %dma_wait3A_112 = tpu.memref_slice %arg23[%dma_wait3A_110, %dma_wait3A_111] : memref<80x16xf32, #tpu.memory_space<vmem>> -> memref<80x16xf32, #tpu.memory_space<vmem>>
      tpu.wait_dma2 semaphore(%run_scoped3A : memref<!tpu.dma_semaphore, #tpu.memory_space<semaphore_mem>>) src(%dma_wait3A_112 : memref<80x16xf32, #tpu.memory_space<vmem>>) dst(%dma_wait3A_109 : memref<80x16xf32, #tpu.memory_space<vmem_shared>>)
      tpu.yield
    }) : () -> ()
    %add3A_24 = arith.constant 320 : i32
    %add3A_25 = arith.addi %mul3A_2, %add3A_24 : i32
    "tpu.region"() ({
      %run_scoped3A = tpu.sem_alloc : memref<!tpu.dma_semaphore, #tpu.memory_space<semaphore_mem>>
      %dma_start3A = arith.constant 0 : i32
      %dma_start3A_95 = arith.constant 0 : i32
      %dma_start3A_96 = tpu.memref_slice %arg22[%dma_start3A, %dma_start3A_95] : memref<80x128xf32, #tpu.memory_space<vmem>> -> memref<80x128xf32, #tpu.memory_space<vmem>>
      %dma_start3A_97 = arith.constant 0 : i32
      %dma_start3A_98 = tpu.memref_slice %arg24[%add3A_25, %dma_start3A_97] : memref<10112x128xf32, #tpu.memory_space<vmem_shared>> -> memref<80x128xf32, #tpu.memory_space<vmem_shared>>
      %dma_start3A_99 = arith.constant 0 : i32
      %dma_start3A_100 = tpu.memref_slice %arg24[%add3A_25, %dma_start3A_99] : memref<10112x128xf32, #tpu.memory_space<vmem_shared>> -> memref<80x128xf32, #tpu.memory_space<vmem_shared>>
      %dma_start3A_101 = arith.constant 0 : i32
      %dma_start3A_102 = arith.constant 0 : i32
      %dma_start3A_103 = tpu.memref_slice %arg22[%dma_start3A_101, %dma_start3A_102] : memref<80x128xf32, #tpu.memory_space<vmem>> -> memref<80x128xf32, #tpu.memory_space<vmem>>
      tpu.enqueue_dma source(%dma_start3A_103 : memref<80x128xf32, #tpu.memory_space<vmem>>) target(%dma_start3A_100 : memref<80x128xf32, #tpu.memory_space<vmem_shared>>) target_semaphore(%run_scoped3A : memref<!tpu.dma_semaphore, #tpu.memory_space<semaphore_mem>>)
      %dma_wait3A = arith.constant 0 : i32
      %dma_wait3A_104 = arith.constant 0 : i32
      %dma_wait3A_105 = tpu.memref_slice %arg22[%dma_wait3A, %dma_wait3A_104] : memref<80x128xf32, #tpu.memory_space<vmem>> -> memref<80x128xf32, #tpu.memory_space<vmem>>
      %dma_wait3A_106 = arith.constant 0 : i32
      %dma_wait3A_107 = tpu.memref_slice %arg24[%add3A_25, %dma_wait3A_106] : memref<10112x128xf32, #tpu.memory_space<vmem_shared>> -> memref<80x128xf32, #tpu.memory_space<vmem_shared>>
      %dma_wait3A_108 = arith.constant 0 : i32
      %dma_wait3A_109 = tpu.memref_slice %arg24[%add3A_25, %dma_wait3A_108] : memref<10112x128xf32, #tpu.memory_space<vmem_shared>> -> memref<80x128xf32, #tpu.memory_space<vmem_shared>>
      %dma_wait3A_110 = arith.constant 0 : i32
      %dma_wait3A_111 = arith.constant 0 : i32
      %dma_wait3A_112 = tpu.memref_slice %arg22[%dma_wait3A_110, %dma_wait3A_111] : memref<80x128xf32, #tpu.memory_space<vmem>> -> memref<80x128xf32, #tpu.memory_space<vmem>>
      tpu.wait_dma2 semaphore(%run_scoped3A : memref<!tpu.dma_semaphore, #tpu.memory_space<semaphore_mem>>) src(%dma_wait3A_112 : memref<80x128xf32, #tpu.memory_space<vmem>>) dst(%dma_wait3A_109 : memref<80x128xf32, #tpu.memory_space<vmem_shared>>)
      tpu.yield
    }) : () -> ()
    %add3A_26 = arith.constant 320 : i32
    %add3A_27 = arith.addi %mul3A_2, %add3A_26 : i32
    "tpu.region"() ({
      %run_scoped3A = tpu.sem_alloc : memref<!tpu.dma_semaphore, #tpu.memory_space<semaphore_mem>>
      %dma_start3A = arith.constant 0 : i32
      %dma_start3A_95 = arith.constant 0 : i32
      %dma_start3A_96 = tpu.memref_slice %arg23[%dma_start3A, %dma_start3A_95] : memref<80x16xf32, #tpu.memory_space<vmem>> -> memref<80x16xf32, #tpu.memory_space<vmem>>
      %dma_start3A_97 = arith.constant 0 : i32
      %dma_start3A_98 = tpu.memref_slice %arg25[%add3A_27, %dma_start3A_97] : memref<10112x16xf32, #tpu.memory_space<vmem_shared>> -> memref<80x16xf32, #tpu.memory_space<vmem_shared>>
      %dma_start3A_99 = arith.constant 0 : i32
      %dma_start3A_100 = tpu.memref_slice %arg25[%add3A_27, %dma_start3A_99] : memref<10112x16xf32, #tpu.memory_space<vmem_shared>> -> memref<80x16xf32, #tpu.memory_space<vmem_shared>>
      %dma_start3A_101 = arith.constant 0 : i32
      %dma_start3A_102 = arith.constant 0 : i32
      %dma_start3A_103 = tpu.memref_slice %arg23[%dma_start3A_101, %dma_start3A_102] : memref<80x16xf32, #tpu.memory_space<vmem>> -> memref<80x16xf32, #tpu.memory_space<vmem>>
      tpu.enqueue_dma source(%dma_start3A_103 : memref<80x16xf32, #tpu.memory_space<vmem>>) target(%dma_start3A_100 : memref<80x16xf32, #tpu.memory_space<vmem_shared>>) target_semaphore(%run_scoped3A : memref<!tpu.dma_semaphore, #tpu.memory_space<semaphore_mem>>)
      %dma_wait3A = arith.constant 0 : i32
      %dma_wait3A_104 = arith.constant 0 : i32
      %dma_wait3A_105 = tpu.memref_slice %arg23[%dma_wait3A, %dma_wait3A_104] : memref<80x16xf32, #tpu.memory_space<vmem>> -> memref<80x16xf32, #tpu.memory_space<vmem>>
      %dma_wait3A_106 = arith.constant 0 : i32
      %dma_wait3A_107 = tpu.memref_slice %arg25[%add3A_27, %dma_wait3A_106] : memref<10112x16xf32, #tpu.memory_space<vmem_shared>> -> memref<80x16xf32, #tpu.memory_space<vmem_shared>>
      %dma_wait3A_108 = arith.constant 0 : i32
      %dma_wait3A_109 = tpu.memref_slice %arg25[%add3A_27, %dma_wait3A_108] : memref<10112x16xf32, #tpu.memory_space<vmem_shared>> -> memref<80x16xf32, #tpu.memory_space<vmem_shared>>
      %dma_wait3A_110 = arith.constant 0 : i32
      %dma_wait3A_111 = arith.constant 0 : i32
      %dma_wait3A_112 = tpu.memref_slice %arg23[%dma_wait3A_110, %dma_wait3A_111] : memref<80x16xf32, #tpu.memory_space<vmem>> -> memref<80x16xf32, #tpu.memory_space<vmem>>
      tpu.wait_dma2 semaphore(%run_scoped3A : memref<!tpu.dma_semaphore, #tpu.memory_space<semaphore_mem>>) src(%dma_wait3A_112 : memref<80x16xf32, #tpu.memory_space<vmem>>) dst(%dma_wait3A_109 : memref<80x16xf32, #tpu.memory_space<vmem_shared>>)
      tpu.yield
    }) : () -> ()
    %add3A_28 = arith.constant 400 : i32
    %add3A_29 = arith.addi %mul3A_2, %add3A_28 : i32
    "tpu.region"() ({
      %run_scoped3A = tpu.sem_alloc : memref<!tpu.dma_semaphore, #tpu.memory_space<semaphore_mem>>
      %dma_start3A = arith.constant 0 : i32
      %dma_start3A_95 = arith.constant 0 : i32
      %dma_start3A_96 = tpu.memref_slice %arg22[%dma_start3A, %dma_start3A_95] : memref<80x128xf32, #tpu.memory_space<vmem>> -> memref<80x128xf32, #tpu.memory_space<vmem>>
      %dma_start3A_97 = arith.constant 0 : i32
      %dma_start3A_98 = tpu.memref_slice %arg24[%add3A_29, %dma_start3A_97] : memref<10112x128xf32, #tpu.memory_space<vmem_shared>> -> memref<80x128xf32, #tpu.memory_space<vmem_shared>>
      %dma_start3A_99 = arith.constant 0 : i32
      %dma_start3A_100 = tpu.memref_slice %arg24[%add3A_29, %dma_start3A_99] : memref<10112x128xf32, #tpu.memory_space<vmem_shared>> -> memref<80x128xf32, #tpu.memory_space<vmem_shared>>
      %dma_start3A_101 = arith.constant 0 : i32
      %dma_start3A_102 = arith.constant 0 : i32
      %dma_start3A_103 = tpu.memref_slice %arg22[%dma_start3A_101, %dma_start3A_102] : memref<80x128xf32, #tpu.memory_space<vmem>> -> memref<80x128xf32, #tpu.memory_space<vmem>>
      tpu.enqueue_dma source(%dma_start3A_103 : memref<80x128xf32, #tpu.memory_space<vmem>>) target(%dma_start3A_100 : memref<80x128xf32, #tpu.memory_space<vmem_shared>>) target_semaphore(%run_scoped3A : memref<!tpu.dma_semaphore, #tpu.memory_space<semaphore_mem>>)
      %dma_wait3A = arith.constant 0 : i32
      %dma_wait3A_104 = arith.constant 0 : i32
      %dma_wait3A_105 = tpu.memref_slice %arg22[%dma_wait3A, %dma_wait3A_104] : memref<80x128xf32, #tpu.memory_space<vmem>> -> memref<80x128xf32, #tpu.memory_space<vmem>>
      %dma_wait3A_106 = arith.constant 0 : i32
      %dma_wait3A_107 = tpu.memref_slice %arg24[%add3A_29, %dma_wait3A_106] : memref<10112x128xf32, #tpu.memory_space<vmem_shared>> -> memref<80x128xf32, #tpu.memory_space<vmem_shared>>
      %dma_wait3A_108 = arith.constant 0 : i32
      %dma_wait3A_109 = tpu.memref_slice %arg24[%add3A_29, %dma_wait3A_108] : memref<10112x128xf32, #tpu.memory_space<vmem_shared>> -> memref<80x128xf32, #tpu.memory_space<vmem_shared>>
      %dma_wait3A_110 = arith.constant 0 : i32
      %dma_wait3A_111 = arith.constant 0 : i32
      %dma_wait3A_112 = tpu.memref_slice %arg22[%dma_wait3A_110, %dma_wait3A_111] : memref<80x128xf32, #tpu.memory_space<vmem>> -> memref<80x128xf32, #tpu.memory_space<vmem>>
      tpu.wait_dma2 semaphore(%run_scoped3A : memref<!tpu.dma_semaphore, #tpu.memory_space<semaphore_mem>>) src(%dma_wait3A_112 : memref<80x128xf32, #tpu.memory_space<vmem>>) dst(%dma_wait3A_109 : memref<80x128xf32, #tpu.memory_space<vmem_shared>>)
      tpu.yield
    }) : () -> ()
    %add3A_30 = arith.constant 400 : i32
    %add3A_31 = arith.addi %mul3A_2, %add3A_30 : i32
    "tpu.region"() ({
      %run_scoped3A = tpu.sem_alloc : memref<!tpu.dma_semaphore, #tpu.memory_space<semaphore_mem>>
      %dma_start3A = arith.constant 0 : i32
      %dma_start3A_95 = arith.constant 0 : i32
      %dma_start3A_96 = tpu.memref_slice %arg23[%dma_start3A, %dma_start3A_95] : memref<80x16xf32, #tpu.memory_space<vmem>> -> memref<80x16xf32, #tpu.memory_space<vmem>>
      %dma_start3A_97 = arith.constant 0 : i32
      %dma_start3A_98 = tpu.memref_slice %arg25[%add3A_31, %dma_start3A_97] : memref<10112x16xf32, #tpu.memory_space<vmem_shared>> -> memref<80x16xf32, #tpu.memory_space<vmem_shared>>
      %dma_start3A_99 = arith.constant 0 : i32
      %dma_start3A_100 = tpu.memref_slice %arg25[%add3A_31, %dma_start3A_99] : memref<10112x16xf32, #tpu.memory_space<vmem_shared>> -> memref<80x16xf32, #tpu.memory_space<vmem_shared>>
      %dma_start3A_101 = arith.constant 0 : i32
      %dma_start3A_102 = arith.constant 0 : i32
      %dma_start3A_103 = tpu.memref_slice %arg23[%dma_start3A_101, %dma_start3A_102] : memref<80x16xf32, #tpu.memory_space<vmem>> -> memref<80x16xf32, #tpu.memory_space<vmem>>
      tpu.enqueue_dma source(%dma_start3A_103 : memref<80x16xf32, #tpu.memory_space<vmem>>) target(%dma_start3A_100 : memref<80x16xf32, #tpu.memory_space<vmem_shared>>) target_semaphore(%run_scoped3A : memref<!tpu.dma_semaphore, #tpu.memory_space<semaphore_mem>>)
      %dma_wait3A = arith.constant 0 : i32
      %dma_wait3A_104 = arith.constant 0 : i32
      %dma_wait3A_105 = tpu.memref_slice %arg23[%dma_wait3A, %dma_wait3A_104] : memref<80x16xf32, #tpu.memory_space<vmem>> -> memref<80x16xf32, #tpu.memory_space<vmem>>
      %dma_wait3A_106 = arith.constant 0 : i32
      %dma_wait3A_107 = tpu.memref_slice %arg25[%add3A_31, %dma_wait3A_106] : memref<10112x16xf32, #tpu.memory_space<vmem_shared>> -> memref<80x16xf32, #tpu.memory_space<vmem_shared>>
      %dma_wait3A_108 = arith.constant 0 : i32
      %dma_wait3A_109 = tpu.memref_slice %arg25[%add3A_31, %dma_wait3A_108] : memref<10112x16xf32, #tpu.memory_space<vmem_shared>> -> memref<80x16xf32, #tpu.memory_space<vmem_shared>>
      %dma_wait3A_110 = arith.constant 0 : i32
      %dma_wait3A_111 = arith.constant 0 : i32
      %dma_wait3A_112 = tpu.memref_slice %arg23[%dma_wait3A_110, %dma_wait3A_111] : memref<80x16xf32, #tpu.memory_space<vmem>> -> memref<80x16xf32, #tpu.memory_space<vmem>>
      tpu.wait_dma2 semaphore(%run_scoped3A : memref<!tpu.dma_semaphore, #tpu.memory_space<semaphore_mem>>) src(%dma_wait3A_112 : memref<80x16xf32, #tpu.memory_space<vmem>>) dst(%dma_wait3A_109 : memref<80x16xf32, #tpu.memory_space<vmem_shared>>)
      tpu.yield
    }) : () -> ()
    %add3A_32 = arith.constant 480 : i32
    %add3A_33 = arith.addi %mul3A_2, %add3A_32 : i32
    "tpu.region"() ({
      %run_scoped3A = tpu.sem_alloc : memref<!tpu.dma_semaphore, #tpu.memory_space<semaphore_mem>>
      %dma_start3A = arith.constant 0 : i32
      %dma_start3A_95 = arith.constant 0 : i32
      %dma_start3A_96 = tpu.memref_slice %arg22[%dma_start3A, %dma_start3A_95] : memref<80x128xf32, #tpu.memory_space<vmem>> -> memref<80x128xf32, #tpu.memory_space<vmem>>
      %dma_start3A_97 = arith.constant 0 : i32
      %dma_start3A_98 = tpu.memref_slice %arg24[%add3A_33, %dma_start3A_97] : memref<10112x128xf32, #tpu.memory_space<vmem_shared>> -> memref<80x128xf32, #tpu.memory_space<vmem_shared>>
      %dma_start3A_99 = arith.constant 0 : i32
      %dma_start3A_100 = tpu.memref_slice %arg24[%add3A_33, %dma_start3A_99] : memref<10112x128xf32, #tpu.memory_space<vmem_shared>> -> memref<80x128xf32, #tpu.memory_space<vmem_shared>>
      %dma_start3A_101 = arith.constant 0 : i32
      %dma_start3A_102 = arith.constant 0 : i32
      %dma_start3A_103 = tpu.memref_slice %arg22[%dma_start3A_101, %dma_start3A_102] : memref<80x128xf32, #tpu.memory_space<vmem>> -> memref<80x128xf32, #tpu.memory_space<vmem>>
      tpu.enqueue_dma source(%dma_start3A_103 : memref<80x128xf32, #tpu.memory_space<vmem>>) target(%dma_start3A_100 : memref<80x128xf32, #tpu.memory_space<vmem_shared>>) target_semaphore(%run_scoped3A : memref<!tpu.dma_semaphore, #tpu.memory_space<semaphore_mem>>)
      %dma_wait3A = arith.constant 0 : i32
      %dma_wait3A_104 = arith.constant 0 : i32
      %dma_wait3A_105 = tpu.memref_slice %arg22[%dma_wait3A, %dma_wait3A_104] : memref<80x128xf32, #tpu.memory_space<vmem>> -> memref<80x128xf32, #tpu.memory_space<vmem>>
      %dma_wait3A_106 = arith.constant 0 : i32
      %dma_wait3A_107 = tpu.memref_slice %arg24[%add3A_33, %dma_wait3A_106] : memref<10112x128xf32, #tpu.memory_space<vmem_shared>> -> memref<80x128xf32, #tpu.memory_space<vmem_shared>>
      %dma_wait3A_108 = arith.constant 0 : i32
      %dma_wait3A_109 = tpu.memref_slice %arg24[%add3A_33, %dma_wait3A_108] : memref<10112x128xf32, #tpu.memory_space<vmem_shared>> -> memref<80x128xf32, #tpu.memory_space<vmem_shared>>
      %dma_wait3A_110 = arith.constant 0 : i32
      %dma_wait3A_111 = arith.constant 0 : i32
      %dma_wait3A_112 = tpu.memref_slice %arg22[%dma_wait3A_110, %dma_wait3A_111] : memref<80x128xf32, #tpu.memory_space<vmem>> -> memref<80x128xf32, #tpu.memory_space<vmem>>
      tpu.wait_dma2 semaphore(%run_scoped3A : memref<!tpu.dma_semaphore, #tpu.memory_space<semaphore_mem>>) src(%dma_wait3A_112 : memref<80x128xf32, #tpu.memory_space<vmem>>) dst(%dma_wait3A_109 : memref<80x128xf32, #tpu.memory_space<vmem_shared>>)
      tpu.yield
    }) : () -> ()
    %add3A_34 = arith.constant 480 : i32
    %add3A_35 = arith.addi %mul3A_2, %add3A_34 : i32
    "tpu.region"() ({
      %run_scoped3A = tpu.sem_alloc : memref<!tpu.dma_semaphore, #tpu.memory_space<semaphore_mem>>
      %dma_start3A = arith.constant 0 : i32
      %dma_start3A_95 = arith.constant 0 : i32
      %dma_start3A_96 = tpu.memref_slice %arg23[%dma_start3A, %dma_start3A_95] : memref<80x16xf32, #tpu.memory_space<vmem>> -> memref<80x16xf32, #tpu.memory_space<vmem>>
      %dma_start3A_97 = arith.constant 0 : i32
      %dma_start3A_98 = tpu.memref_slice %arg25[%add3A_35, %dma_start3A_97] : memref<10112x16xf32, #tpu.memory_space<vmem_shared>> -> memref<80x16xf32, #tpu.memory_space<vmem_shared>>
      %dma_start3A_99 = arith.constant 0 : i32
      %dma_start3A_100 = tpu.memref_slice %arg25[%add3A_35, %dma_start3A_99] : memref<10112x16xf32, #tpu.memory_space<vmem_shared>> -> memref<80x16xf32, #tpu.memory_space<vmem_shared>>
      %dma_start3A_101 = arith.constant 0 : i32
      %dma_start3A_102 = arith.constant 0 : i32
      %dma_start3A_103 = tpu.memref_slice %arg23[%dma_start3A_101, %dma_start3A_102] : memref<80x16xf32, #tpu.memory_space<vmem>> -> memref<80x16xf32, #tpu.memory_space<vmem>>
      tpu.enqueue_dma source(%dma_start3A_103 : memref<80x16xf32, #tpu.memory_space<vmem>>) target(%dma_start3A_100 : memref<80x16xf32, #tpu.memory_space<vmem_shared>>) target_semaphore(%run_scoped3A : memref<!tpu.dma_semaphore, #tpu.memory_space<semaphore_mem>>)
      %dma_wait3A = arith.constant 0 : i32
      %dma_wait3A_104 = arith.constant 0 : i32
      %dma_wait3A_105 = tpu.memref_slice %arg23[%dma_wait3A, %dma_wait3A_104] : memref<80x16xf32, #tpu.memory_space<vmem>> -> memref<80x16xf32, #tpu.memory_space<vmem>>
      %dma_wait3A_106 = arith.constant 0 : i32
      %dma_wait3A_107 = tpu.memref_slice %arg25[%add3A_35, %dma_wait3A_106] : memref<10112x16xf32, #tpu.memory_space<vmem_shared>> -> memref<80x16xf32, #tpu.memory_space<vmem_shared>>
      %dma_wait3A_108 = arith.constant 0 : i32
      %dma_wait3A_109 = tpu.memref_slice %arg25[%add3A_35, %dma_wait3A_108] : memref<10112x16xf32, #tpu.memory_space<vmem_shared>> -> memref<80x16xf32, #tpu.memory_space<vmem_shared>>
      %dma_wait3A_110 = arith.constant 0 : i32
      %dma_wait3A_111 = arith.constant 0 : i32
      %dma_wait3A_112 = tpu.memref_slice %arg23[%dma_wait3A_110, %dma_wait3A_111] : memref<80x16xf32, #tpu.memory_space<vmem>> -> memref<80x16xf32, #tpu.memory_space<vmem>>
      tpu.wait_dma2 semaphore(%run_scoped3A : memref<!tpu.dma_semaphore, #tpu.memory_space<semaphore_mem>>) src(%dma_wait3A_112 : memref<80x16xf32, #tpu.memory_space<vmem>>) dst(%dma_wait3A_109 : memref<80x16xf32, #tpu.memory_space<vmem_shared>>)
      tpu.yield
    }) : () -> ()
    %add3A_36 = arith.constant 560 : i32
    %add3A_37 = arith.addi %mul3A_2, %add3A_36 : i32
    "tpu.region"() ({
      %run_scoped3A = tpu.sem_alloc : memref<!tpu.dma_semaphore, #tpu.memory_space<semaphore_mem>>
      %dma_start3A = arith.constant 0 : i32
      %dma_start3A_95 = arith.constant 0 : i32
      %dma_start3A_96 = tpu.memref_slice %arg22[%dma_start3A, %dma_start3A_95] : memref<80x128xf32, #tpu.memory_space<vmem>> -> memref<72x128xf32, #tpu.memory_space<vmem>>
      %dma_start3A_97 = arith.constant 0 : i32
      %dma_start3A_98 = tpu.memref_slice %arg24[%add3A_37, %dma_start3A_97] : memref<10112x128xf32, #tpu.memory_space<vmem_shared>> -> memref<72x128xf32, #tpu.memory_space<vmem_shared>>
      %dma_start3A_99 = arith.constant 0 : i32
      %dma_start3A_100 = tpu.memref_slice %arg24[%add3A_37, %dma_start3A_99] : memref<10112x128xf32, #tpu.memory_space<vmem_shared>> -> memref<72x128xf32, #tpu.memory_space<vmem_shared>>
      %dma_start3A_101 = arith.constant 0 : i32
      %dma_start3A_102 = arith.constant 0 : i32
      %dma_start3A_103 = tpu.memref_slice %arg22[%dma_start3A_101, %dma_start3A_102] : memref<80x128xf32, #tpu.memory_space<vmem>> -> memref<72x128xf32, #tpu.memory_space<vmem>>
      tpu.enqueue_dma source(%dma_start3A_103 : memref<72x128xf32, #tpu.memory_space<vmem>>) target(%dma_start3A_100 : memref<72x128xf32, #tpu.memory_space<vmem_shared>>) target_semaphore(%run_scoped3A : memref<!tpu.dma_semaphore, #tpu.memory_space<semaphore_mem>>)
      %dma_wait3A = arith.constant 0 : i32
      %dma_wait3A_104 = arith.constant 0 : i32
      %dma_wait3A_105 = tpu.memref_slice %arg22[%dma_wait3A, %dma_wait3A_104] : memref<80x128xf32, #tpu.memory_space<vmem>> -> memref<72x128xf32, #tpu.memory_space<vmem>>
      %dma_wait3A_106 = arith.constant 0 : i32
      %dma_wait3A_107 = tpu.memref_slice %arg24[%add3A_37, %dma_wait3A_106] : memref<10112x128xf32, #tpu.memory_space<vmem_shared>> -> memref<72x128xf32, #tpu.memory_space<vmem_shared>>
      %dma_wait3A_108 = arith.constant 0 : i32
      %dma_wait3A_109 = tpu.memref_slice %arg24[%add3A_37, %dma_wait3A_108] : memref<10112x128xf32, #tpu.memory_space<vmem_shared>> -> memref<72x128xf32, #tpu.memory_space<vmem_shared>>
      %dma_wait3A_110 = arith.constant 0 : i32
      %dma_wait3A_111 = arith.constant 0 : i32
      %dma_wait3A_112 = tpu.memref_slice %arg22[%dma_wait3A_110, %dma_wait3A_111] : memref<80x128xf32, #tpu.memory_space<vmem>> -> memref<72x128xf32, #tpu.memory_space<vmem>>
      tpu.wait_dma2 semaphore(%run_scoped3A : memref<!tpu.dma_semaphore, #tpu.memory_space<semaphore_mem>>) src(%dma_wait3A_112 : memref<72x128xf32, #tpu.memory_space<vmem>>) dst(%dma_wait3A_109 : memref<72x128xf32, #tpu.memory_space<vmem_shared>>)
      tpu.yield
    }) : () -> ()
    %add3A_38 = arith.constant 560 : i32
    %add3A_39 = arith.addi %mul3A_2, %add3A_38 : i32
    "tpu.region"() ({
      %run_scoped3A = tpu.sem_alloc : memref<!tpu.dma_semaphore, #tpu.memory_space<semaphore_mem>>
      %dma_start3A = arith.constant 0 : i32
      %dma_start3A_95 = arith.constant 0 : i32
      %dma_start3A_96 = tpu.memref_slice %arg23[%dma_start3A, %dma_start3A_95] : memref<80x16xf32, #tpu.memory_space<vmem>> -> memref<72x16xf32, #tpu.memory_space<vmem>>
      %dma_start3A_97 = arith.constant 0 : i32
      %dma_start3A_98 = tpu.memref_slice %arg25[%add3A_39, %dma_start3A_97] : memref<10112x16xf32, #tpu.memory_space<vmem_shared>> -> memref<72x16xf32, #tpu.memory_space<vmem_shared>>
      %dma_start3A_99 = arith.constant 0 : i32
      %dma_start3A_100 = tpu.memref_slice %arg25[%add3A_39, %dma_start3A_99] : memref<10112x16xf32, #tpu.memory_space<vmem_shared>> -> memref<72x16xf32, #tpu.memory_space<vmem_shared>>
      %dma_start3A_101 = arith.constant 0 : i32
      %dma_start3A_102 = arith.constant 0 : i32
      %dma_start3A_103 = tpu.memref_slice %arg23[%dma_start3A_101, %dma_start3A_102] : memref<80x16xf32, #tpu.memory_space<vmem>> -> memref<72x16xf32, #tpu.memory_space<vmem>>
      tpu.enqueue_dma source(%dma_start3A_103 : memref<72x16xf32, #tpu.memory_space<vmem>>) target(%dma_start3A_100 : memref<72x16xf32, #tpu.memory_space<vmem_shared>>) target_semaphore(%run_scoped3A : memref<!tpu.dma_semaphore, #tpu.memory_space<semaphore_mem>>)
      %dma_wait3A = arith.constant 0 : i32
      %dma_wait3A_104 = arith.constant 0 : i32
      %dma_wait3A_105 = tpu.memref_slice %arg23[%dma_wait3A, %dma_wait3A_104] : memref<80x16xf32, #tpu.memory_space<vmem>> -> memref<72x16xf32, #tpu.memory_space<vmem>>
      %dma_wait3A_106 = arith.constant 0 : i32
      %dma_wait3A_107 = tpu.memref_slice %arg25[%add3A_39, %dma_wait3A_106] : memref<10112x16xf32, #tpu.memory_space<vmem_shared>> -> memref<72x16xf32, #tpu.memory_space<vmem_shared>>
      %dma_wait3A_108 = arith.constant 0 : i32
      %dma_wait3A_109 = tpu.memref_slice %arg25[%add3A_39, %dma_wait3A_108] : memref<10112x16xf32, #tpu.memory_space<vmem_shared>> -> memref<72x16xf32, #tpu.memory_space<vmem_shared>>
      %dma_wait3A_110 = arith.constant 0 : i32
      %dma_wait3A_111 = arith.constant 0 : i32
      %dma_wait3A_112 = tpu.memref_slice %arg23[%dma_wait3A_110, %dma_wait3A_111] : memref<80x16xf32, #tpu.memory_space<vmem>> -> memref<72x16xf32, #tpu.memory_space<vmem>>
      tpu.wait_dma2 semaphore(%run_scoped3A : memref<!tpu.dma_semaphore, #tpu.memory_space<semaphore_mem>>) src(%dma_wait3A_112 : memref<72x16xf32, #tpu.memory_space<vmem>>) dst(%dma_wait3A_109 : memref<72x16xf32, #tpu.memory_space<vmem_shared>>)
      tpu.yield
    }) : () -> ()
    %barrier3A = arith.constant 0 : index
    tpu.barrier barrier_id(%barrier3A)
    %scan3A_40 = arith.constant 0 : i32
    %scan3A_41 = arith.constant 0 : i32
    %scan3A_42 = arith.constant 125 : i32
    %scan3A_43 = arith.addi %scan3A_41, %scan3A_42 : i32
    %scan3A_44 = arith.constant 1 : i32
    scf.for %scan3A_95 = %scan3A_41 to %scan3A_43 step %scan3A_44  : i32 {
      %mul3A_96 = arith.constant 10000 : i32
      %mul3A_97 = arith.muli %add3A, %mul3A_96 : i32
      %mul3A_98 = arith.constant 80 : i32
      %mul3A_99 = arith.muli %scan3A_95, %mul3A_98 : i32
      %add3A_100 = arith.addi %mul3A_97, %mul3A_99 : i32
      %multiple_of3A = tpu.assume_multiple %add3A_100, 8 : i32
      "tpu.region"() ({
        %run_scoped3A = tpu.sem_alloc : memref<!tpu.dma_semaphore, #tpu.memory_space<semaphore_mem>>
        %dma_start3A_122 = tpu.memref_slice %arg8[%multiple_of3A] : memref<320000xi32, #tpu.memory_space<hbm>> -> memref<80xi32, #tpu.memory_space<hbm>>
        %dma_start3A_123 = tpu.memref_slice %arg8[%multiple_of3A] : memref<320000xi32, #tpu.memory_space<hbm>> -> memref<80xi32, #tpu.memory_space<hbm>>
        tpu.enqueue_dma source(%dma_start3A_123 : memref<80xi32, #tpu.memory_space<hbm>>) target(%arg16 : memref<80xi32, #tpu.memory_space<vmem>>) target_semaphore(%run_scoped3A : memref<!tpu.dma_semaphore, #tpu.memory_space<semaphore_mem>>)
        %dma_wait3A_124 = tpu.memref_slice %arg8[%multiple_of3A] : memref<320000xi32, #tpu.memory_space<hbm>> -> memref<80xi32, #tpu.memory_space<hbm>>
        %dma_wait3A_125 = tpu.memref_slice %arg8[%multiple_of3A] : memref<320000xi32, #tpu.memory_space<hbm>> -> memref<80xi32, #tpu.memory_space<hbm>>
        tpu.wait_dma2 semaphore(%run_scoped3A : memref<!tpu.dma_semaphore, #tpu.memory_space<semaphore_mem>>) src(%dma_wait3A_125 : memref<80xi32, #tpu.memory_space<hbm>>) dst(%arg16 : memref<80xi32, #tpu.memory_space<vmem>>)
        tpu.yield
      }) : () -> ()
      "tpu.region"() ({
        %run_scoped3A = tpu.sem_alloc : memref<!tpu.dma_semaphore, #tpu.memory_space<semaphore_mem>>
        %dma_start3A_122 = tpu.memref_slice %arg9[%multiple_of3A] : memref<320000xi32, #tpu.memory_space<hbm>> -> memref<80xi32, #tpu.memory_space<hbm>>
        %dma_start3A_123 = tpu.memref_slice %arg9[%multiple_of3A] : memref<320000xi32, #tpu.memory_space<hbm>> -> memref<80xi32, #tpu.memory_space<hbm>>
        tpu.enqueue_dma source(%dma_start3A_123 : memref<80xi32, #tpu.memory_space<hbm>>) target(%arg17 : memref<80xi32, #tpu.memory_space<vmem>>) target_semaphore(%run_scoped3A : memref<!tpu.dma_semaphore, #tpu.memory_space<semaphore_mem>>)
        %dma_wait3A_124 = tpu.memref_slice %arg9[%multiple_of3A] : memref<320000xi32, #tpu.memory_space<hbm>> -> memref<80xi32, #tpu.memory_space<hbm>>
        %dma_wait3A_125 = tpu.memref_slice %arg9[%multiple_of3A] : memref<320000xi32, #tpu.memory_space<hbm>> -> memref<80xi32, #tpu.memory_space<hbm>>
        tpu.wait_dma2 semaphore(%run_scoped3A : memref<!tpu.dma_semaphore, #tpu.memory_space<semaphore_mem>>) src(%dma_wait3A_125 : memref<80xi32, #tpu.memory_space<hbm>>) dst(%arg17 : memref<80xi32, #tpu.memory_space<vmem>>)
        tpu.yield
      }) : () -> ()
      %dma_start3A = arith.constant 0 : i32
      %dma_start3A_101 = arith.constant 0 : i32
      %dma_start3A_102 = tpu.memref_slice %arg2[%dma_start3A, %dma_start3A_101] : memref<10000x128xf32, #tpu.memory_space<hbm>> -> memref<10000x128xf32, #tpu.memory_space<hbm>>
      tpu.enqueue_indirect_dma source(%dma_start3A_102 : memref<10000x128xf32, #tpu.memory_space<hbm>>) target(%arg19 : memref<80x128xf32, #tpu.memory_space<vmem>>) offsets(%arg16 : memref<80xi32, #tpu.memory_space<vmem>>) semaphore(%arg27 : memref<!tpu.dma_semaphore, #tpu.memory_space<semaphore_mem>>)
      %dma_start3A_103 = arith.constant 0 : i32
      %dma_start3A_104 = arith.constant 0 : i32
      %dma_start3A_105 = tpu.memref_slice %arg4[%dma_start3A_103, %dma_start3A_104] : memref<10000x16xf32, #tpu.memory_space<hbm>> -> memref<10000x16xf32, #tpu.memory_space<hbm>>
      tpu.enqueue_indirect_dma source(%dma_start3A_105 : memref<10000x16xf32, #tpu.memory_space<hbm>>) target(%arg20 : memref<80x16xf32, #tpu.memory_space<vmem>>) offsets(%arg16 : memref<80xi32, #tpu.memory_space<vmem>>) semaphore(%arg26 : memref<!tpu.dma_semaphore, #tpu.memory_space<semaphore_mem>>)
      %dma_start3A_106 = arith.constant 0 : i32
      %dma_start3A_107 = arith.constant 0 : i32
      %dma_start3A_108 = tpu.memref_slice %arg5[%dma_start3A_106, %dma_start3A_107] : memref<10000x16xf32, #tpu.memory_space<hbm>> -> memref<10000x16xf32, #tpu.memory_space<hbm>>
      tpu.enqueue_indirect_dma source(%dma_start3A_108 : memref<10000x16xf32, #tpu.memory_space<hbm>>) target(%arg21 : memref<80x16xf32, #tpu.memory_space<vmem>>) offsets(%arg17 : memref<80xi32, #tpu.memory_space<vmem>>) semaphore(%arg26 : memref<!tpu.dma_semaphore, #tpu.memory_space<semaphore_mem>>)
      %dma_wait3A = arith.constant 0 : i32
      %dma_wait3A_109 = arith.constant 0 : i32
      %dma_wait3A_110 = tpu.memref_slice %arg4[%dma_wait3A, %dma_wait3A_109] : memref<10000x16xf32, #tpu.memory_space<hbm>> -> memref<10000x16xf32, #tpu.memory_space<hbm>>
      tpu.wait_indirect_dma semaphore(%arg26 : memref<!tpu.dma_semaphore, #tpu.memory_space<semaphore_mem>>) src(%dma_wait3A_110 : memref<10000x16xf32, #tpu.memory_space<hbm>>) dst(%arg20 : memref<80x16xf32, #tpu.memory_space<vmem>>)
      %dma_wait3A_111 = arith.constant 0 : i32
      %dma_wait3A_112 = arith.constant 0 : i32
      %dma_wait3A_113 = tpu.memref_slice %arg5[%dma_wait3A_111, %dma_wait3A_112] : memref<10000x16xf32, #tpu.memory_space<hbm>> -> memref<10000x16xf32, #tpu.memory_space<hbm>>
      tpu.wait_indirect_dma semaphore(%arg26 : memref<!tpu.dma_semaphore, #tpu.memory_space<semaphore_mem>>) src(%dma_wait3A_113 : memref<10000x16xf32, #tpu.memory_space<hbm>>) dst(%arg21 : memref<80x16xf32, #tpu.memory_space<vmem>>)
      %parallel_loop3A = arith.constant 0 : i32
      %parallel_loop3A_114 = arith.constant 80 : i32
      %parallel_loop3A_115 = arith.constant 1 : i32
      scf.for %parallel_loop3A_122 = %parallel_loop3A to %parallel_loop3A_114 step %parallel_loop3A_115  : i32 {
        %parallel_loop3A_123 = arith.index_cast %parallel_loop3A_122 : i32 to index
        %parallel_loop3A_124 = arith.constant 0 : index
        %parallel_loop3A_125 = tpu.vector_load %arg20[%parallel_loop3A_123, %parallel_loop3A_124] {strides = array<i32>} : memref<80x16xf32, #tpu.memory_space<vmem>>, vector<16xf32>,
        %parallel_loop3A_126 = arith.index_cast %parallel_loop3A_122 : i32 to index
        %parallel_loop3A_127 = arith.constant 0 : index
        %parallel_loop3A_128 = tpu.vector_load %arg21[%parallel_loop3A_126, %parallel_loop3A_127] {strides = array<i32>} : memref<80x16xf32, #tpu.memory_space<vmem>>, vector<16xf32>,
        %parallel_loop3A_129 = arith.addf %parallel_loop3A_125, %parallel_loop3A_128 : vector<16xf32>
        %parallel_loop3A_130 = arith.constant 2.000000e-01 : f32
        %parallel_loop3A_131 = vector.broadcast %parallel_loop3A_130 : f32 to vector<16xf32>
        %parallel_loop3A_132 = arith.mulf %parallel_loop3A_131, %parallel_loop3A_129 : vector<16xf32>
        %parallel_loop3A_133 = arith.maximumf %parallel_loop3A_129, %parallel_loop3A_132 : vector<16xf32>
        %parallel_loop3A_134 = math.exp %parallel_loop3A_133 : vector<16xf32>
        %parallel_loop3A_135 = arith.index_cast %parallel_loop3A_122 : i32 to index
        %parallel_loop3A_136 = arith.constant 0 : index
        %parallel_loop3A_137 = tpu.vector_load %arg23[%parallel_loop3A_135, %parallel_loop3A_136] {strides = array<i32>} : memref<80x16xf32, #tpu.memory_space<vmem>>, vector<16xf32>,
        tpu.vector_store %arg23[%parallel_loop3A_135, %parallel_loop3A_136], %parallel_loop3A_134 {strides = array<i32>} : memref<80x16xf32, #tpu.memory_space<vmem>>, vector<16xf32>,
      } {sc.loop_unroll_factor = 1 : i64, sc.parallel_access}
      %dma_wait3A_116 = arith.constant 0 : i32
      %dma_wait3A_117 = arith.constant 0 : i32
      %dma_wait3A_118 = tpu.memref_slice %arg2[%dma_wait3A_116, %dma_wait3A_117] : memref<10000x128xf32, #tpu.memory_space<hbm>> -> memref<10000x128xf32, #tpu.memory_space<hbm>>
      tpu.wait_indirect_dma semaphore(%arg27 : memref<!tpu.dma_semaphore, #tpu.memory_space<semaphore_mem>>) src(%dma_wait3A_118 : memref<10000x128xf32, #tpu.memory_space<hbm>>) dst(%arg19 : memref<80x128xf32, #tpu.memory_space<vmem>>)
      %parallel_loop3A_119 = arith.constant 0 : i32
      %parallel_loop3A_120 = arith.constant 80 : i32
      %parallel_loop3A_121 = arith.constant 1 : i32
      scf.for %parallel_loop3A_122 = %parallel_loop3A_119 to %parallel_loop3A_120 step %parallel_loop3A_121  : i32 {
        %parallel_loop3A_123 = arith.index_cast %parallel_loop3A_122 : i32 to index
        %parallel_loop3A_124 = arith.constant 0 : index
        %parallel_loop3A_125 = tpu.vector_load %arg23[%parallel_loop3A_123, %parallel_loop3A_124] {strides = array<i32>} : memref<80x16xf32, #tpu.memory_space<vmem>>, vector<16xf32>,
        %parallel_loop3A_126 = arith.index_cast %parallel_loop3A_122 : i32 to index
        %parallel_loop3A_127 = arith.constant 0 : index
        %parallel_loop3A_128 = tpu.vector_load %arg19[%parallel_loop3A_126, %parallel_loop3A_127] {strides = array<i32>} : memref<80x128xf32, #tpu.memory_space<vmem>>, vector<16xf32>,
        %parallel_loop3A_129 = arith.constant 0 : i32
        %parallel_loop3A_130 = vector.broadcast %parallel_loop3A_129 : i32 to vector<16x1xi32>
        %parallel_loop3A_131 = vector.shape_cast %parallel_loop3A_130 : vector<16x1xi32> to vector<16xi32>
        %parallel_loop3A_132 = tpu.dynamic_gather %parallel_loop3A_125[%parallel_loop3A_131] in [0] : vector<16xf32>, vector<16xi32> -> vector<16xf32>
        %parallel_loop3A_133 = arith.mulf %parallel_loop3A_128, %parallel_loop3A_132 : vector<16xf32>
        %parallel_loop3A_134 = arith.index_cast %parallel_loop3A_122 : i32 to index
        %parallel_loop3A_135 = arith.constant 0 : index
        %parallel_loop3A_136 = tpu.vector_load %arg22[%parallel_loop3A_134, %parallel_loop3A_135] {strides = array<i32>} : memref<80x128xf32, #tpu.memory_space<vmem>>, vector<16xf32>,
        tpu.vector_store %arg22[%parallel_loop3A_134, %parallel_loop3A_135], %parallel_loop3A_133 {strides = array<i32>} : memref<80x128xf32, #tpu.memory_space<vmem>>, vector<16xf32>,
        %parallel_loop3A_137 = arith.index_cast %parallel_loop3A_122 : i32 to index
        %parallel_loop3A_138 = arith.constant 16 : index
        %parallel_loop3A_139 = tpu.vector_load %arg19[%parallel_loop3A_137, %parallel_loop3A_138] {strides = array<i32>} : memref<80x128xf32, #tpu.memory_space<vmem>>, vector<16xf32>,
        %parallel_loop3A_140 = arith.constant 1 : i32
        %parallel_loop3A_141 = vector.broadcast %parallel_loop3A_140 : i32 to vector<16x1xi32>
        %parallel_loop3A_142 = vector.shape_cast %parallel_loop3A_141 : vector<16x1xi32> to vector<16xi32>
        %parallel_loop3A_143 = tpu.dynamic_gather %parallel_loop3A_125[%parallel_loop3A_142] in [0] : vector<16xf32>, vector<16xi32> -> vector<16xf32>
        %parallel_loop3A_144 = arith.mulf %parallel_loop3A_139, %parallel_loop3A_143 : vector<16xf32>
        %parallel_loop3A_145 = arith.index_cast %parallel_loop3A_122 : i32 to index
        %parallel_loop3A_146 = arith.constant 16 : index
        %parallel_loop3A_147 = tpu.vector_load %arg22[%parallel_loop3A_145, %parallel_loop3A_146] {strides = array<i32>} : memref<80x128xf32, #tpu.memory_space<vmem>>, vector<16xf32>,
        tpu.vector_store %arg22[%parallel_loop3A_145, %parallel_loop3A_146], %parallel_loop3A_144 {strides = array<i32>} : memref<80x128xf32, #tpu.memory_space<vmem>>, vector<16xf32>,
        %parallel_loop3A_148 = arith.index_cast %parallel_loop3A_122 : i32 to index
        %parallel_loop3A_149 = arith.constant 32 : index
        %parallel_loop3A_150 = tpu.vector_load %arg19[%parallel_loop3A_148, %parallel_loop3A_149] {strides = array<i32>} : memref<80x128xf32, #tpu.memory_space<vmem>>, vector<16xf32>,
        %parallel_loop3A_151 = arith.constant 2 : i32
        %parallel_loop3A_152 = vector.broadcast %parallel_loop3A_151 : i32 to vector<16x1xi32>
        %parallel_loop3A_153 = vector.shape_cast %parallel_loop3A_152 : vector<16x1xi32> to vector<16xi32>
        %parallel_loop3A_154 = tpu.dynamic_gather %parallel_loop3A_125[%parallel_loop3A_153] in [0] : vector<16xf32>, vector<16xi32> -> vector<16xf32>
        %parallel_loop3A_155 = arith.mulf %parallel_loop3A_150, %parallel_loop3A_154 : vector<16xf32>
        %parallel_loop3A_156 = arith.index_cast %parallel_loop3A_122 : i32 to index
        %parallel_loop3A_157 = arith.constant 32 : index
        %parallel_loop3A_158 = tpu.vector_load %arg22[%parallel_loop3A_156, %parallel_loop3A_157] {strides = array<i32>} : memref<80x128xf32, #tpu.memory_space<vmem>>, vector<16xf32>,
        tpu.vector_store %arg22[%parallel_loop3A_156, %parallel_loop3A_157], %parallel_loop3A_155 {strides = array<i32>} : memref<80x128xf32, #tpu.memory_space<vmem>>, vector<16xf32>,
        %parallel_loop3A_159 = arith.index_cast %parallel_loop3A_122 : i32 to index
        %parallel_loop3A_160 = arith.constant 48 : index
        %parallel_loop3A_161 = tpu.vector_load %arg19[%parallel_loop3A_159, %parallel_loop3A_160] {strides = array<i32>} : memref<80x128xf32, #tpu.memory_space<vmem>>, vector<16xf32>,
        %parallel_loop3A_162 = arith.constant 3 : i32
        %parallel_loop3A_163 = vector.broadcast %parallel_loop3A_162 : i32 to vector<16x1xi32>
        %parallel_loop3A_164 = vector.shape_cast %parallel_loop3A_163 : vector<16x1xi32> to vector<16xi32>
        %parallel_loop3A_165 = tpu.dynamic_gather %parallel_loop3A_125[%parallel_loop3A_164] in [0] : vector<16xf32>, vector<16xi32> -> vector<16xf32>
        %parallel_loop3A_166 = arith.mulf %parallel_loop3A_161, %parallel_loop3A_165 : vector<16xf32>
        %parallel_loop3A_167 = arith.index_cast %parallel_loop3A_122 : i32 to index
        %parallel_loop3A_168 = arith.constant 48 : index
        %parallel_loop3A_169 = tpu.vector_load %arg22[%parallel_loop3A_167, %parallel_loop3A_168] {strides = array<i32>} : memref<80x128xf32, #tpu.memory_space<vmem>>, vector<16xf32>,
        tpu.vector_store %arg22[%parallel_loop3A_167, %parallel_loop3A_168], %parallel_loop3A_166 {strides = array<i32>} : memref<80x128xf32, #tpu.memory_space<vmem>>, vector<16xf32>,
        %parallel_loop3A_170 = arith.index_cast %parallel_loop3A_122 : i32 to index
        %parallel_loop3A_171 = arith.constant 64 : index
        %parallel_loop3A_172 = tpu.vector_load %arg19[%parallel_loop3A_170, %parallel_loop3A_171] {strides = array<i32>} : memref<80x128xf32, #tpu.memory_space<vmem>>, vector<16xf32>,
        %parallel_loop3A_173 = arith.constant 4 : i32
        %parallel_loop3A_174 = vector.broadcast %parallel_loop3A_173 : i32 to vector<16x1xi32>
        %parallel_loop3A_175 = vector.shape_cast %parallel_loop3A_174 : vector<16x1xi32> to vector<16xi32>
        %parallel_loop3A_176 = tpu.dynamic_gather %parallel_loop3A_125[%parallel_loop3A_175] in [0] : vector<16xf32>, vector<16xi32> -> vector<16xf32>
        %parallel_loop3A_177 = arith.mulf %parallel_loop3A_172, %parallel_loop3A_176 : vector<16xf32>
        %parallel_loop3A_178 = arith.index_cast %parallel_loop3A_122 : i32 to index
        %parallel_loop3A_179 = arith.constant 64 : index
        %parallel_loop3A_180 = tpu.vector_load %arg22[%parallel_loop3A_178, %parallel_loop3A_179] {strides = array<i32>} : memref<80x128xf32, #tpu.memory_space<vmem>>, vector<16xf32>,
        tpu.vector_store %arg22[%parallel_loop3A_178, %parallel_loop3A_179], %parallel_loop3A_177 {strides = array<i32>} : memref<80x128xf32, #tpu.memory_space<vmem>>, vector<16xf32>,
        %parallel_loop3A_181 = arith.index_cast %parallel_loop3A_122 : i32 to index
        %parallel_loop3A_182 = arith.constant 80 : index
        %parallel_loop3A_183 = tpu.vector_load %arg19[%parallel_loop3A_181, %parallel_loop3A_182] {strides = array<i32>} : memref<80x128xf32, #tpu.memory_space<vmem>>, vector<16xf32>,
        %parallel_loop3A_184 = arith.constant 5 : i32
        %parallel_loop3A_185 = vector.broadcast %parallel_loop3A_184 : i32 to vector<16x1xi32>
        %parallel_loop3A_186 = vector.shape_cast %parallel_loop3A_185 : vector<16x1xi32> to vector<16xi32>
        %parallel_loop3A_187 = tpu.dynamic_gather %parallel_loop3A_125[%parallel_loop3A_186] in [0] : vector<16xf32>, vector<16xi32> -> vector<16xf32>
        %parallel_loop3A_188 = arith.mulf %parallel_loop3A_183, %parallel_loop3A_187 : vector<16xf32>
        %parallel_loop3A_189 = arith.index_cast %parallel_loop3A_122 : i32 to index
        %parallel_loop3A_190 = arith.constant 80 : index
        %parallel_loop3A_191 = tpu.vector_load %arg22[%parallel_loop3A_189, %parallel_loop3A_190] {strides = array<i32>} : memref<80x128xf32, #tpu.memory_space<vmem>>, vector<16xf32>,
        tpu.vector_store %arg22[%parallel_loop3A_189, %parallel_loop3A_190], %parallel_loop3A_188 {strides = array<i32>} : memref<80x128xf32, #tpu.memory_space<vmem>>, vector<16xf32>,
        %parallel_loop3A_192 = arith.index_cast %parallel_loop3A_122 : i32 to index
        %parallel_loop3A_193 = arith.constant 96 : index
        %parallel_loop3A_194 = tpu.vector_load %arg19[%parallel_loop3A_192, %parallel_loop3A_193] {strides = array<i32>} : memref<80x128xf32, #tpu.memory_space<vmem>>, vector<16xf32>,
        %parallel_loop3A_195 = arith.constant 6 : i32
        %parallel_loop3A_196 = vector.broadcast %parallel_loop3A_195 : i32 to vector<16x1xi32>
        %parallel_loop3A_197 = vector.shape_cast %parallel_loop3A_196 : vector<16x1xi32> to vector<16xi32>
        %parallel_loop3A_198 = tpu.dynamic_gather %parallel_loop3A_125[%parallel_loop3A_197] in [0] : vector<16xf32>, vector<16xi32> -> vector<16xf32>
        %parallel_loop3A_199 = arith.mulf %parallel_loop3A_194, %parallel_loop3A_198 : vector<16xf32>
        %parallel_loop3A_200 = arith.index_cast %parallel_loop3A_122 : i32 to index
        %parallel_loop3A_201 = arith.constant 96 : index
        %parallel_loop3A_202 = tpu.vector_load %arg22[%parallel_loop3A_200, %parallel_loop3A_201] {strides = array<i32>} : memref<80x128xf32, #tpu.memory_space<vmem>>, vector<16xf32>,
        tpu.vector_store %arg22[%parallel_loop3A_200, %parallel_loop3A_201], %parallel_loop3A_199 {strides = array<i32>} : memref<80x128xf32, #tpu.memory_space<vmem>>, vector<16xf32>,
        %parallel_loop3A_203 = arith.index_cast %parallel_loop3A_122 : i32 to index
        %parallel_loop3A_204 = arith.constant 112 : index
        %parallel_loop3A_205 = tpu.vector_load %arg19[%parallel_loop3A_203, %parallel_loop3A_204] {strides = array<i32>} : memref<80x128xf32, #tpu.memory_space<vmem>>, vector<16xf32>,
        %parallel_loop3A_206 = arith.constant 7 : i32
        %parallel_loop3A_207 = vector.broadcast %parallel_loop3A_206 : i32 to vector<16x1xi32>
        %parallel_loop3A_208 = vector.shape_cast %parallel_loop3A_207 : vector<16x1xi32> to vector<16xi32>
        %parallel_loop3A_209 = tpu.dynamic_gather %parallel_loop3A_125[%parallel_loop3A_208] in [0] : vector<16xf32>, vector<16xi32> -> vector<16xf32>
        %parallel_loop3A_210 = arith.mulf %parallel_loop3A_205, %parallel_loop3A_209 : vector<16xf32>
        %parallel_loop3A_211 = arith.index_cast %parallel_loop3A_122 : i32 to index
        %parallel_loop3A_212 = arith.constant 112 : index
        %parallel_loop3A_213 = tpu.vector_load %arg22[%parallel_loop3A_211, %parallel_loop3A_212] {strides = array<i32>} : memref<80x128xf32, #tpu.memory_space<vmem>>, vector<16xf32>,
        tpu.vector_store %arg22[%parallel_loop3A_211, %parallel_loop3A_212], %parallel_loop3A_210 {strides = array<i32>} : memref<80x128xf32, #tpu.memory_space<vmem>>, vector<16xf32>,
      } {sc.loop_unroll_factor = 4 : i64, sc.parallel_access}
      "tpu.region"() ({
        %run_scoped3A = tpu.sem_alloc : memref<!tpu.dma_semaphore, #tpu.memory_space<semaphore_mem>>
        %dma_start3A_122 = arith.constant 0 : i32
        %dma_start3A_123 = arith.constant 0 : i32
        %dma_start3A_124 = tpu.memref_slice %arg24[%dma_start3A_122, %dma_start3A_123] : memref<10112x128xf32, #tpu.memory_space<vmem_shared>> -> memref<10112x128xf32, #tpu.memory_space<vmem_shared>>
        tpu.enqueue_indirect_dma source(%arg22 : memref<80x128xf32, #tpu.memory_space<vmem>>) target(%dma_start3A_124 : memref<10112x128xf32, #tpu.memory_space<vmem_shared>>) offsets(%arg17 : memref<80xi32, #tpu.memory_space<vmem>>) semaphore(%run_scoped3A : memref<!tpu.dma_semaphore, #tpu.memory_space<semaphore_mem>>) {add = true}
        %dma_wait3A_125 = arith.constant 0 : i32
        %dma_wait3A_126 = arith.constant 0 : i32
        %dma_wait3A_127 = tpu.memref_slice %arg24[%dma_wait3A_125, %dma_wait3A_126] : memref<10112x128xf32, #tpu.memory_space<vmem_shared>> -> memref<10112x128xf32, #tpu.memory_space<vmem_shared>>
        tpu.wait_indirect_dma semaphore(%run_scoped3A : memref<!tpu.dma_semaphore, #tpu.memory_space<semaphore_mem>>) src(%arg22 : memref<80x128xf32, #tpu.memory_space<vmem>>) dst(%dma_wait3A_127 : memref<10112x128xf32, #tpu.memory_space<vmem_shared>>)
        tpu.yield
      }) : () -> ()
      "tpu.region"() ({
        %run_scoped3A = tpu.sem_alloc : memref<!tpu.dma_semaphore, #tpu.memory_space<semaphore_mem>>
        %dma_start3A_122 = arith.constant 0 : i32
        %dma_start3A_123 = arith.constant 0 : i32
        %dma_start3A_124 = tpu.memref_slice %arg25[%dma_start3A_122, %dma_start3A_123] : memref<10112x16xf32, #tpu.memory_space<vmem_shared>> -> memref<10112x16xf32, #tpu.memory_space<vmem_shared>>
        tpu.enqueue_indirect_dma source(%arg23 : memref<80x16xf32, #tpu.memory_space<vmem>>) target(%dma_start3A_124 : memref<10112x16xf32, #tpu.memory_space<vmem_shared>>) offsets(%arg17 : memref<80xi32, #tpu.memory_space<vmem>>) semaphore(%run_scoped3A : memref<!tpu.dma_semaphore, #tpu.memory_space<semaphore_mem>>) {add = true}
        %dma_wait3A_125 = arith.constant 0 : i32
        %dma_wait3A_126 = arith.constant 0 : i32
        %dma_wait3A_127 = tpu.memref_slice %arg25[%dma_wait3A_125, %dma_wait3A_126] : memref<10112x16xf32, #tpu.memory_space<vmem_shared>> -> memref<10112x16xf32, #tpu.memory_space<vmem_shared>>
        tpu.wait_indirect_dma semaphore(%run_scoped3A : memref<!tpu.dma_semaphore, #tpu.memory_space<semaphore_mem>>) src(%arg23 : memref<80x16xf32, #tpu.memory_space<vmem>>) dst(%dma_wait3A_127 : memref<10112x16xf32, #tpu.memory_space<vmem_shared>>)
        tpu.yield
      }) : () -> ()
    }
    %scan3A_45 = arith.constant 125 : i32
    %barrier3A_46 = arith.constant 0 : index
    tpu.barrier barrier_id(%barrier3A_46)
    "tpu.region"() ({
      %run_scoped3A = tpu.sem_alloc : memref<!tpu.dma_semaphore, #tpu.memory_space<semaphore_mem>>
      %dma_start3A = arith.constant 0 : i32
      %dma_start3A_95 = tpu.memref_slice %arg12[%arg0, %mul3A_2, %dma_start3A] : memref<2x10112x128xf32, #tpu.memory_space<hbm>> -> memref<1x632x128xf32, #tpu.memory_space<hbm>>
      %dma_start3A_96 = tpu.memref_squeeze %dma_start3A_95 : memref<1x632x128xf32, #tpu.memory_space<hbm>> -> memref<632x128xf32, #tpu.memory_space<hbm>>
      %dma_start3A_97 = arith.constant 0 : i32
      %dma_start3A_98 = tpu.memref_slice %arg24[%mul3A_2, %dma_start3A_97] : memref<10112x128xf32, #tpu.memory_space<vmem_shared>> -> memref<632x128xf32, #tpu.memory_space<vmem_shared>>
      tpu.enqueue_dma source(%dma_start3A_98 : memref<632x128xf32, #tpu.memory_space<vmem_shared>>) target(%dma_start3A_96 : memref<632x128xf32, #tpu.memory_space<hbm>>) target_semaphore(%run_scoped3A : memref<!tpu.dma_semaphore, #tpu.memory_space<semaphore_mem>>)
      %dma_wait3A = arith.constant 0 : i32
      %dma_wait3A_99 = tpu.memref_slice %arg12[%arg0, %mul3A_2, %dma_wait3A] : memref<2x10112x128xf32, #tpu.memory_space<hbm>> -> memref<1x632x128xf32, #tpu.memory_space<hbm>>
      %dma_wait3A_100 = tpu.memref_squeeze %dma_wait3A_99 : memref<1x632x128xf32, #tpu.memory_space<hbm>> -> memref<632x128xf32, #tpu.memory_space<hbm>>
      %dma_wait3A_101 = arith.constant 0 : i32
      %dma_wait3A_102 = tpu.memref_slice %arg24[%mul3A_2, %dma_wait3A_101] : memref<10112x128xf32, #tpu.memory_space<vmem_shared>> -> memref<632x128xf32, #tpu.memory_space<vmem_shared>>
      tpu.wait_dma2 semaphore(%run_scoped3A : memref<!tpu.dma_semaphore, #tpu.memory_space<semaphore_mem>>) src(%dma_wait3A_102 : memref<632x128xf32, #tpu.memory_space<vmem_shared>>) dst(%dma_wait3A_100 : memref<632x128xf32, #tpu.memory_space<hbm>>)
      tpu.yield
    }) : () -> ()
    "tpu.region"() ({
      %run_scoped3A = tpu.sem_alloc : memref<!tpu.dma_semaphore, #tpu.memory_space<semaphore_mem>>
      %dma_start3A = arith.constant 0 : i32
      %dma_start3A_95 = tpu.memref_slice %arg13[%arg0, %mul3A_2, %dma_start3A] : memref<2x10112x16xf32, #tpu.memory_space<hbm>> -> memref<1x632x16xf32, #tpu.memory_space<hbm>>
      %dma_start3A_96 = tpu.memref_squeeze %dma_start3A_95 : memref<1x632x16xf32, #tpu.memory_space<hbm>> -> memref<632x16xf32, #tpu.memory_space<hbm>>
      %dma_start3A_97 = arith.constant 0 : i32
      %dma_start3A_98 = tpu.memref_slice %arg25[%mul3A_2, %dma_start3A_97] : memref<10112x16xf32, #tpu.memory_space<vmem_shared>> -> memref<632x16xf32, #tpu.memory_space<vmem_shared>>
      tpu.enqueue_dma source(%dma_start3A_98 : memref<632x16xf32, #tpu.memory_space<vmem_shared>>) target(%dma_start3A_96 : memref<632x16xf32, #tpu.memory_space<hbm>>) target_semaphore(%run_scoped3A : memref<!tpu.dma_semaphore, #tpu.memory_space<semaphore_mem>>)
      %dma_wait3A = arith.constant 0 : i32
      %dma_wait3A_99 = tpu.memref_slice %arg13[%arg0, %mul3A_2, %dma_wait3A] : memref<2x10112x16xf32, #tpu.memory_space<hbm>> -> memref<1x632x16xf32, #tpu.memory_space<hbm>>
      %dma_wait3A_100 = tpu.memref_squeeze %dma_wait3A_99 : memref<1x632x16xf32, #tpu.memory_space<hbm>> -> memref<632x16xf32, #tpu.memory_space<hbm>>
      %dma_wait3A_101 = arith.constant 0 : i32
      %dma_wait3A_102 = tpu.memref_slice %arg25[%mul3A_2, %dma_wait3A_101] : memref<10112x16xf32, #tpu.memory_space<vmem_shared>> -> memref<632x16xf32, #tpu.memory_space<vmem_shared>>
      tpu.wait_dma2 semaphore(%run_scoped3A : memref<!tpu.dma_semaphore, #tpu.memory_space<semaphore_mem>>) src(%dma_wait3A_102 : memref<632x16xf32, #tpu.memory_space<vmem_shared>>) dst(%dma_wait3A_100 : memref<632x16xf32, #tpu.memory_space<hbm>>)
      tpu.yield
    }) : () -> ()
    %barrier3A_47 = arith.constant 0 : index
    tpu.barrier barrier_id(%barrier3A_47)
    %scan3A_48 = arith.constant 0 : i32
    %scan3A_49 = arith.constant 0 : i32
    %scan3A_50 = arith.constant 80 : i32
    %scan3A_51 = arith.addi %scan3A_49, %scan3A_50 : i32
    %scan3A_52 = arith.constant 1 : i32
    scf.for %scan3A_95 = %scan3A_49 to %scan3A_51 step %scan3A_52  : i32 {
      %broadcast_in_dim3A = arith.constant 0.000000e+00 : f32
      %broadcast_in_dim3A_96 = vector.broadcast %broadcast_in_dim3A : f32 to vector<16xf32>
      %swap3A = arith.index_cast %scan3A_95 : i32 to index
      %swap3A_97 = arith.constant 0 : index
      %swap3A_98 = tpu.vector_load %arg22[%swap3A, %swap3A_97] {strides = array<i32>} : memref<80x128xf32, #tpu.memory_space<vmem>>, vector<16xf32>,
      tpu.vector_store %arg22[%swap3A, %swap3A_97], %broadcast_in_dim3A_96 {strides = array<i32>} : memref<80x128xf32, #tpu.memory_space<vmem>>, vector<16xf32>,
      %swap3A_99 = arith.index_cast %scan3A_95 : i32 to index
      %swap3A_100 = arith.constant 16 : index
      %swap3A_101 = tpu.vector_load %arg22[%swap3A_99, %swap3A_100] {strides = array<i32>} : memref<80x128xf32, #tpu.memory_space<vmem>>, vector<16xf32>,
      tpu.vector_store %arg22[%swap3A_99, %swap3A_100], %broadcast_in_dim3A_96 {strides = array<i32>} : memref<80x128xf32, #tpu.memory_space<vmem>>, vector<16xf32>,
      %swap3A_102 = arith.index_cast %scan3A_95 : i32 to index
      %swap3A_103 = arith.constant 32 : index
      %swap3A_104 = tpu.vector_load %arg22[%swap3A_102, %swap3A_103] {strides = array<i32>} : memref<80x128xf32, #tpu.memory_space<vmem>>, vector<16xf32>,
      tpu.vector_store %arg22[%swap3A_102, %swap3A_103], %broadcast_in_dim3A_96 {strides = array<i32>} : memref<80x128xf32, #tpu.memory_space<vmem>>, vector<16xf32>,
      %swap3A_105 = arith.index_cast %scan3A_95 : i32 to index
      %swap3A_106 = arith.constant 48 : index
      %swap3A_107 = tpu.vector_load %arg22[%swap3A_105, %swap3A_106] {strides = array<i32>} : memref<80x128xf32, #tpu.memory_space<vmem>>, vector<16xf32>,
      tpu.vector_store %arg22[%swap3A_105, %swap3A_106], %broadcast_in_dim3A_96 {strides = array<i32>} : memref<80x128xf32, #tpu.memory_space<vmem>>, vector<16xf32>,
      %swap3A_108 = arith.index_cast %scan3A_95 : i32 to index
      %swap3A_109 = arith.constant 64 : index
      %swap3A_110 = tpu.vector_load %arg22[%swap3A_108, %swap3A_109] {strides = array<i32>} : memref<80x128xf32, #tpu.memory_space<vmem>>, vector<16xf32>,
      tpu.vector_store %arg22[%swap3A_108, %swap3A_109], %broadcast_in_dim3A_96 {strides = array<i32>} : memref<80x128xf32, #tpu.memory_space<vmem>>, vector<16xf32>,
      %swap3A_111 = arith.index_cast %scan3A_95 : i32 to index
      %swap3A_112 = arith.constant 80 : index
      %swap3A_113 = tpu.vector_load %arg22[%swap3A_111, %swap3A_112] {strides = array<i32>} : memref<80x128xf32, #tpu.memory_space<vmem>>, vector<16xf32>,
      tpu.vector_store %arg22[%swap3A_111, %swap3A_112], %broadcast_in_dim3A_96 {strides = array<i32>} : memref<80x128xf32, #tpu.memory_space<vmem>>, vector<16xf32>,
      %swap3A_114 = arith.index_cast %scan3A_95 : i32 to index
      %swap3A_115 = arith.constant 96 : index
      %swap3A_116 = tpu.vector_load %arg22[%swap3A_114, %swap3A_115] {strides = array<i32>} : memref<80x128xf32, #tpu.memory_space<vmem>>, vector<16xf32>,
      tpu.vector_store %arg22[%swap3A_114, %swap3A_115], %broadcast_in_dim3A_96 {strides = array<i32>} : memref<80x128xf32, #tpu.memory_space<vmem>>, vector<16xf32>,
      %swap3A_117 = arith.index_cast %scan3A_95 : i32 to index
      %swap3A_118 = arith.constant 112 : index
      %swap3A_119 = tpu.vector_load %arg22[%swap3A_117, %swap3A_118] {strides = array<i32>} : memref<80x128xf32, #tpu.memory_space<vmem>>, vector<16xf32>,
      tpu.vector_store %arg22[%swap3A_117, %swap3A_118], %broadcast_in_dim3A_96 {strides = array<i32>} : memref<80x128xf32, #tpu.memory_space<vmem>>, vector<16xf32>,
      %swap3A_120 = arith.index_cast %scan3A_95 : i32 to index
      %swap3A_121 = arith.constant 0 : index
      %swap3A_122 = tpu.vector_load %arg23[%swap3A_120, %swap3A_121] {strides = array<i32>} : memref<80x16xf32, #tpu.memory_space<vmem>>, vector<16xf32>,
      tpu.vector_store %arg23[%swap3A_120, %swap3A_121], %broadcast_in_dim3A_96 {strides = array<i32>} : memref<80x16xf32, #tpu.memory_space<vmem>>, vector<16xf32>,
    }
    %scan3A_53 = arith.constant 80 : i32
    %add3A_54 = arith.constant 0 : i32
    %add3A_55 = arith.addi %mul3A_2, %add3A_54 : i32
    "tpu.region"() ({
      %run_scoped3A = tpu.sem_alloc : memref<!tpu.dma_semaphore, #tpu.memory_space<semaphore_mem>>
      %dma_start3A = arith.constant 0 : i32
      %dma_start3A_95 = arith.constant 0 : i32
      %dma_start3A_96 = tpu.memref_slice %arg22[%dma_start3A, %dma_start3A_95] : memref<80x128xf32, #tpu.memory_space<vmem>> -> memref<80x128xf32, #tpu.memory_space<vmem>>
      %dma_start3A_97 = arith.constant 0 : i32
      %dma_start3A_98 = tpu.memref_slice %arg24[%add3A_55, %dma_start3A_97] : memref<10112x128xf32, #tpu.memory_space<vmem_shared>> -> memref<80x128xf32, #tpu.memory_space<vmem_shared>>
      %dma_start3A_99 = arith.constant 0 : i32
      %dma_start3A_100 = tpu.memref_slice %arg24[%add3A_55, %dma_start3A_99] : memref<10112x128xf32, #tpu.memory_space<vmem_shared>> -> memref<80x128xf32, #tpu.memory_space<vmem_shared>>
      %dma_start3A_101 = arith.constant 0 : i32
      %dma_start3A_102 = arith.constant 0 : i32
      %dma_start3A_103 = tpu.memref_slice %arg22[%dma_start3A_101, %dma_start3A_102] : memref<80x128xf32, #tpu.memory_space<vmem>> -> memref<80x128xf32, #tpu.memory_space<vmem>>
      tpu.enqueue_dma source(%dma_start3A_103 : memref<80x128xf32, #tpu.memory_space<vmem>>) target(%dma_start3A_100 : memref<80x128xf32, #tpu.memory_space<vmem_shared>>) target_semaphore(%run_scoped3A : memref<!tpu.dma_semaphore, #tpu.memory_space<semaphore_mem>>)
      %dma_wait3A = arith.constant 0 : i32
      %dma_wait3A_104 = arith.constant 0 : i32
      %dma_wait3A_105 = tpu.memref_slice %arg22[%dma_wait3A, %dma_wait3A_104] : memref<80x128xf32, #tpu.memory_space<vmem>> -> memref<80x128xf32, #tpu.memory_space<vmem>>
      %dma_wait3A_106 = arith.constant 0 : i32
      %dma_wait3A_107 = tpu.memref_slice %arg24[%add3A_55, %dma_wait3A_106] : memref<10112x128xf32, #tpu.memory_space<vmem_shared>> -> memref<80x128xf32, #tpu.memory_space<vmem_shared>>
      %dma_wait3A_108 = arith.constant 0 : i32
      %dma_wait3A_109 = tpu.memref_slice %arg24[%add3A_55, %dma_wait3A_108] : memref<10112x128xf32, #tpu.memory_space<vmem_shared>> -> memref<80x128xf32, #tpu.memory_space<vmem_shared>>
      %dma_wait3A_110 = arith.constant 0 : i32
      %dma_wait3A_111 = arith.constant 0 : i32
      %dma_wait3A_112 = tpu.memref_slice %arg22[%dma_wait3A_110, %dma_wait3A_111] : memref<80x128xf32, #tpu.memory_space<vmem>> -> memref<80x128xf32, #tpu.memory_space<vmem>>
      tpu.wait_dma2 semaphore(%run_scoped3A : memref<!tpu.dma_semaphore, #tpu.memory_space<semaphore_mem>>) src(%dma_wait3A_112 : memref<80x128xf32, #tpu.memory_space<vmem>>) dst(%dma_wait3A_109 : memref<80x128xf32, #tpu.memory_space<vmem_shared>>)
      tpu.yield
    }) : () -> ()
    %add3A_56 = arith.constant 0 : i32
    %add3A_57 = arith.addi %mul3A_2, %add3A_56 : i32
    "tpu.region"() ({
      %run_scoped3A = tpu.sem_alloc : memref<!tpu.dma_semaphore, #tpu.memory_space<semaphore_mem>>
      %dma_start3A = arith.constant 0 : i32
      %dma_start3A_95 = arith.constant 0 : i32
      %dma_start3A_96 = tpu.memref_slice %arg23[%dma_start3A, %dma_start3A_95] : memref<80x16xf32, #tpu.memory_space<vmem>> -> memref<80x16xf32, #tpu.memory_space<vmem>>
      %dma_start3A_97 = arith.constant 0 : i32
      %dma_start3A_98 = tpu.memref_slice %arg25[%add3A_57, %dma_start3A_97] : memref<10112x16xf32, #tpu.memory_space<vmem_shared>> -> memref<80x16xf32, #tpu.memory_space<vmem_shared>>
      %dma_start3A_99 = arith.constant 0 : i32
      %dma_start3A_100 = tpu.memref_slice %arg25[%add3A_57, %dma_start3A_99] : memref<10112x16xf32, #tpu.memory_space<vmem_shared>> -> memref<80x16xf32, #tpu.memory_space<vmem_shared>>
      %dma_start3A_101 = arith.constant 0 : i32
      %dma_start3A_102 = arith.constant 0 : i32
      %dma_start3A_103 = tpu.memref_slice %arg23[%dma_start3A_101, %dma_start3A_102] : memref<80x16xf32, #tpu.memory_space<vmem>> -> memref<80x16xf32, #tpu.memory_space<vmem>>
      tpu.enqueue_dma source(%dma_start3A_103 : memref<80x16xf32, #tpu.memory_space<vmem>>) target(%dma_start3A_100 : memref<80x16xf32, #tpu.memory_space<vmem_shared>>) target_semaphore(%run_scoped3A : memref<!tpu.dma_semaphore, #tpu.memory_space<semaphore_mem>>)
      %dma_wait3A = arith.constant 0 : i32
      %dma_wait3A_104 = arith.constant 0 : i32
      %dma_wait3A_105 = tpu.memref_slice %arg23[%dma_wait3A, %dma_wait3A_104] : memref<80x16xf32, #tpu.memory_space<vmem>> -> memref<80x16xf32, #tpu.memory_space<vmem>>
      %dma_wait3A_106 = arith.constant 0 : i32
      %dma_wait3A_107 = tpu.memref_slice %arg25[%add3A_57, %dma_wait3A_106] : memref<10112x16xf32, #tpu.memory_space<vmem_shared>> -> memref<80x16xf32, #tpu.memory_space<vmem_shared>>
      %dma_wait3A_108 = arith.constant 0 : i32
      %dma_wait3A_109 = tpu.memref_slice %arg25[%add3A_57, %dma_wait3A_108] : memref<10112x16xf32, #tpu.memory_space<vmem_shared>> -> memref<80x16xf32, #tpu.memory_space<vmem_shared>>
      %dma_wait3A_110 = arith.constant 0 : i32
      %dma_wait3A_111 = arith.constant 0 : i32
      %dma_wait3A_112 = tpu.memref_slice %arg23[%dma_wait3A_110, %dma_wait3A_111] : memref<80x16xf32, #tpu.memory_space<vmem>> -> memref<80x16xf32, #tpu.memory_space<vmem>>
      tpu.wait_dma2 semaphore(%run_scoped3A : memref<!tpu.dma_semaphore, #tpu.memory_space<semaphore_mem>>) src(%dma_wait3A_112 : memref<80x16xf32, #tpu.memory_space<vmem>>) dst(%dma_wait3A_109 : memref<80x16xf32, #tpu.memory_space<vmem_shared>>)
      tpu.yield
    }) : () -> ()
    %add3A_58 = arith.constant 80 : i32
    %add3A_59 = arith.addi %mul3A_2, %add3A_58 : i32
    "tpu.region"() ({
      %run_scoped3A = tpu.sem_alloc : memref<!tpu.dma_semaphore, #tpu.memory_space<semaphore_mem>>
      %dma_start3A = arith.constant 0 : i32
      %dma_start3A_95 = arith.constant 0 : i32
      %dma_start3A_96 = tpu.memref_slice %arg22[%dma_start3A, %dma_start3A_95] : memref<80x128xf32, #tpu.memory_space<vmem>> -> memref<80x128xf32, #tpu.memory_space<vmem>>
      %dma_start3A_97 = arith.constant 0 : i32
      %dma_start3A_98 = tpu.memref_slice %arg24[%add3A_59, %dma_start3A_97] : memref<10112x128xf32, #tpu.memory_space<vmem_shared>> -> memref<80x128xf32, #tpu.memory_space<vmem_shared>>
      %dma_start3A_99 = arith.constant 0 : i32
      %dma_start3A_100 = tpu.memref_slice %arg24[%add3A_59, %dma_start3A_99] : memref<10112x128xf32, #tpu.memory_space<vmem_shared>> -> memref<80x128xf32, #tpu.memory_space<vmem_shared>>
      %dma_start3A_101 = arith.constant 0 : i32
      %dma_start3A_102 = arith.constant 0 : i32
      %dma_start3A_103 = tpu.memref_slice %arg22[%dma_start3A_101, %dma_start3A_102] : memref<80x128xf32, #tpu.memory_space<vmem>> -> memref<80x128xf32, #tpu.memory_space<vmem>>
      tpu.enqueue_dma source(%dma_start3A_103 : memref<80x128xf32, #tpu.memory_space<vmem>>) target(%dma_start3A_100 : memref<80x128xf32, #tpu.memory_space<vmem_shared>>) target_semaphore(%run_scoped3A : memref<!tpu.dma_semaphore, #tpu.memory_space<semaphore_mem>>)
      %dma_wait3A = arith.constant 0 : i32
      %dma_wait3A_104 = arith.constant 0 : i32
      %dma_wait3A_105 = tpu.memref_slice %arg22[%dma_wait3A, %dma_wait3A_104] : memref<80x128xf32, #tpu.memory_space<vmem>> -> memref<80x128xf32, #tpu.memory_space<vmem>>
      %dma_wait3A_106 = arith.constant 0 : i32
      %dma_wait3A_107 = tpu.memref_slice %arg24[%add3A_59, %dma_wait3A_106] : memref<10112x128xf32, #tpu.memory_space<vmem_shared>> -> memref<80x128xf32, #tpu.memory_space<vmem_shared>>
      %dma_wait3A_108 = arith.constant 0 : i32
      %dma_wait3A_109 = tpu.memref_slice %arg24[%add3A_59, %dma_wait3A_108] : memref<10112x128xf32, #tpu.memory_space<vmem_shared>> -> memref<80x128xf32, #tpu.memory_space<vmem_shared>>
      %dma_wait3A_110 = arith.constant 0 : i32
      %dma_wait3A_111 = arith.constant 0 : i32
      %dma_wait3A_112 = tpu.memref_slice %arg22[%dma_wait3A_110, %dma_wait3A_111] : memref<80x128xf32, #tpu.memory_space<vmem>> -> memref<80x128xf32, #tpu.memory_space<vmem>>
      tpu.wait_dma2 semaphore(%run_scoped3A : memref<!tpu.dma_semaphore, #tpu.memory_space<semaphore_mem>>) src(%dma_wait3A_112 : memref<80x128xf32, #tpu.memory_space<vmem>>) dst(%dma_wait3A_109 : memref<80x128xf32, #tpu.memory_space<vmem_shared>>)
      tpu.yield
    }) : () -> ()
    %add3A_60 = arith.constant 80 : i32
    %add3A_61 = arith.addi %mul3A_2, %add3A_60 : i32
    "tpu.region"() ({
      %run_scoped3A = tpu.sem_alloc : memref<!tpu.dma_semaphore, #tpu.memory_space<semaphore_mem>>
      %dma_start3A = arith.constant 0 : i32
      %dma_start3A_95 = arith.constant 0 : i32
      %dma_start3A_96 = tpu.memref_slice %arg23[%dma_start3A, %dma_start3A_95] : memref<80x16xf32, #tpu.memory_space<vmem>> -> memref<80x16xf32, #tpu.memory_space<vmem>>
      %dma_start3A_97 = arith.constant 0 : i32
      %dma_start3A_98 = tpu.memref_slice %arg25[%add3A_61, %dma_start3A_97] : memref<10112x16xf32, #tpu.memory_space<vmem_shared>> -> memref<80x16xf32, #tpu.memory_space<vmem_shared>>
      %dma_start3A_99 = arith.constant 0 : i32
      %dma_start3A_100 = tpu.memref_slice %arg25[%add3A_61, %dma_start3A_99] : memref<10112x16xf32, #tpu.memory_space<vmem_shared>> -> memref<80x16xf32, #tpu.memory_space<vmem_shared>>
      %dma_start3A_101 = arith.constant 0 : i32
      %dma_start3A_102 = arith.constant 0 : i32
      %dma_start3A_103 = tpu.memref_slice %arg23[%dma_start3A_101, %dma_start3A_102] : memref<80x16xf32, #tpu.memory_space<vmem>> -> memref<80x16xf32, #tpu.memory_space<vmem>>
      tpu.enqueue_dma source(%dma_start3A_103 : memref<80x16xf32, #tpu.memory_space<vmem>>) target(%dma_start3A_100 : memref<80x16xf32, #tpu.memory_space<vmem_shared>>) target_semaphore(%run_scoped3A : memref<!tpu.dma_semaphore, #tpu.memory_space<semaphore_mem>>)
      %dma_wait3A = arith.constant 0 : i32
      %dma_wait3A_104 = arith.constant 0 : i32
      %dma_wait3A_105 = tpu.memref_slice %arg23[%dma_wait3A, %dma_wait3A_104] : memref<80x16xf32, #tpu.memory_space<vmem>> -> memref<80x16xf32, #tpu.memory_space<vmem>>
      %dma_wait3A_106 = arith.constant 0 : i32
      %dma_wait3A_107 = tpu.memref_slice %arg25[%add3A_61, %dma_wait3A_106] : memref<10112x16xf32, #tpu.memory_space<vmem_shared>> -> memref<80x16xf32, #tpu.memory_space<vmem_shared>>
      %dma_wait3A_108 = arith.constant 0 : i32
      %dma_wait3A_109 = tpu.memref_slice %arg25[%add3A_61, %dma_wait3A_108] : memref<10112x16xf32, #tpu.memory_space<vmem_shared>> -> memref<80x16xf32, #tpu.memory_space<vmem_shared>>
      %dma_wait3A_110 = arith.constant 0 : i32
      %dma_wait3A_111 = arith.constant 0 : i32
      %dma_wait3A_112 = tpu.memref_slice %arg23[%dma_wait3A_110, %dma_wait3A_111] : memref<80x16xf32, #tpu.memory_space<vmem>> -> memref<80x16xf32, #tpu.memory_space<vmem>>
      tpu.wait_dma2 semaphore(%run_scoped3A : memref<!tpu.dma_semaphore, #tpu.memory_space<semaphore_mem>>) src(%dma_wait3A_112 : memref<80x16xf32, #tpu.memory_space<vmem>>) dst(%dma_wait3A_109 : memref<80x16xf32, #tpu.memory_space<vmem_shared>>)
      tpu.yield
    }) : () -> ()
    %add3A_62 = arith.constant 160 : i32
    %add3A_63 = arith.addi %mul3A_2, %add3A_62 : i32
    "tpu.region"() ({
      %run_scoped3A = tpu.sem_alloc : memref<!tpu.dma_semaphore, #tpu.memory_space<semaphore_mem>>
      %dma_start3A = arith.constant 0 : i32
      %dma_start3A_95 = arith.constant 0 : i32
      %dma_start3A_96 = tpu.memref_slice %arg22[%dma_start3A, %dma_start3A_95] : memref<80x128xf32, #tpu.memory_space<vmem>> -> memref<80x128xf32, #tpu.memory_space<vmem>>
      %dma_start3A_97 = arith.constant 0 : i32
      %dma_start3A_98 = tpu.memref_slice %arg24[%add3A_63, %dma_start3A_97] : memref<10112x128xf32, #tpu.memory_space<vmem_shared>> -> memref<80x128xf32, #tpu.memory_space<vmem_shared>>
      %dma_start3A_99 = arith.constant 0 : i32
      %dma_start3A_100 = tpu.memref_slice %arg24[%add3A_63, %dma_start3A_99] : memref<10112x128xf32, #tpu.memory_space<vmem_shared>> -> memref<80x128xf32, #tpu.memory_space<vmem_shared>>
      %dma_start3A_101 = arith.constant 0 : i32
      %dma_start3A_102 = arith.constant 0 : i32
      %dma_start3A_103 = tpu.memref_slice %arg22[%dma_start3A_101, %dma_start3A_102] : memref<80x128xf32, #tpu.memory_space<vmem>> -> memref<80x128xf32, #tpu.memory_space<vmem>>
      tpu.enqueue_dma source(%dma_start3A_103 : memref<80x128xf32, #tpu.memory_space<vmem>>) target(%dma_start3A_100 : memref<80x128xf32, #tpu.memory_space<vmem_shared>>) target_semaphore(%run_scoped3A : memref<!tpu.dma_semaphore, #tpu.memory_space<semaphore_mem>>)
      %dma_wait3A = arith.constant 0 : i32
      %dma_wait3A_104 = arith.constant 0 : i32
      %dma_wait3A_105 = tpu.memref_slice %arg22[%dma_wait3A, %dma_wait3A_104] : memref<80x128xf32, #tpu.memory_space<vmem>> -> memref<80x128xf32, #tpu.memory_space<vmem>>
      %dma_wait3A_106 = arith.constant 0 : i32
      %dma_wait3A_107 = tpu.memref_slice %arg24[%add3A_63, %dma_wait3A_106] : memref<10112x128xf32, #tpu.memory_space<vmem_shared>> -> memref<80x128xf32, #tpu.memory_space<vmem_shared>>
      %dma_wait3A_108 = arith.constant 0 : i32
      %dma_wait3A_109 = tpu.memref_slice %arg24[%add3A_63, %dma_wait3A_108] : memref<10112x128xf32, #tpu.memory_space<vmem_shared>> -> memref<80x128xf32, #tpu.memory_space<vmem_shared>>
      %dma_wait3A_110 = arith.constant 0 : i32
      %dma_wait3A_111 = arith.constant 0 : i32
      %dma_wait3A_112 = tpu.memref_slice %arg22[%dma_wait3A_110, %dma_wait3A_111] : memref<80x128xf32, #tpu.memory_space<vmem>> -> memref<80x128xf32, #tpu.memory_space<vmem>>
      tpu.wait_dma2 semaphore(%run_scoped3A : memref<!tpu.dma_semaphore, #tpu.memory_space<semaphore_mem>>) src(%dma_wait3A_112 : memref<80x128xf32, #tpu.memory_space<vmem>>) dst(%dma_wait3A_109 : memref<80x128xf32, #tpu.memory_space<vmem_shared>>)
      tpu.yield
    }) : () -> ()
    %add3A_64 = arith.constant 160 : i32
    %add3A_65 = arith.addi %mul3A_2, %add3A_64 : i32
    "tpu.region"() ({
      %run_scoped3A = tpu.sem_alloc : memref<!tpu.dma_semaphore, #tpu.memory_space<semaphore_mem>>
      %dma_start3A = arith.constant 0 : i32
      %dma_start3A_95 = arith.constant 0 : i32
      %dma_start3A_96 = tpu.memref_slice %arg23[%dma_start3A, %dma_start3A_95] : memref<80x16xf32, #tpu.memory_space<vmem>> -> memref<80x16xf32, #tpu.memory_space<vmem>>
      %dma_start3A_97 = arith.constant 0 : i32
      %dma_start3A_98 = tpu.memref_slice %arg25[%add3A_65, %dma_start3A_97] : memref<10112x16xf32, #tpu.memory_space<vmem_shared>> -> memref<80x16xf32, #tpu.memory_space<vmem_shared>>
      %dma_start3A_99 = arith.constant 0 : i32
      %dma_start3A_100 = tpu.memref_slice %arg25[%add3A_65, %dma_start3A_99] : memref<10112x16xf32, #tpu.memory_space<vmem_shared>> -> memref<80x16xf32, #tpu.memory_space<vmem_shared>>
      %dma_start3A_101 = arith.constant 0 : i32
      %dma_start3A_102 = arith.constant 0 : i32
      %dma_start3A_103 = tpu.memref_slice %arg23[%dma_start3A_101, %dma_start3A_102] : memref<80x16xf32, #tpu.memory_space<vmem>> -> memref<80x16xf32, #tpu.memory_space<vmem>>
      tpu.enqueue_dma source(%dma_start3A_103 : memref<80x16xf32, #tpu.memory_space<vmem>>) target(%dma_start3A_100 : memref<80x16xf32, #tpu.memory_space<vmem_shared>>) target_semaphore(%run_scoped3A : memref<!tpu.dma_semaphore, #tpu.memory_space<semaphore_mem>>)
      %dma_wait3A = arith.constant 0 : i32
      %dma_wait3A_104 = arith.constant 0 : i32
      %dma_wait3A_105 = tpu.memref_slice %arg23[%dma_wait3A, %dma_wait3A_104] : memref<80x16xf32, #tpu.memory_space<vmem>> -> memref<80x16xf32, #tpu.memory_space<vmem>>
      %dma_wait3A_106 = arith.constant 0 : i32
      %dma_wait3A_107 = tpu.memref_slice %arg25[%add3A_65, %dma_wait3A_106] : memref<10112x16xf32, #tpu.memory_space<vmem_shared>> -> memref<80x16xf32, #tpu.memory_space<vmem_shared>>
      %dma_wait3A_108 = arith.constant 0 : i32
      %dma_wait3A_109 = tpu.memref_slice %arg25[%add3A_65, %dma_wait3A_108] : memref<10112x16xf32, #tpu.memory_space<vmem_shared>> -> memref<80x16xf32, #tpu.memory_space<vmem_shared>>
      %dma_wait3A_110 = arith.constant 0 : i32
      %dma_wait3A_111 = arith.constant 0 : i32
      %dma_wait3A_112 = tpu.memref_slice %arg23[%dma_wait3A_110, %dma_wait3A_111] : memref<80x16xf32, #tpu.memory_space<vmem>> -> memref<80x16xf32, #tpu.memory_space<vmem>>
      tpu.wait_dma2 semaphore(%run_scoped3A : memref<!tpu.dma_semaphore, #tpu.memory_space<semaphore_mem>>) src(%dma_wait3A_112 : memref<80x16xf32, #tpu.memory_space<vmem>>) dst(%dma_wait3A_109 : memref<80x16xf32, #tpu.memory_space<vmem_shared>>)
      tpu.yield
    }) : () -> ()
    %add3A_66 = arith.constant 240 : i32
    %add3A_67 = arith.addi %mul3A_2, %add3A_66 : i32
    "tpu.region"() ({
      %run_scoped3A = tpu.sem_alloc : memref<!tpu.dma_semaphore, #tpu.memory_space<semaphore_mem>>
      %dma_start3A = arith.constant 0 : i32
      %dma_start3A_95 = arith.constant 0 : i32
      %dma_start3A_96 = tpu.memref_slice %arg22[%dma_start3A, %dma_start3A_95] : memref<80x128xf32, #tpu.memory_space<vmem>> -> memref<80x128xf32, #tpu.memory_space<vmem>>
      %dma_start3A_97 = arith.constant 0 : i32
      %dma_start3A_98 = tpu.memref_slice %arg24[%add3A_67, %dma_start3A_97] : memref<10112x128xf32, #tpu.memory_space<vmem_shared>> -> memref<80x128xf32, #tpu.memory_space<vmem_shared>>
      %dma_start3A_99 = arith.constant 0 : i32
      %dma_start3A_100 = tpu.memref_slice %arg24[%add3A_67, %dma_start3A_99] : memref<10112x128xf32, #tpu.memory_space<vmem_shared>> -> memref<80x128xf32, #tpu.memory_space<vmem_shared>>
      %dma_start3A_101 = arith.constant 0 : i32
      %dma_start3A_102 = arith.constant 0 : i32
      %dma_start3A_103 = tpu.memref_slice %arg22[%dma_start3A_101, %dma_start3A_102] : memref<80x128xf32, #tpu.memory_space<vmem>> -> memref<80x128xf32, #tpu.memory_space<vmem>>
      tpu.enqueue_dma source(%dma_start3A_103 : memref<80x128xf32, #tpu.memory_space<vmem>>) target(%dma_start3A_100 : memref<80x128xf32, #tpu.memory_space<vmem_shared>>) target_semaphore(%run_scoped3A : memref<!tpu.dma_semaphore, #tpu.memory_space<semaphore_mem>>)
      %dma_wait3A = arith.constant 0 : i32
      %dma_wait3A_104 = arith.constant 0 : i32
      %dma_wait3A_105 = tpu.memref_slice %arg22[%dma_wait3A, %dma_wait3A_104] : memref<80x128xf32, #tpu.memory_space<vmem>> -> memref<80x128xf32, #tpu.memory_space<vmem>>
      %dma_wait3A_106 = arith.constant 0 : i32
      %dma_wait3A_107 = tpu.memref_slice %arg24[%add3A_67, %dma_wait3A_106] : memref<10112x128xf32, #tpu.memory_space<vmem_shared>> -> memref<80x128xf32, #tpu.memory_space<vmem_shared>>
      %dma_wait3A_108 = arith.constant 0 : i32
      %dma_wait3A_109 = tpu.memref_slice %arg24[%add3A_67, %dma_wait3A_108] : memref<10112x128xf32, #tpu.memory_space<vmem_shared>> -> memref<80x128xf32, #tpu.memory_space<vmem_shared>>
      %dma_wait3A_110 = arith.constant 0 : i32
      %dma_wait3A_111 = arith.constant 0 : i32
      %dma_wait3A_112 = tpu.memref_slice %arg22[%dma_wait3A_110, %dma_wait3A_111] : memref<80x128xf32, #tpu.memory_space<vmem>> -> memref<80x128xf32, #tpu.memory_space<vmem>>
      tpu.wait_dma2 semaphore(%run_scoped3A : memref<!tpu.dma_semaphore, #tpu.memory_space<semaphore_mem>>) src(%dma_wait3A_112 : memref<80x128xf32, #tpu.memory_space<vmem>>) dst(%dma_wait3A_109 : memref<80x128xf32, #tpu.memory_space<vmem_shared>>)
      tpu.yield
    }) : () -> ()
    %add3A_68 = arith.constant 240 : i32
    %add3A_69 = arith.addi %mul3A_2, %add3A_68 : i32
    "tpu.region"() ({
      %run_scoped3A = tpu.sem_alloc : memref<!tpu.dma_semaphore, #tpu.memory_space<semaphore_mem>>
      %dma_start3A = arith.constant 0 : i32
      %dma_start3A_95 = arith.constant 0 : i32
      %dma_start3A_96 = tpu.memref_slice %arg23[%dma_start3A, %dma_start3A_95] : memref<80x16xf32, #tpu.memory_space<vmem>> -> memref<80x16xf32, #tpu.memory_space<vmem>>
      %dma_start3A_97 = arith.constant 0 : i32
      %dma_start3A_98 = tpu.memref_slice %arg25[%add3A_69, %dma_start3A_97] : memref<10112x16xf32, #tpu.memory_space<vmem_shared>> -> memref<80x16xf32, #tpu.memory_space<vmem_shared>>
      %dma_start3A_99 = arith.constant 0 : i32
      %dma_start3A_100 = tpu.memref_slice %arg25[%add3A_69, %dma_start3A_99] : memref<10112x16xf32, #tpu.memory_space<vmem_shared>> -> memref<80x16xf32, #tpu.memory_space<vmem_shared>>
      %dma_start3A_101 = arith.constant 0 : i32
      %dma_start3A_102 = arith.constant 0 : i32
      %dma_start3A_103 = tpu.memref_slice %arg23[%dma_start3A_101, %dma_start3A_102] : memref<80x16xf32, #tpu.memory_space<vmem>> -> memref<80x16xf32, #tpu.memory_space<vmem>>
      tpu.enqueue_dma source(%dma_start3A_103 : memref<80x16xf32, #tpu.memory_space<vmem>>) target(%dma_start3A_100 : memref<80x16xf32, #tpu.memory_space<vmem_shared>>) target_semaphore(%run_scoped3A : memref<!tpu.dma_semaphore, #tpu.memory_space<semaphore_mem>>)
      %dma_wait3A = arith.constant 0 : i32
      %dma_wait3A_104 = arith.constant 0 : i32
      %dma_wait3A_105 = tpu.memref_slice %arg23[%dma_wait3A, %dma_wait3A_104] : memref<80x16xf32, #tpu.memory_space<vmem>> -> memref<80x16xf32, #tpu.memory_space<vmem>>
      %dma_wait3A_106 = arith.constant 0 : i32
      %dma_wait3A_107 = tpu.memref_slice %arg25[%add3A_69, %dma_wait3A_106] : memref<10112x16xf32, #tpu.memory_space<vmem_shared>> -> memref<80x16xf32, #tpu.memory_space<vmem_shared>>
      %dma_wait3A_108 = arith.constant 0 : i32
      %dma_wait3A_109 = tpu.memref_slice %arg25[%add3A_69, %dma_wait3A_108] : memref<10112x16xf32, #tpu.memory_space<vmem_shared>> -> memref<80x16xf32, #tpu.memory_space<vmem_shared>>
      %dma_wait3A_110 = arith.constant 0 : i32
      %dma_wait3A_111 = arith.constant 0 : i32
      %dma_wait3A_112 = tpu.memref_slice %arg23[%dma_wait3A_110, %dma_wait3A_111] : memref<80x16xf32, #tpu.memory_space<vmem>> -> memref<80x16xf32, #tpu.memory_space<vmem>>
      tpu.wait_dma2 semaphore(%run_scoped3A : memref<!tpu.dma_semaphore, #tpu.memory_space<semaphore_mem>>) src(%dma_wait3A_112 : memref<80x16xf32, #tpu.memory_space<vmem>>) dst(%dma_wait3A_109 : memref<80x16xf32, #tpu.memory_space<vmem_shared>>)
      tpu.yield
    }) : () -> ()
    %add3A_70 = arith.constant 320 : i32
    %add3A_71 = arith.addi %mul3A_2, %add3A_70 : i32
    "tpu.region"() ({
      %run_scoped3A = tpu.sem_alloc : memref<!tpu.dma_semaphore, #tpu.memory_space<semaphore_mem>>
      %dma_start3A = arith.constant 0 : i32
      %dma_start3A_95 = arith.constant 0 : i32
      %dma_start3A_96 = tpu.memref_slice %arg22[%dma_start3A, %dma_start3A_95] : memref<80x128xf32, #tpu.memory_space<vmem>> -> memref<80x128xf32, #tpu.memory_space<vmem>>
      %dma_start3A_97 = arith.constant 0 : i32
      %dma_start3A_98 = tpu.memref_slice %arg24[%add3A_71, %dma_start3A_97] : memref<10112x128xf32, #tpu.memory_space<vmem_shared>> -> memref<80x128xf32, #tpu.memory_space<vmem_shared>>
      %dma_start3A_99 = arith.constant 0 : i32
      %dma_start3A_100 = tpu.memref_slice %arg24[%add3A_71, %dma_start3A_99] : memref<10112x128xf32, #tpu.memory_space<vmem_shared>> -> memref<80x128xf32, #tpu.memory_space<vmem_shared>>
      %dma_start3A_101 = arith.constant 0 : i32
      %dma_start3A_102 = arith.constant 0 : i32
      %dma_start3A_103 = tpu.memref_slice %arg22[%dma_start3A_101, %dma_start3A_102] : memref<80x128xf32, #tpu.memory_space<vmem>> -> memref<80x128xf32, #tpu.memory_space<vmem>>
      tpu.enqueue_dma source(%dma_start3A_103 : memref<80x128xf32, #tpu.memory_space<vmem>>) target(%dma_start3A_100 : memref<80x128xf32, #tpu.memory_space<vmem_shared>>) target_semaphore(%run_scoped3A : memref<!tpu.dma_semaphore, #tpu.memory_space<semaphore_mem>>)
      %dma_wait3A = arith.constant 0 : i32
      %dma_wait3A_104 = arith.constant 0 : i32
      %dma_wait3A_105 = tpu.memref_slice %arg22[%dma_wait3A, %dma_wait3A_104] : memref<80x128xf32, #tpu.memory_space<vmem>> -> memref<80x128xf32, #tpu.memory_space<vmem>>
      %dma_wait3A_106 = arith.constant 0 : i32
      %dma_wait3A_107 = tpu.memref_slice %arg24[%add3A_71, %dma_wait3A_106] : memref<10112x128xf32, #tpu.memory_space<vmem_shared>> -> memref<80x128xf32, #tpu.memory_space<vmem_shared>>
      %dma_wait3A_108 = arith.constant 0 : i32
      %dma_wait3A_109 = tpu.memref_slice %arg24[%add3A_71, %dma_wait3A_108] : memref<10112x128xf32, #tpu.memory_space<vmem_shared>> -> memref<80x128xf32, #tpu.memory_space<vmem_shared>>
      %dma_wait3A_110 = arith.constant 0 : i32
      %dma_wait3A_111 = arith.constant 0 : i32
      %dma_wait3A_112 = tpu.memref_slice %arg22[%dma_wait3A_110, %dma_wait3A_111] : memref<80x128xf32, #tpu.memory_space<vmem>> -> memref<80x128xf32, #tpu.memory_space<vmem>>
      tpu.wait_dma2 semaphore(%run_scoped3A : memref<!tpu.dma_semaphore, #tpu.memory_space<semaphore_mem>>) src(%dma_wait3A_112 : memref<80x128xf32, #tpu.memory_space<vmem>>) dst(%dma_wait3A_109 : memref<80x128xf32, #tpu.memory_space<vmem_shared>>)
      tpu.yield
    }) : () -> ()
    %add3A_72 = arith.constant 320 : i32
    %add3A_73 = arith.addi %mul3A_2, %add3A_72 : i32
    "tpu.region"() ({
      %run_scoped3A = tpu.sem_alloc : memref<!tpu.dma_semaphore, #tpu.memory_space<semaphore_mem>>
      %dma_start3A = arith.constant 0 : i32
      %dma_start3A_95 = arith.constant 0 : i32
      %dma_start3A_96 = tpu.memref_slice %arg23[%dma_start3A, %dma_start3A_95] : memref<80x16xf32, #tpu.memory_space<vmem>> -> memref<80x16xf32, #tpu.memory_space<vmem>>
      %dma_start3A_97 = arith.constant 0 : i32
      %dma_start3A_98 = tpu.memref_slice %arg25[%add3A_73, %dma_start3A_97] : memref<10112x16xf32, #tpu.memory_space<vmem_shared>> -> memref<80x16xf32, #tpu.memory_space<vmem_shared>>
      %dma_start3A_99 = arith.constant 0 : i32
      %dma_start3A_100 = tpu.memref_slice %arg25[%add3A_73, %dma_start3A_99] : memref<10112x16xf32, #tpu.memory_space<vmem_shared>> -> memref<80x16xf32, #tpu.memory_space<vmem_shared>>
      %dma_start3A_101 = arith.constant 0 : i32
      %dma_start3A_102 = arith.constant 0 : i32
      %dma_start3A_103 = tpu.memref_slice %arg23[%dma_start3A_101, %dma_start3A_102] : memref<80x16xf32, #tpu.memory_space<vmem>> -> memref<80x16xf32, #tpu.memory_space<vmem>>
      tpu.enqueue_dma source(%dma_start3A_103 : memref<80x16xf32, #tpu.memory_space<vmem>>) target(%dma_start3A_100 : memref<80x16xf32, #tpu.memory_space<vmem_shared>>) target_semaphore(%run_scoped3A : memref<!tpu.dma_semaphore, #tpu.memory_space<semaphore_mem>>)
      %dma_wait3A = arith.constant 0 : i32
      %dma_wait3A_104 = arith.constant 0 : i32
      %dma_wait3A_105 = tpu.memref_slice %arg23[%dma_wait3A, %dma_wait3A_104] : memref<80x16xf32, #tpu.memory_space<vmem>> -> memref<80x16xf32, #tpu.memory_space<vmem>>
      %dma_wait3A_106 = arith.constant 0 : i32
      %dma_wait3A_107 = tpu.memref_slice %arg25[%add3A_73, %dma_wait3A_106] : memref<10112x16xf32, #tpu.memory_space<vmem_shared>> -> memref<80x16xf32, #tpu.memory_space<vmem_shared>>
      %dma_wait3A_108 = arith.constant 0 : i32
      %dma_wait3A_109 = tpu.memref_slice %arg25[%add3A_73, %dma_wait3A_108] : memref<10112x16xf32, #tpu.memory_space<vmem_shared>> -> memref<80x16xf32, #tpu.memory_space<vmem_shared>>
      %dma_wait3A_110 = arith.constant 0 : i32
      %dma_wait3A_111 = arith.constant 0 : i32
      %dma_wait3A_112 = tpu.memref_slice %arg23[%dma_wait3A_110, %dma_wait3A_111] : memref<80x16xf32, #tpu.memory_space<vmem>> -> memref<80x16xf32, #tpu.memory_space<vmem>>
      tpu.wait_dma2 semaphore(%run_scoped3A : memref<!tpu.dma_semaphore, #tpu.memory_space<semaphore_mem>>) src(%dma_wait3A_112 : memref<80x16xf32, #tpu.memory_space<vmem>>) dst(%dma_wait3A_109 : memref<80x16xf32, #tpu.memory_space<vmem_shared>>)
      tpu.yield
    }) : () -> ()
    %add3A_74 = arith.constant 400 : i32
    %add3A_75 = arith.addi %mul3A_2, %add3A_74 : i32
    "tpu.region"() ({
      %run_scoped3A = tpu.sem_alloc : memref<!tpu.dma_semaphore, #tpu.memory_space<semaphore_mem>>
      %dma_start3A = arith.constant 0 : i32
      %dma_start3A_95 = arith.constant 0 : i32
      %dma_start3A_96 = tpu.memref_slice %arg22[%dma_start3A, %dma_start3A_95] : memref<80x128xf32, #tpu.memory_space<vmem>> -> memref<80x128xf32, #tpu.memory_space<vmem>>
      %dma_start3A_97 = arith.constant 0 : i32
      %dma_start3A_98 = tpu.memref_slice %arg24[%add3A_75, %dma_start3A_97] : memref<10112x128xf32, #tpu.memory_space<vmem_shared>> -> memref<80x128xf32, #tpu.memory_space<vmem_shared>>
      %dma_start3A_99 = arith.constant 0 : i32
      %dma_start3A_100 = tpu.memref_slice %arg24[%add3A_75, %dma_start3A_99] : memref<10112x128xf32, #tpu.memory_space<vmem_shared>> -> memref<80x128xf32, #tpu.memory_space<vmem_shared>>
      %dma_start3A_101 = arith.constant 0 : i32
      %dma_start3A_102 = arith.constant 0 : i32
      %dma_start3A_103 = tpu.memref_slice %arg22[%dma_start3A_101, %dma_start3A_102] : memref<80x128xf32, #tpu.memory_space<vmem>> -> memref<80x128xf32, #tpu.memory_space<vmem>>
      tpu.enqueue_dma source(%dma_start3A_103 : memref<80x128xf32, #tpu.memory_space<vmem>>) target(%dma_start3A_100 : memref<80x128xf32, #tpu.memory_space<vmem_shared>>) target_semaphore(%run_scoped3A : memref<!tpu.dma_semaphore, #tpu.memory_space<semaphore_mem>>)
      %dma_wait3A = arith.constant 0 : i32
      %dma_wait3A_104 = arith.constant 0 : i32
      %dma_wait3A_105 = tpu.memref_slice %arg22[%dma_wait3A, %dma_wait3A_104] : memref<80x128xf32, #tpu.memory_space<vmem>> -> memref<80x128xf32, #tpu.memory_space<vmem>>
      %dma_wait3A_106 = arith.constant 0 : i32
      %dma_wait3A_107 = tpu.memref_slice %arg24[%add3A_75, %dma_wait3A_106] : memref<10112x128xf32, #tpu.memory_space<vmem_shared>> -> memref<80x128xf32, #tpu.memory_space<vmem_shared>>
      %dma_wait3A_108 = arith.constant 0 : i32
      %dma_wait3A_109 = tpu.memref_slice %arg24[%add3A_75, %dma_wait3A_108] : memref<10112x128xf32, #tpu.memory_space<vmem_shared>> -> memref<80x128xf32, #tpu.memory_space<vmem_shared>>
      %dma_wait3A_110 = arith.constant 0 : i32
      %dma_wait3A_111 = arith.constant 0 : i32
      %dma_wait3A_112 = tpu.memref_slice %arg22[%dma_wait3A_110, %dma_wait3A_111] : memref<80x128xf32, #tpu.memory_space<vmem>> -> memref<80x128xf32, #tpu.memory_space<vmem>>
      tpu.wait_dma2 semaphore(%run_scoped3A : memref<!tpu.dma_semaphore, #tpu.memory_space<semaphore_mem>>) src(%dma_wait3A_112 : memref<80x128xf32, #tpu.memory_space<vmem>>) dst(%dma_wait3A_109 : memref<80x128xf32, #tpu.memory_space<vmem_shared>>)
      tpu.yield
    }) : () -> ()
    %add3A_76 = arith.constant 400 : i32
    %add3A_77 = arith.addi %mul3A_2, %add3A_76 : i32
    "tpu.region"() ({
      %run_scoped3A = tpu.sem_alloc : memref<!tpu.dma_semaphore, #tpu.memory_space<semaphore_mem>>
      %dma_start3A = arith.constant 0 : i32
      %dma_start3A_95 = arith.constant 0 : i32
      %dma_start3A_96 = tpu.memref_slice %arg23[%dma_start3A, %dma_start3A_95] : memref<80x16xf32, #tpu.memory_space<vmem>> -> memref<80x16xf32, #tpu.memory_space<vmem>>
      %dma_start3A_97 = arith.constant 0 : i32
      %dma_start3A_98 = tpu.memref_slice %arg25[%add3A_77, %dma_start3A_97] : memref<10112x16xf32, #tpu.memory_space<vmem_shared>> -> memref<80x16xf32, #tpu.memory_space<vmem_shared>>
      %dma_start3A_99 = arith.constant 0 : i32
      %dma_start3A_100 = tpu.memref_slice %arg25[%add3A_77, %dma_start3A_99] : memref<10112x16xf32, #tpu.memory_space<vmem_shared>> -> memref<80x16xf32, #tpu.memory_space<vmem_shared>>
      %dma_start3A_101 = arith.constant 0 : i32
      %dma_start3A_102 = arith.constant 0 : i32
      %dma_start3A_103 = tpu.memref_slice %arg23[%dma_start3A_101, %dma_start3A_102] : memref<80x16xf32, #tpu.memory_space<vmem>> -> memref<80x16xf32, #tpu.memory_space<vmem>>
      tpu.enqueue_dma source(%dma_start3A_103 : memref<80x16xf32, #tpu.memory_space<vmem>>) target(%dma_start3A_100 : memref<80x16xf32, #tpu.memory_space<vmem_shared>>) target_semaphore(%run_scoped3A : memref<!tpu.dma_semaphore, #tpu.memory_space<semaphore_mem>>)
      %dma_wait3A = arith.constant 0 : i32
      %dma_wait3A_104 = arith.constant 0 : i32
      %dma_wait3A_105 = tpu.memref_slice %arg23[%dma_wait3A, %dma_wait3A_104] : memref<80x16xf32, #tpu.memory_space<vmem>> -> memref<80x16xf32, #tpu.memory_space<vmem>>
      %dma_wait3A_106 = arith.constant 0 : i32
      %dma_wait3A_107 = tpu.memref_slice %arg25[%add3A_77, %dma_wait3A_106] : memref<10112x16xf32, #tpu.memory_space<vmem_shared>> -> memref<80x16xf32, #tpu.memory_space<vmem_shared>>
      %dma_wait3A_108 = arith.constant 0 : i32
      %dma_wait3A_109 = tpu.memref_slice %arg25[%add3A_77, %dma_wait3A_108] : memref<10112x16xf32, #tpu.memory_space<vmem_shared>> -> memref<80x16xf32, #tpu.memory_space<vmem_shared>>
      %dma_wait3A_110 = arith.constant 0 : i32
      %dma_wait3A_111 = arith.constant 0 : i32
      %dma_wait3A_112 = tpu.memref_slice %arg23[%dma_wait3A_110, %dma_wait3A_111] : memref<80x16xf32, #tpu.memory_space<vmem>> -> memref<80x16xf32, #tpu.memory_space<vmem>>
      tpu.wait_dma2 semaphore(%run_scoped3A : memref<!tpu.dma_semaphore, #tpu.memory_space<semaphore_mem>>) src(%dma_wait3A_112 : memref<80x16xf32, #tpu.memory_space<vmem>>) dst(%dma_wait3A_109 : memref<80x16xf32, #tpu.memory_space<vmem_shared>>)
      tpu.yield
    }) : () -> ()
    %add3A_78 = arith.constant 480 : i32
    %add3A_79 = arith.addi %mul3A_2, %add3A_78 : i32
    "tpu.region"() ({
      %run_scoped3A = tpu.sem_alloc : memref<!tpu.dma_semaphore, #tpu.memory_space<semaphore_mem>>
      %dma_start3A = arith.constant 0 : i32
      %dma_start3A_95 = arith.constant 0 : i32
      %dma_start3A_96 = tpu.memref_slice %arg22[%dma_start3A, %dma_start3A_95] : memref<80x128xf32, #tpu.memory_space<vmem>> -> memref<80x128xf32, #tpu.memory_space<vmem>>
      %dma_start3A_97 = arith.constant 0 : i32
      %dma_start3A_98 = tpu.memref_slice %arg24[%add3A_79, %dma_start3A_97] : memref<10112x128xf32, #tpu.memory_space<vmem_shared>> -> memref<80x128xf32, #tpu.memory_space<vmem_shared>>
      %dma_start3A_99 = arith.constant 0 : i32
      %dma_start3A_100 = tpu.memref_slice %arg24[%add3A_79, %dma_start3A_99] : memref<10112x128xf32, #tpu.memory_space<vmem_shared>> -> memref<80x128xf32, #tpu.memory_space<vmem_shared>>
      %dma_start3A_101 = arith.constant 0 : i32
      %dma_start3A_102 = arith.constant 0 : i32
      %dma_start3A_103 = tpu.memref_slice %arg22[%dma_start3A_101, %dma_start3A_102] : memref<80x128xf32, #tpu.memory_space<vmem>> -> memref<80x128xf32, #tpu.memory_space<vmem>>
      tpu.enqueue_dma source(%dma_start3A_103 : memref<80x128xf32, #tpu.memory_space<vmem>>) target(%dma_start3A_100 : memref<80x128xf32, #tpu.memory_space<vmem_shared>>) target_semaphore(%run_scoped3A : memref<!tpu.dma_semaphore, #tpu.memory_space<semaphore_mem>>)
      %dma_wait3A = arith.constant 0 : i32
      %dma_wait3A_104 = arith.constant 0 : i32
      %dma_wait3A_105 = tpu.memref_slice %arg22[%dma_wait3A, %dma_wait3A_104] : memref<80x128xf32, #tpu.memory_space<vmem>> -> memref<80x128xf32, #tpu.memory_space<vmem>>
      %dma_wait3A_106 = arith.constant 0 : i32
      %dma_wait3A_107 = tpu.memref_slice %arg24[%add3A_79, %dma_wait3A_106] : memref<10112x128xf32, #tpu.memory_space<vmem_shared>> -> memref<80x128xf32, #tpu.memory_space<vmem_shared>>
      %dma_wait3A_108 = arith.constant 0 : i32
      %dma_wait3A_109 = tpu.memref_slice %arg24[%add3A_79, %dma_wait3A_108] : memref<10112x128xf32, #tpu.memory_space<vmem_shared>> -> memref<80x128xf32, #tpu.memory_space<vmem_shared>>
      %dma_wait3A_110 = arith.constant 0 : i32
      %dma_wait3A_111 = arith.constant 0 : i32
      %dma_wait3A_112 = tpu.memref_slice %arg22[%dma_wait3A_110, %dma_wait3A_111] : memref<80x128xf32, #tpu.memory_space<vmem>> -> memref<80x128xf32, #tpu.memory_space<vmem>>
      tpu.wait_dma2 semaphore(%run_scoped3A : memref<!tpu.dma_semaphore, #tpu.memory_space<semaphore_mem>>) src(%dma_wait3A_112 : memref<80x128xf32, #tpu.memory_space<vmem>>) dst(%dma_wait3A_109 : memref<80x128xf32, #tpu.memory_space<vmem_shared>>)
      tpu.yield
    }) : () -> ()
    %add3A_80 = arith.constant 480 : i32
    %add3A_81 = arith.addi %mul3A_2, %add3A_80 : i32
    "tpu.region"() ({
      %run_scoped3A = tpu.sem_alloc : memref<!tpu.dma_semaphore, #tpu.memory_space<semaphore_mem>>
      %dma_start3A = arith.constant 0 : i32
      %dma_start3A_95 = arith.constant 0 : i32
      %dma_start3A_96 = tpu.memref_slice %arg23[%dma_start3A, %dma_start3A_95] : memref<80x16xf32, #tpu.memory_space<vmem>> -> memref<80x16xf32, #tpu.memory_space<vmem>>
      %dma_start3A_97 = arith.constant 0 : i32
      %dma_start3A_98 = tpu.memref_slice %arg25[%add3A_81, %dma_start3A_97] : memref<10112x16xf32, #tpu.memory_space<vmem_shared>> -> memref<80x16xf32, #tpu.memory_space<vmem_shared>>
      %dma_start3A_99 = arith.constant 0 : i32
      %dma_start3A_100 = tpu.memref_slice %arg25[%add3A_81, %dma_start3A_99] : memref<10112x16xf32, #tpu.memory_space<vmem_shared>> -> memref<80x16xf32, #tpu.memory_space<vmem_shared>>
      %dma_start3A_101 = arith.constant 0 : i32
      %dma_start3A_102 = arith.constant 0 : i32
      %dma_start3A_103 = tpu.memref_slice %arg23[%dma_start3A_101, %dma_start3A_102] : memref<80x16xf32, #tpu.memory_space<vmem>> -> memref<80x16xf32, #tpu.memory_space<vmem>>
      tpu.enqueue_dma source(%dma_start3A_103 : memref<80x16xf32, #tpu.memory_space<vmem>>) target(%dma_start3A_100 : memref<80x16xf32, #tpu.memory_space<vmem_shared>>) target_semaphore(%run_scoped3A : memref<!tpu.dma_semaphore, #tpu.memory_space<semaphore_mem>>)
      %dma_wait3A = arith.constant 0 : i32
      %dma_wait3A_104 = arith.constant 0 : i32
      %dma_wait3A_105 = tpu.memref_slice %arg23[%dma_wait3A, %dma_wait3A_104] : memref<80x16xf32, #tpu.memory_space<vmem>> -> memref<80x16xf32, #tpu.memory_space<vmem>>
      %dma_wait3A_106 = arith.constant 0 : i32
      %dma_wait3A_107 = tpu.memref_slice %arg25[%add3A_81, %dma_wait3A_106] : memref<10112x16xf32, #tpu.memory_space<vmem_shared>> -> memref<80x16xf32, #tpu.memory_space<vmem_shared>>
      %dma_wait3A_108 = arith.constant 0 : i32
      %dma_wait3A_109 = tpu.memref_slice %arg25[%add3A_81, %dma_wait3A_108] : memref<10112x16xf32, #tpu.memory_space<vmem_shared>> -> memref<80x16xf32, #tpu.memory_space<vmem_shared>>
      %dma_wait3A_110 = arith.constant 0 : i32
      %dma_wait3A_111 = arith.constant 0 : i32
      %dma_wait3A_112 = tpu.memref_slice %arg23[%dma_wait3A_110, %dma_wait3A_111] : memref<80x16xf32, #tpu.memory_space<vmem>> -> memref<80x16xf32, #tpu.memory_space<vmem>>
      tpu.wait_dma2 semaphore(%run_scoped3A : memref<!tpu.dma_semaphore, #tpu.memory_space<semaphore_mem>>) src(%dma_wait3A_112 : memref<80x16xf32, #tpu.memory_space<vmem>>) dst(%dma_wait3A_109 : memref<80x16xf32, #tpu.memory_space<vmem_shared>>)
      tpu.yield
    }) : () -> ()
    %add3A_82 = arith.constant 560 : i32
    %add3A_83 = arith.addi %mul3A_2, %add3A_82 : i32
    "tpu.region"() ({
      %run_scoped3A = tpu.sem_alloc : memref<!tpu.dma_semaphore, #tpu.memory_space<semaphore_mem>>
      %dma_start3A = arith.constant 0 : i32
      %dma_start3A_95 = arith.constant 0 : i32
      %dma_start3A_96 = tpu.memref_slice %arg22[%dma_start3A, %dma_start3A_95] : memref<80x128xf32, #tpu.memory_space<vmem>> -> memref<72x128xf32, #tpu.memory_space<vmem>>
      %dma_start3A_97 = arith.constant 0 : i32
      %dma_start3A_98 = tpu.memref_slice %arg24[%add3A_83, %dma_start3A_97] : memref<10112x128xf32, #tpu.memory_space<vmem_shared>> -> memref<72x128xf32, #tpu.memory_space<vmem_shared>>
      %dma_start3A_99 = arith.constant 0 : i32
      %dma_start3A_100 = tpu.memref_slice %arg24[%add3A_83, %dma_start3A_99] : memref<10112x128xf32, #tpu.memory_space<vmem_shared>> -> memref<72x128xf32, #tpu.memory_space<vmem_shared>>
      %dma_start3A_101 = arith.constant 0 : i32
      %dma_start3A_102 = arith.constant 0 : i32
      %dma_start3A_103 = tpu.memref_slice %arg22[%dma_start3A_101, %dma_start3A_102] : memref<80x128xf32, #tpu.memory_space<vmem>> -> memref<72x128xf32, #tpu.memory_space<vmem>>
      tpu.enqueue_dma source(%dma_start3A_103 : memref<72x128xf32, #tpu.memory_space<vmem>>) target(%dma_start3A_100 : memref<72x128xf32, #tpu.memory_space<vmem_shared>>) target_semaphore(%run_scoped3A : memref<!tpu.dma_semaphore, #tpu.memory_space<semaphore_mem>>)
      %dma_wait3A = arith.constant 0 : i32
      %dma_wait3A_104 = arith.constant 0 : i32
      %dma_wait3A_105 = tpu.memref_slice %arg22[%dma_wait3A, %dma_wait3A_104] : memref<80x128xf32, #tpu.memory_space<vmem>> -> memref<72x128xf32, #tpu.memory_space<vmem>>
      %dma_wait3A_106 = arith.constant 0 : i32
      %dma_wait3A_107 = tpu.memref_slice %arg24[%add3A_83, %dma_wait3A_106] : memref<10112x128xf32, #tpu.memory_space<vmem_shared>> -> memref<72x128xf32, #tpu.memory_space<vmem_shared>>
      %dma_wait3A_108 = arith.constant 0 : i32
      %dma_wait3A_109 = tpu.memref_slice %arg24[%add3A_83, %dma_wait3A_108] : memref<10112x128xf32, #tpu.memory_space<vmem_shared>> -> memref<72x128xf32, #tpu.memory_space<vmem_shared>>
      %dma_wait3A_110 = arith.constant 0 : i32
      %dma_wait3A_111 = arith.constant 0 : i32
      %dma_wait3A_112 = tpu.memref_slice %arg22[%dma_wait3A_110, %dma_wait3A_111] : memref<80x128xf32, #tpu.memory_space<vmem>> -> memref<72x128xf32, #tpu.memory_space<vmem>>
      tpu.wait_dma2 semaphore(%run_scoped3A : memref<!tpu.dma_semaphore, #tpu.memory_space<semaphore_mem>>) src(%dma_wait3A_112 : memref<72x128xf32, #tpu.memory_space<vmem>>) dst(%dma_wait3A_109 : memref<72x128xf32, #tpu.memory_space<vmem_shared>>)
      tpu.yield
    }) : () -> ()
    %add3A_84 = arith.constant 560 : i32
    %add3A_85 = arith.addi %mul3A_2, %add3A_84 : i32
    "tpu.region"() ({
      %run_scoped3A = tpu.sem_alloc : memref<!tpu.dma_semaphore, #tpu.memory_space<semaphore_mem>>
      %dma_start3A = arith.constant 0 : i32
      %dma_start3A_95 = arith.constant 0 : i32
      %dma_start3A_96 = tpu.memref_slice %arg23[%dma_start3A, %dma_start3A_95] : memref<80x16xf32, #tpu.memory_space<vmem>> -> memref<72x16xf32, #tpu.memory_space<vmem>>
      %dma_start3A_97 = arith.constant 0 : i32
      %dma_start3A_98 = tpu.memref_slice %arg25[%add3A_85, %dma_start3A_97] : memref<10112x16xf32, #tpu.memory_space<vmem_shared>> -> memref<72x16xf32, #tpu.memory_space<vmem_shared>>
      %dma_start3A_99 = arith.constant 0 : i32
      %dma_start3A_100 = tpu.memref_slice %arg25[%add3A_85, %dma_start3A_99] : memref<10112x16xf32, #tpu.memory_space<vmem_shared>> -> memref<72x16xf32, #tpu.memory_space<vmem_shared>>
      %dma_start3A_101 = arith.constant 0 : i32
      %dma_start3A_102 = arith.constant 0 : i32
      %dma_start3A_103 = tpu.memref_slice %arg23[%dma_start3A_101, %dma_start3A_102] : memref<80x16xf32, #tpu.memory_space<vmem>> -> memref<72x16xf32, #tpu.memory_space<vmem>>
      tpu.enqueue_dma source(%dma_start3A_103 : memref<72x16xf32, #tpu.memory_space<vmem>>) target(%dma_start3A_100 : memref<72x16xf32, #tpu.memory_space<vmem_shared>>) target_semaphore(%run_scoped3A : memref<!tpu.dma_semaphore, #tpu.memory_space<semaphore_mem>>)
      %dma_wait3A = arith.constant 0 : i32
      %dma_wait3A_104 = arith.constant 0 : i32
      %dma_wait3A_105 = tpu.memref_slice %arg23[%dma_wait3A, %dma_wait3A_104] : memref<80x16xf32, #tpu.memory_space<vmem>> -> memref<72x16xf32, #tpu.memory_space<vmem>>
      %dma_wait3A_106 = arith.constant 0 : i32
      %dma_wait3A_107 = tpu.memref_slice %arg25[%add3A_85, %dma_wait3A_106] : memref<10112x16xf32, #tpu.memory_space<vmem_shared>> -> memref<72x16xf32, #tpu.memory_space<vmem_shared>>
      %dma_wait3A_108 = arith.constant 0 : i32
      %dma_wait3A_109 = tpu.memref_slice %arg25[%add3A_85, %dma_wait3A_108] : memref<10112x16xf32, #tpu.memory_space<vmem_shared>> -> memref<72x16xf32, #tpu.memory_space<vmem_shared>>
      %dma_wait3A_110 = arith.constant 0 : i32
      %dma_wait3A_111 = arith.constant 0 : i32
      %dma_wait3A_112 = tpu.memref_slice %arg23[%dma_wait3A_110, %dma_wait3A_111] : memref<80x16xf32, #tpu.memory_space<vmem>> -> memref<72x16xf32, #tpu.memory_space<vmem>>
      tpu.wait_dma2 semaphore(%run_scoped3A : memref<!tpu.dma_semaphore, #tpu.memory_space<semaphore_mem>>) src(%dma_wait3A_112 : memref<72x16xf32, #tpu.memory_space<vmem>>) dst(%dma_wait3A_109 : memref<72x16xf32, #tpu.memory_space<vmem_shared>>)
      tpu.yield
    }) : () -> ()
    %barrier3A_86 = arith.constant 0 : index
    tpu.barrier barrier_id(%barrier3A_86)
    %scan3A_87 = arith.constant 0 : i32
    %scan3A_88 = arith.constant 0 : i32
    %scan3A_89 = arith.constant 125 : i32
    %scan3A_90 = arith.addi %scan3A_88, %scan3A_89 : i32
    %scan3A_91 = arith.constant 1 : i32
    scf.for %scan3A_95 = %scan3A_88 to %scan3A_90 step %scan3A_91  : i32 {
      %mul3A_96 = arith.constant 10000 : i32
      %mul3A_97 = arith.muli %add3A, %mul3A_96 : i32
      %mul3A_98 = arith.constant 80 : i32
      %mul3A_99 = arith.muli %scan3A_95, %mul3A_98 : i32
      %add3A_100 = arith.addi %mul3A_97, %mul3A_99 : i32
      %multiple_of3A = tpu.assume_multiple %add3A_100, 8 : i32
      "tpu.region"() ({
        %run_scoped3A = tpu.sem_alloc : memref<!tpu.dma_semaphore, #tpu.memory_space<semaphore_mem>>
        %dma_start3A_122 = tpu.memref_slice %arg10[%multiple_of3A] : memref<320000xi32, #tpu.memory_space<hbm>> -> memref<80xi32, #tpu.memory_space<hbm>>
        %dma_start3A_123 = tpu.memref_slice %arg10[%multiple_of3A] : memref<320000xi32, #tpu.memory_space<hbm>> -> memref<80xi32, #tpu.memory_space<hbm>>
        tpu.enqueue_dma source(%dma_start3A_123 : memref<80xi32, #tpu.memory_space<hbm>>) target(%arg16 : memref<80xi32, #tpu.memory_space<vmem>>) target_semaphore(%run_scoped3A : memref<!tpu.dma_semaphore, #tpu.memory_space<semaphore_mem>>)
        %dma_wait3A_124 = tpu.memref_slice %arg10[%multiple_of3A] : memref<320000xi32, #tpu.memory_space<hbm>> -> memref<80xi32, #tpu.memory_space<hbm>>
        %dma_wait3A_125 = tpu.memref_slice %arg10[%multiple_of3A] : memref<320000xi32, #tpu.memory_space<hbm>> -> memref<80xi32, #tpu.memory_space<hbm>>
        tpu.wait_dma2 semaphore(%run_scoped3A : memref<!tpu.dma_semaphore, #tpu.memory_space<semaphore_mem>>) src(%dma_wait3A_125 : memref<80xi32, #tpu.memory_space<hbm>>) dst(%arg16 : memref<80xi32, #tpu.memory_space<vmem>>)
        tpu.yield
      }) : () -> ()
      "tpu.region"() ({
        %run_scoped3A = tpu.sem_alloc : memref<!tpu.dma_semaphore, #tpu.memory_space<semaphore_mem>>
        %dma_start3A_122 = tpu.memref_slice %arg11[%multiple_of3A] : memref<320000xi32, #tpu.memory_space<hbm>> -> memref<80xi32, #tpu.memory_space<hbm>>
        %dma_start3A_123 = tpu.memref_slice %arg11[%multiple_of3A] : memref<320000xi32, #tpu.memory_space<hbm>> -> memref<80xi32, #tpu.memory_space<hbm>>
        tpu.enqueue_dma source(%dma_start3A_123 : memref<80xi32, #tpu.memory_space<hbm>>) target(%arg17 : memref<80xi32, #tpu.memory_space<vmem>>) target_semaphore(%run_scoped3A : memref<!tpu.dma_semaphore, #tpu.memory_space<semaphore_mem>>)
        %dma_wait3A_124 = tpu.memref_slice %arg11[%multiple_of3A] : memref<320000xi32, #tpu.memory_space<hbm>> -> memref<80xi32, #tpu.memory_space<hbm>>
        %dma_wait3A_125 = tpu.memref_slice %arg11[%multiple_of3A] : memref<320000xi32, #tpu.memory_space<hbm>> -> memref<80xi32, #tpu.memory_space<hbm>>
        tpu.wait_dma2 semaphore(%run_scoped3A : memref<!tpu.dma_semaphore, #tpu.memory_space<semaphore_mem>>) src(%dma_wait3A_125 : memref<80xi32, #tpu.memory_space<hbm>>) dst(%arg17 : memref<80xi32, #tpu.memory_space<vmem>>)
        tpu.yield
      }) : () -> ()
      %dma_start3A = arith.constant 0 : i32
      %dma_start3A_101 = arith.constant 0 : i32
      %dma_start3A_102 = tpu.memref_slice %arg3[%dma_start3A, %dma_start3A_101] : memref<10000x128xf32, #tpu.memory_space<hbm>> -> memref<10000x128xf32, #tpu.memory_space<hbm>>
      tpu.enqueue_indirect_dma source(%dma_start3A_102 : memref<10000x128xf32, #tpu.memory_space<hbm>>) target(%arg19 : memref<80x128xf32, #tpu.memory_space<vmem>>) offsets(%arg16 : memref<80xi32, #tpu.memory_space<vmem>>) semaphore(%arg27 : memref<!tpu.dma_semaphore, #tpu.memory_space<semaphore_mem>>)
      %dma_start3A_103 = arith.constant 0 : i32
      %dma_start3A_104 = arith.constant 0 : i32
      %dma_start3A_105 = tpu.memref_slice %arg6[%dma_start3A_103, %dma_start3A_104] : memref<10000x16xf32, #tpu.memory_space<hbm>> -> memref<10000x16xf32, #tpu.memory_space<hbm>>
      tpu.enqueue_indirect_dma source(%dma_start3A_105 : memref<10000x16xf32, #tpu.memory_space<hbm>>) target(%arg20 : memref<80x16xf32, #tpu.memory_space<vmem>>) offsets(%arg16 : memref<80xi32, #tpu.memory_space<vmem>>) semaphore(%arg26 : memref<!tpu.dma_semaphore, #tpu.memory_space<semaphore_mem>>)
      %dma_start3A_106 = arith.constant 0 : i32
      %dma_start3A_107 = arith.constant 0 : i32
      %dma_start3A_108 = tpu.memref_slice %arg7[%dma_start3A_106, %dma_start3A_107] : memref<10000x16xf32, #tpu.memory_space<hbm>> -> memref<10000x16xf32, #tpu.memory_space<hbm>>
      tpu.enqueue_indirect_dma source(%dma_start3A_108 : memref<10000x16xf32, #tpu.memory_space<hbm>>) target(%arg21 : memref<80x16xf32, #tpu.memory_space<vmem>>) offsets(%arg17 : memref<80xi32, #tpu.memory_space<vmem>>) semaphore(%arg26 : memref<!tpu.dma_semaphore, #tpu.memory_space<semaphore_mem>>)
      %dma_wait3A = arith.constant 0 : i32
      %dma_wait3A_109 = arith.constant 0 : i32
      %dma_wait3A_110 = tpu.memref_slice %arg6[%dma_wait3A, %dma_wait3A_109] : memref<10000x16xf32, #tpu.memory_space<hbm>> -> memref<10000x16xf32, #tpu.memory_space<hbm>>
      tpu.wait_indirect_dma semaphore(%arg26 : memref<!tpu.dma_semaphore, #tpu.memory_space<semaphore_mem>>) src(%dma_wait3A_110 : memref<10000x16xf32, #tpu.memory_space<hbm>>) dst(%arg20 : memref<80x16xf32, #tpu.memory_space<vmem>>)
      %dma_wait3A_111 = arith.constant 0 : i32
      %dma_wait3A_112 = arith.constant 0 : i32
      %dma_wait3A_113 = tpu.memref_slice %arg7[%dma_wait3A_111, %dma_wait3A_112] : memref<10000x16xf32, #tpu.memory_space<hbm>> -> memref<10000x16xf32, #tpu.memory_space<hbm>>
      tpu.wait_indirect_dma semaphore(%arg26 : memref<!tpu.dma_semaphore, #tpu.memory_space<semaphore_mem>>) src(%dma_wait3A_113 : memref<10000x16xf32, #tpu.memory_space<hbm>>) dst(%arg21 : memref<80x16xf32, #tpu.memory_space<vmem>>)
      %parallel_loop3A = arith.constant 0 : i32
      %parallel_loop3A_114 = arith.constant 80 : i32
      %parallel_loop3A_115 = arith.constant 1 : i32
      scf.for %parallel_loop3A_122 = %parallel_loop3A to %parallel_loop3A_114 step %parallel_loop3A_115  : i32 {
        %parallel_loop3A_123 = arith.index_cast %parallel_loop3A_122 : i32 to index
        %parallel_loop3A_124 = arith.constant 0 : index
        %parallel_loop3A_125 = tpu.vector_load %arg20[%parallel_loop3A_123, %parallel_loop3A_124] {strides = array<i32>} : memref<80x16xf32, #tpu.memory_space<vmem>>, vector<16xf32>,
        %parallel_loop3A_126 = arith.index_cast %parallel_loop3A_122 : i32 to index
        %parallel_loop3A_127 = arith.constant 0 : index
        %parallel_loop3A_128 = tpu.vector_load %arg21[%parallel_loop3A_126, %parallel_loop3A_127] {strides = array<i32>} : memref<80x16xf32, #tpu.memory_space<vmem>>, vector<16xf32>,
        %parallel_loop3A_129 = arith.addf %parallel_loop3A_125, %parallel_loop3A_128 : vector<16xf32>
        %parallel_loop3A_130 = arith.constant 2.000000e-01 : f32
        %parallel_loop3A_131 = vector.broadcast %parallel_loop3A_130 : f32 to vector<16xf32>
        %parallel_loop3A_132 = arith.mulf %parallel_loop3A_131, %parallel_loop3A_129 : vector<16xf32>
        %parallel_loop3A_133 = arith.maximumf %parallel_loop3A_129, %parallel_loop3A_132 : vector<16xf32>
        %parallel_loop3A_134 = math.exp %parallel_loop3A_133 : vector<16xf32>
        %parallel_loop3A_135 = arith.index_cast %parallel_loop3A_122 : i32 to index
        %parallel_loop3A_136 = arith.constant 0 : index
        %parallel_loop3A_137 = tpu.vector_load %arg23[%parallel_loop3A_135, %parallel_loop3A_136] {strides = array<i32>} : memref<80x16xf32, #tpu.memory_space<vmem>>, vector<16xf32>,
        tpu.vector_store %arg23[%parallel_loop3A_135, %parallel_loop3A_136], %parallel_loop3A_134 {strides = array<i32>} : memref<80x16xf32, #tpu.memory_space<vmem>>, vector<16xf32>,
      } {sc.loop_unroll_factor = 1 : i64, sc.parallel_access}
      %dma_wait3A_116 = arith.constant 0 : i32
      %dma_wait3A_117 = arith.constant 0 : i32
      %dma_wait3A_118 = tpu.memref_slice %arg3[%dma_wait3A_116, %dma_wait3A_117] : memref<10000x128xf32, #tpu.memory_space<hbm>> -> memref<10000x128xf32, #tpu.memory_space<hbm>>
      tpu.wait_indirect_dma semaphore(%arg27 : memref<!tpu.dma_semaphore, #tpu.memory_space<semaphore_mem>>) src(%dma_wait3A_118 : memref<10000x128xf32, #tpu.memory_space<hbm>>) dst(%arg19 : memref<80x128xf32, #tpu.memory_space<vmem>>)
      %parallel_loop3A_119 = arith.constant 0 : i32
      %parallel_loop3A_120 = arith.constant 80 : i32
      %parallel_loop3A_121 = arith.constant 1 : i32
      scf.for %parallel_loop3A_122 = %parallel_loop3A_119 to %parallel_loop3A_120 step %parallel_loop3A_121  : i32 {
        %parallel_loop3A_123 = arith.index_cast %parallel_loop3A_122 : i32 to index
        %parallel_loop3A_124 = arith.constant 0 : index
        %parallel_loop3A_125 = tpu.vector_load %arg23[%parallel_loop3A_123, %parallel_loop3A_124] {strides = array<i32>} : memref<80x16xf32, #tpu.memory_space<vmem>>, vector<16xf32>,
        %parallel_loop3A_126 = arith.index_cast %parallel_loop3A_122 : i32 to index
        %parallel_loop3A_127 = arith.constant 0 : index
        %parallel_loop3A_128 = tpu.vector_load %arg19[%parallel_loop3A_126, %parallel_loop3A_127] {strides = array<i32>} : memref<80x128xf32, #tpu.memory_space<vmem>>, vector<16xf32>,
        %parallel_loop3A_129 = arith.constant 0 : i32
        %parallel_loop3A_130 = vector.broadcast %parallel_loop3A_129 : i32 to vector<16x1xi32>
        %parallel_loop3A_131 = vector.shape_cast %parallel_loop3A_130 : vector<16x1xi32> to vector<16xi32>
        %parallel_loop3A_132 = tpu.dynamic_gather %parallel_loop3A_125[%parallel_loop3A_131] in [0] : vector<16xf32>, vector<16xi32> -> vector<16xf32>
        %parallel_loop3A_133 = arith.mulf %parallel_loop3A_128, %parallel_loop3A_132 : vector<16xf32>
        %parallel_loop3A_134 = arith.index_cast %parallel_loop3A_122 : i32 to index
        %parallel_loop3A_135 = arith.constant 0 : index
        %parallel_loop3A_136 = tpu.vector_load %arg22[%parallel_loop3A_134, %parallel_loop3A_135] {strides = array<i32>} : memref<80x128xf32, #tpu.memory_space<vmem>>, vector<16xf32>,
        tpu.vector_store %arg22[%parallel_loop3A_134, %parallel_loop3A_135], %parallel_loop3A_133 {strides = array<i32>} : memref<80x128xf32, #tpu.memory_space<vmem>>, vector<16xf32>,
        %parallel_loop3A_137 = arith.index_cast %parallel_loop3A_122 : i32 to index
        %parallel_loop3A_138 = arith.constant 16 : index
        %parallel_loop3A_139 = tpu.vector_load %arg19[%parallel_loop3A_137, %parallel_loop3A_138] {strides = array<i32>} : memref<80x128xf32, #tpu.memory_space<vmem>>, vector<16xf32>,
        %parallel_loop3A_140 = arith.constant 1 : i32
        %parallel_loop3A_141 = vector.broadcast %parallel_loop3A_140 : i32 to vector<16x1xi32>
        %parallel_loop3A_142 = vector.shape_cast %parallel_loop3A_141 : vector<16x1xi32> to vector<16xi32>
        %parallel_loop3A_143 = tpu.dynamic_gather %parallel_loop3A_125[%parallel_loop3A_142] in [0] : vector<16xf32>, vector<16xi32> -> vector<16xf32>
        %parallel_loop3A_144 = arith.mulf %parallel_loop3A_139, %parallel_loop3A_143 : vector<16xf32>
        %parallel_loop3A_145 = arith.index_cast %parallel_loop3A_122 : i32 to index
        %parallel_loop3A_146 = arith.constant 16 : index
        %parallel_loop3A_147 = tpu.vector_load %arg22[%parallel_loop3A_145, %parallel_loop3A_146] {strides = array<i32>} : memref<80x128xf32, #tpu.memory_space<vmem>>, vector<16xf32>,
        tpu.vector_store %arg22[%parallel_loop3A_145, %parallel_loop3A_146], %parallel_loop3A_144 {strides = array<i32>} : memref<80x128xf32, #tpu.memory_space<vmem>>, vector<16xf32>,
        %parallel_loop3A_148 = arith.index_cast %parallel_loop3A_122 : i32 to index
        %parallel_loop3A_149 = arith.constant 32 : index
        %parallel_loop3A_150 = tpu.vector_load %arg19[%parallel_loop3A_148, %parallel_loop3A_149] {strides = array<i32>} : memref<80x128xf32, #tpu.memory_space<vmem>>, vector<16xf32>,
        %parallel_loop3A_151 = arith.constant 2 : i32
        %parallel_loop3A_152 = vector.broadcast %parallel_loop3A_151 : i32 to vector<16x1xi32>
        %parallel_loop3A_153 = vector.shape_cast %parallel_loop3A_152 : vector<16x1xi32> to vector<16xi32>
        %parallel_loop3A_154 = tpu.dynamic_gather %parallel_loop3A_125[%parallel_loop3A_153] in [0] : vector<16xf32>, vector<16xi32> -> vector<16xf32>
        %parallel_loop3A_155 = arith.mulf %parallel_loop3A_150, %parallel_loop3A_154 : vector<16xf32>
        %parallel_loop3A_156 = arith.index_cast %parallel_loop3A_122 : i32 to index
        %parallel_loop3A_157 = arith.constant 32 : index
        %parallel_loop3A_158 = tpu.vector_load %arg22[%parallel_loop3A_156, %parallel_loop3A_157] {strides = array<i32>} : memref<80x128xf32, #tpu.memory_space<vmem>>, vector<16xf32>,
        tpu.vector_store %arg22[%parallel_loop3A_156, %parallel_loop3A_157], %parallel_loop3A_155 {strides = array<i32>} : memref<80x128xf32, #tpu.memory_space<vmem>>, vector<16xf32>,
        %parallel_loop3A_159 = arith.index_cast %parallel_loop3A_122 : i32 to index
        %parallel_loop3A_160 = arith.constant 48 : index
        %parallel_loop3A_161 = tpu.vector_load %arg19[%parallel_loop3A_159, %parallel_loop3A_160] {strides = array<i32>} : memref<80x128xf32, #tpu.memory_space<vmem>>, vector<16xf32>,
        %parallel_loop3A_162 = arith.constant 3 : i32
        %parallel_loop3A_163 = vector.broadcast %parallel_loop3A_162 : i32 to vector<16x1xi32>
        %parallel_loop3A_164 = vector.shape_cast %parallel_loop3A_163 : vector<16x1xi32> to vector<16xi32>
        %parallel_loop3A_165 = tpu.dynamic_gather %parallel_loop3A_125[%parallel_loop3A_164] in [0] : vector<16xf32>, vector<16xi32> -> vector<16xf32>
        %parallel_loop3A_166 = arith.mulf %parallel_loop3A_161, %parallel_loop3A_165 : vector<16xf32>
        %parallel_loop3A_167 = arith.index_cast %parallel_loop3A_122 : i32 to index
        %parallel_loop3A_168 = arith.constant 48 : index
        %parallel_loop3A_169 = tpu.vector_load %arg22[%parallel_loop3A_167, %parallel_loop3A_168] {strides = array<i32>} : memref<80x128xf32, #tpu.memory_space<vmem>>, vector<16xf32>,
        tpu.vector_store %arg22[%parallel_loop3A_167, %parallel_loop3A_168], %parallel_loop3A_166 {strides = array<i32>} : memref<80x128xf32, #tpu.memory_space<vmem>>, vector<16xf32>,
        %parallel_loop3A_170 = arith.index_cast %parallel_loop3A_122 : i32 to index
        %parallel_loop3A_171 = arith.constant 64 : index
        %parallel_loop3A_172 = tpu.vector_load %arg19[%parallel_loop3A_170, %parallel_loop3A_171] {strides = array<i32>} : memref<80x128xf32, #tpu.memory_space<vmem>>, vector<16xf32>,
        %parallel_loop3A_173 = arith.constant 4 : i32
        %parallel_loop3A_174 = vector.broadcast %parallel_loop3A_173 : i32 to vector<16x1xi32>
        %parallel_loop3A_175 = vector.shape_cast %parallel_loop3A_174 : vector<16x1xi32> to vector<16xi32>
        %parallel_loop3A_176 = tpu.dynamic_gather %parallel_loop3A_125[%parallel_loop3A_175] in [0] : vector<16xf32>, vector<16xi32> -> vector<16xf32>
        %parallel_loop3A_177 = arith.mulf %parallel_loop3A_172, %parallel_loop3A_176 : vector<16xf32>
        %parallel_loop3A_178 = arith.index_cast %parallel_loop3A_122 : i32 to index
        %parallel_loop3A_179 = arith.constant 64 : index
        %parallel_loop3A_180 = tpu.vector_load %arg22[%parallel_loop3A_178, %parallel_loop3A_179] {strides = array<i32>} : memref<80x128xf32, #tpu.memory_space<vmem>>, vector<16xf32>,
        tpu.vector_store %arg22[%parallel_loop3A_178, %parallel_loop3A_179], %parallel_loop3A_177 {strides = array<i32>} : memref<80x128xf32, #tpu.memory_space<vmem>>, vector<16xf32>,
        %parallel_loop3A_181 = arith.index_cast %parallel_loop3A_122 : i32 to index
        %parallel_loop3A_182 = arith.constant 80 : index
        %parallel_loop3A_183 = tpu.vector_load %arg19[%parallel_loop3A_181, %parallel_loop3A_182] {strides = array<i32>} : memref<80x128xf32, #tpu.memory_space<vmem>>, vector<16xf32>,
        %parallel_loop3A_184 = arith.constant 5 : i32
        %parallel_loop3A_185 = vector.broadcast %parallel_loop3A_184 : i32 to vector<16x1xi32>
        %parallel_loop3A_186 = vector.shape_cast %parallel_loop3A_185 : vector<16x1xi32> to vector<16xi32>
        %parallel_loop3A_187 = tpu.dynamic_gather %parallel_loop3A_125[%parallel_loop3A_186] in [0] : vector<16xf32>, vector<16xi32> -> vector<16xf32>
        %parallel_loop3A_188 = arith.mulf %parallel_loop3A_183, %parallel_loop3A_187 : vector<16xf32>
        %parallel_loop3A_189 = arith.index_cast %parallel_loop3A_122 : i32 to index
        %parallel_loop3A_190 = arith.constant 80 : index
        %parallel_loop3A_191 = tpu.vector_load %arg22[%parallel_loop3A_189, %parallel_loop3A_190] {strides = array<i32>} : memref<80x128xf32, #tpu.memory_space<vmem>>, vector<16xf32>,
        tpu.vector_store %arg22[%parallel_loop3A_189, %parallel_loop3A_190], %parallel_loop3A_188 {strides = array<i32>} : memref<80x128xf32, #tpu.memory_space<vmem>>, vector<16xf32>,
        %parallel_loop3A_192 = arith.index_cast %parallel_loop3A_122 : i32 to index
        %parallel_loop3A_193 = arith.constant 96 : index
        %parallel_loop3A_194 = tpu.vector_load %arg19[%parallel_loop3A_192, %parallel_loop3A_193] {strides = array<i32>} : memref<80x128xf32, #tpu.memory_space<vmem>>, vector<16xf32>,
        %parallel_loop3A_195 = arith.constant 6 : i32
        %parallel_loop3A_196 = vector.broadcast %parallel_loop3A_195 : i32 to vector<16x1xi32>
        %parallel_loop3A_197 = vector.shape_cast %parallel_loop3A_196 : vector<16x1xi32> to vector<16xi32>
        %parallel_loop3A_198 = tpu.dynamic_gather %parallel_loop3A_125[%parallel_loop3A_197] in [0] : vector<16xf32>, vector<16xi32> -> vector<16xf32>
        %parallel_loop3A_199 = arith.mulf %parallel_loop3A_194, %parallel_loop3A_198 : vector<16xf32>
        %parallel_loop3A_200 = arith.index_cast %parallel_loop3A_122 : i32 to index
        %parallel_loop3A_201 = arith.constant 96 : index
        %parallel_loop3A_202 = tpu.vector_load %arg22[%parallel_loop3A_200, %parallel_loop3A_201] {strides = array<i32>} : memref<80x128xf32, #tpu.memory_space<vmem>>, vector<16xf32>,
        tpu.vector_store %arg22[%parallel_loop3A_200, %parallel_loop3A_201], %parallel_loop3A_199 {strides = array<i32>} : memref<80x128xf32, #tpu.memory_space<vmem>>, vector<16xf32>,
        %parallel_loop3A_203 = arith.index_cast %parallel_loop3A_122 : i32 to index
        %parallel_loop3A_204 = arith.constant 112 : index
        %parallel_loop3A_205 = tpu.vector_load %arg19[%parallel_loop3A_203, %parallel_loop3A_204] {strides = array<i32>} : memref<80x128xf32, #tpu.memory_space<vmem>>, vector<16xf32>,
        %parallel_loop3A_206 = arith.constant 7 : i32
        %parallel_loop3A_207 = vector.broadcast %parallel_loop3A_206 : i32 to vector<16x1xi32>
        %parallel_loop3A_208 = vector.shape_cast %parallel_loop3A_207 : vector<16x1xi32> to vector<16xi32>
        %parallel_loop3A_209 = tpu.dynamic_gather %parallel_loop3A_125[%parallel_loop3A_208] in [0] : vector<16xf32>, vector<16xi32> -> vector<16xf32>
        %parallel_loop3A_210 = arith.mulf %parallel_loop3A_205, %parallel_loop3A_209 : vector<16xf32>
        %parallel_loop3A_211 = arith.index_cast %parallel_loop3A_122 : i32 to index
        %parallel_loop3A_212 = arith.constant 112 : index
        %parallel_loop3A_213 = tpu.vector_load %arg22[%parallel_loop3A_211, %parallel_loop3A_212] {strides = array<i32>} : memref<80x128xf32, #tpu.memory_space<vmem>>, vector<16xf32>,
        tpu.vector_store %arg22[%parallel_loop3A_211, %parallel_loop3A_212], %parallel_loop3A_210 {strides = array<i32>} : memref<80x128xf32, #tpu.memory_space<vmem>>, vector<16xf32>,
      } {sc.loop_unroll_factor = 4 : i64, sc.parallel_access}
      "tpu.region"() ({
        %run_scoped3A = tpu.sem_alloc : memref<!tpu.dma_semaphore, #tpu.memory_space<semaphore_mem>>
        %dma_start3A_122 = arith.constant 0 : i32
        %dma_start3A_123 = arith.constant 0 : i32
        %dma_start3A_124 = tpu.memref_slice %arg24[%dma_start3A_122, %dma_start3A_123] : memref<10112x128xf32, #tpu.memory_space<vmem_shared>> -> memref<10112x128xf32, #tpu.memory_space<vmem_shared>>
        tpu.enqueue_indirect_dma source(%arg22 : memref<80x128xf32, #tpu.memory_space<vmem>>) target(%dma_start3A_124 : memref<10112x128xf32, #tpu.memory_space<vmem_shared>>) offsets(%arg17 : memref<80xi32, #tpu.memory_space<vmem>>) semaphore(%run_scoped3A : memref<!tpu.dma_semaphore, #tpu.memory_space<semaphore_mem>>) {add = true}
        %dma_wait3A_125 = arith.constant 0 : i32
        %dma_wait3A_126 = arith.constant 0 : i32
        %dma_wait3A_127 = tpu.memref_slice %arg24[%dma_wait3A_125, %dma_wait3A_126] : memref<10112x128xf32, #tpu.memory_space<vmem_shared>> -> memref<10112x128xf32, #tpu.memory_space<vmem_shared>>
        tpu.wait_indirect_dma semaphore(%run_scoped3A : memref<!tpu.dma_semaphore, #tpu.memory_space<semaphore_mem>>) src(%arg22 : memref<80x128xf32, #tpu.memory_space<vmem>>) dst(%dma_wait3A_127 : memref<10112x128xf32, #tpu.memory_space<vmem_shared>>)
        tpu.yield
      }) : () -> ()
      "tpu.region"() ({
        %run_scoped3A = tpu.sem_alloc : memref<!tpu.dma_semaphore, #tpu.memory_space<semaphore_mem>>
        %dma_start3A_122 = arith.constant 0 : i32
        %dma_start3A_123 = arith.constant 0 : i32
        %dma_start3A_124 = tpu.memref_slice %arg25[%dma_start3A_122, %dma_start3A_123] : memref<10112x16xf32, #tpu.memory_space<vmem_shared>> -> memref<10112x16xf32, #tpu.memory_space<vmem_shared>>
        tpu.enqueue_indirect_dma source(%arg23 : memref<80x16xf32, #tpu.memory_space<vmem>>) target(%dma_start3A_124 : memref<10112x16xf32, #tpu.memory_space<vmem_shared>>) offsets(%arg17 : memref<80xi32, #tpu.memory_space<vmem>>) semaphore(%run_scoped3A : memref<!tpu.dma_semaphore, #tpu.memory_space<semaphore_mem>>) {add = true}
        %dma_wait3A_125 = arith.constant 0 : i32
        %dma_wait3A_126 = arith.constant 0 : i32
        %dma_wait3A_127 = tpu.memref_slice %arg25[%dma_wait3A_125, %dma_wait3A_126] : memref<10112x16xf32, #tpu.memory_space<vmem_shared>> -> memref<10112x16xf32, #tpu.memory_space<vmem_shared>>
        tpu.wait_indirect_dma semaphore(%run_scoped3A : memref<!tpu.dma_semaphore, #tpu.memory_space<semaphore_mem>>) src(%arg23 : memref<80x16xf32, #tpu.memory_space<vmem>>) dst(%dma_wait3A_127 : memref<10112x16xf32, #tpu.memory_space<vmem_shared>>)
        tpu.yield
      }) : () -> ()
    }
    %scan3A_92 = arith.constant 125 : i32
    %barrier3A_93 = arith.constant 0 : index
    tpu.barrier barrier_id(%barrier3A_93)
    "tpu.region"() ({
      %run_scoped3A = tpu.sem_alloc : memref<!tpu.dma_semaphore, #tpu.memory_space<semaphore_mem>>
      %dma_start3A = arith.constant 0 : i32
      %dma_start3A_95 = tpu.memref_slice %arg14[%arg0, %mul3A_2, %dma_start3A] : memref<2x10112x128xf32, #tpu.memory_space<hbm>> -> memref<1x632x128xf32, #tpu.memory_space<hbm>>
      %dma_start3A_96 = tpu.memref_squeeze %dma_start3A_95 : memref<1x632x128xf32, #tpu.memory_space<hbm>> -> memref<632x128xf32, #tpu.memory_space<hbm>>
      %dma_start3A_97 = arith.constant 0 : i32
      %dma_start3A_98 = tpu.memref_slice %arg24[%mul3A_2, %dma_start3A_97] : memref<10112x128xf32, #tpu.memory_space<vmem_shared>> -> memref<632x128xf32, #tpu.memory_space<vmem_shared>>
      tpu.enqueue_dma source(%dma_start3A_98 : memref<632x128xf32, #tpu.memory_space<vmem_shared>>) target(%dma_start3A_96 : memref<632x128xf32, #tpu.memory_space<hbm>>) target_semaphore(%run_scoped3A : memref<!tpu.dma_semaphore, #tpu.memory_space<semaphore_mem>>)
      %dma_wait3A = arith.constant 0 : i32
      %dma_wait3A_99 = tpu.memref_slice %arg14[%arg0, %mul3A_2, %dma_wait3A] : memref<2x10112x128xf32, #tpu.memory_space<hbm>> -> memref<1x632x128xf32, #tpu.memory_space<hbm>>
      %dma_wait3A_100 = tpu.memref_squeeze %dma_wait3A_99 : memref<1x632x128xf32, #tpu.memory_space<hbm>> -> memref<632x128xf32, #tpu.memory_space<hbm>>
      %dma_wait3A_101 = arith.constant 0 : i32
      %dma_wait3A_102 = tpu.memref_slice %arg24[%mul3A_2, %dma_wait3A_101] : memref<10112x128xf32, #tpu.memory_space<vmem_shared>> -> memref<632x128xf32, #tpu.memory_space<vmem_shared>>
      tpu.wait_dma2 semaphore(%run_scoped3A : memref<!tpu.dma_semaphore, #tpu.memory_space<semaphore_mem>>) src(%dma_wait3A_102 : memref<632x128xf32, #tpu.memory_space<vmem_shared>>) dst(%dma_wait3A_100 : memref<632x128xf32, #tpu.memory_space<hbm>>)
      tpu.yield
    }) : () -> ()
    "tpu.region"() ({
      %run_scoped3A = tpu.sem_alloc : memref<!tpu.dma_semaphore, #tpu.memory_space<semaphore_mem>>
      %dma_start3A = arith.constant 0 : i32
      %dma_start3A_95 = tpu.memref_slice %arg15[%arg0, %mul3A_2, %dma_start3A] : memref<2x10112x16xf32, #tpu.memory_space<hbm>> -> memref<1x632x16xf32, #tpu.memory_space<hbm>>
      %dma_start3A_96 = tpu.memref_squeeze %dma_start3A_95 : memref<1x632x16xf32, #tpu.memory_space<hbm>> -> memref<632x16xf32, #tpu.memory_space<hbm>>
      %dma_start3A_97 = arith.constant 0 : i32
      %dma_start3A_98 = tpu.memref_slice %arg25[%mul3A_2, %dma_start3A_97] : memref<10112x16xf32, #tpu.memory_space<vmem_shared>> -> memref<632x16xf32, #tpu.memory_space<vmem_shared>>
      tpu.enqueue_dma source(%dma_start3A_98 : memref<632x16xf32, #tpu.memory_space<vmem_shared>>) target(%dma_start3A_96 : memref<632x16xf32, #tpu.memory_space<hbm>>) target_semaphore(%run_scoped3A : memref<!tpu.dma_semaphore, #tpu.memory_space<semaphore_mem>>)
      %dma_wait3A = arith.constant 0 : i32
      %dma_wait3A_99 = tpu.memref_slice %arg15[%arg0, %mul3A_2, %dma_wait3A] : memref<2x10112x16xf32, #tpu.memory_space<hbm>> -> memref<1x632x16xf32, #tpu.memory_space<hbm>>
      %dma_wait3A_100 = tpu.memref_squeeze %dma_wait3A_99 : memref<1x632x16xf32, #tpu.memory_space<hbm>> -> memref<632x16xf32, #tpu.memory_space<hbm>>
      %dma_wait3A_101 = arith.constant 0 : i32
      %dma_wait3A_102 = tpu.memref_slice %arg25[%mul3A_2, %dma_wait3A_101] : memref<10112x16xf32, #tpu.memory_space<vmem_shared>> -> memref<632x16xf32, #tpu.memory_space<vmem_shared>>
      tpu.wait_dma2 semaphore(%run_scoped3A : memref<!tpu.dma_semaphore, #tpu.memory_space<semaphore_mem>>) src(%dma_wait3A_102 : memref<632x16xf32, #tpu.memory_space<vmem_shared>>) dst(%dma_wait3A_100 : memref<632x16xf32, #tpu.memory_space<hbm>>)
      tpu.yield
    }) : () -> ()
    %barrier3A_94 = arith.constant 0 : index
    tpu.barrier barrier_id(%barrier3A_94)
    return
  }
}

module attributes {stable_mosaic.version = 14 : i64} {
  func.func @_proj_body(%arg0: i32, %arg1: memref<2000x128xf32, #tpu.memory_space<vmem>>, %arg2: memref<2000x128xf32, #tpu.memory_space<vmem>>, %arg3: memref<128x128xf32, #tpu.memory_space<vmem>>, %arg4: memref<1x128xf32, #tpu.memory_space<vmem>>, %arg5: memref<128x128xf32, #tpu.memory_space<vmem>>, %arg6: memref<1x128xf32, #tpu.memory_space<vmem>>, %arg7: memref<128x16xf32, #tpu.memory_space<vmem>>, %arg8: memref<128x16xf32, #tpu.memory_space<vmem>>, %arg9: memref<128x16xf32, #tpu.memory_space<vmem>>, %arg10: memref<128x16xf32, #tpu.memory_space<vmem>>, %arg11: memref<128x128xf32, #tpu.memory_space<vmem>>, %arg12: memref<2000x128xf32, #tpu.memory_space<vmem>>, %arg13: memref<2000x128xf32, #tpu.memory_space<vmem>>, %arg14: memref<2000x16xf32, #tpu.memory_space<vmem>>, %arg15: memref<2000x16xf32, #tpu.memory_space<vmem>>, %arg16: memref<2000x16xf32, #tpu.memory_space<vmem>>, %arg17: memref<2000x16xf32, #tpu.memory_space<vmem>>) attributes {dimension_semantics = [#tpu.dimension_semantics<arbitrary>], iteration_bounds = array<i64: 5>, scalar_prefetch = 0 : i64, scratch_operands = 0 : i64, tpu.core_type = #tpu.core_type<tc>, window_params = [{transform_indices = @transform_0, window_bounds = array<i64: 2000, 128>}, {transform_indices = @transform_1, window_bounds = array<i64: 2000, 128>}, {pipeline_mode = #tpu.pipeline_mode<synchronous>, transform_indices = @transform_2, window_bounds = array<i64: 128, 128>}, {pipeline_mode = #tpu.pipeline_mode<synchronous>, transform_indices = @transform_3, window_bounds = array<i64: 1, 128>}, {pipeline_mode = #tpu.pipeline_mode<synchronous>, transform_indices = @transform_4, window_bounds = array<i64: 128, 128>}, {pipeline_mode = #tpu.pipeline_mode<synchronous>, transform_indices = @transform_5, window_bounds = array<i64: 1, 128>}, {pipeline_mode = #tpu.pipeline_mode<synchronous>, transform_indices = @transform_6, window_bounds = array<i64: 128, 16>}, {pipeline_mode = #tpu.pipeline_mode<synchronous>, transform_indices = @transform_7, window_bounds = array<i64: 128, 16>}, {pipeline_mode = #tpu.pipeline_mode<synchronous>, transform_indices = @transform_8, window_bounds = array<i64: 128, 16>}, {pipeline_mode = #tpu.pipeline_mode<synchronous>, transform_indices = @transform_9, window_bounds = array<i64: 128, 16>}, {pipeline_mode = #tpu.pipeline_mode<synchronous>, transform_indices = @transform_10, window_bounds = array<i64: 128, 128>}, {transform_indices = @transform_11, window_bounds = array<i64: 2000, 128>}, {transform_indices = @transform_12, window_bounds = array<i64: 2000, 128>}, {transform_indices = @transform_13, window_bounds = array<i64: 2000, 16>}, {transform_indices = @transform_14, window_bounds = array<i64: 2000, 16>}, {transform_indices = @transform_15, window_bounds = array<i64: 2000, 16>}, {transform_indices = @transform_16, window_bounds = array<i64: 2000, 16>}]} {
    %get3A = arith.constant 0 : index
    %get3A_0 = arith.constant 0 : index
    %get3A_1 = vector.load %arg1[%get3A, %get3A_0] : memref<2000x128xf32, #tpu.memory_space<vmem>>, vector<2000x128xf32>
    %get3A_2 = arith.constant 0 : index
    %get3A_3 = arith.constant 0 : index
    %get3A_4 = vector.load %arg3[%get3A_2, %get3A_3] : memref<128x128xf32, #tpu.memory_space<vmem>>, vector<128x128xf32>
    %dot_general3A = arith.constant dense<0.000000e+00> : vector<2000x128xf32>
    %dot_general3A_5 = tpu.matmul %get3A_1, %get3A_4, %dot_general3A {dimension_numbers = #tpu.dot_dimension_numbers<[1], [0], [0], [1], [0, 0, 1, 1], [], []>, transpose_lhs_hint = false} : vector<2000x128xf32>, vector<128x128xf32>, vector<2000x128xf32> -> vector<2000x128xf32>
    %get3A_6 = arith.constant 0 : index
    %get3A_7 = arith.constant 0 : index
    %get3A_8 = vector.load %arg4[%get3A_6, %get3A_7] : memref<1x128xf32, #tpu.memory_space<vmem>>, vector<1x128xf32>
    %add3A = vector.broadcast %get3A_8 : vector<1x128xf32> to vector<2000x128xf32>
    %add3A_9 = arith.addf %dot_general3A_5, %add3A : vector<2000x128xf32>
    %get3A_10 = arith.constant 0 : index
    %get3A_11 = arith.constant 0 : index
    %get3A_12 = vector.load %arg2[%get3A_10, %get3A_11] : memref<2000x128xf32, #tpu.memory_space<vmem>>, vector<2000x128xf32>
    %get3A_13 = arith.constant 0 : index
    %get3A_14 = arith.constant 0 : index
    %get3A_15 = vector.load %arg5[%get3A_13, %get3A_14] : memref<128x128xf32, #tpu.memory_space<vmem>>, vector<128x128xf32>
    %dot_general3A_16 = arith.constant dense<0.000000e+00> : vector<2000x128xf32>
    %dot_general3A_17 = tpu.matmul %get3A_12, %get3A_15, %dot_general3A_16 {dimension_numbers = #tpu.dot_dimension_numbers<[1], [0], [0], [1], [0, 0, 1, 1], [], []>, transpose_lhs_hint = false} : vector<2000x128xf32>, vector<128x128xf32>, vector<2000x128xf32> -> vector<2000x128xf32>
    %get3A_18 = arith.constant 0 : index
    %get3A_19 = arith.constant 0 : index
    %get3A_20 = vector.load %arg6[%get3A_18, %get3A_19] : memref<1x128xf32, #tpu.memory_space<vmem>>, vector<1x128xf32>
    %add3A_21 = vector.broadcast %get3A_20 : vector<1x128xf32> to vector<2000x128xf32>
    %add3A_22 = arith.addf %dot_general3A_17, %add3A_21 : vector<2000x128xf32>
    %swap3A = arith.constant 0 : index
    %swap3A_23 = arith.constant 0 : index
    %swap3A_24 = vector.load %arg12[%swap3A, %swap3A_23] : memref<2000x128xf32, #tpu.memory_space<vmem>>, vector<2000x128xf32>
    tpu.vector_store %arg12[%swap3A, %swap3A_23], %add3A_9 {strides = array<i32>} : memref<2000x128xf32, #tpu.memory_space<vmem>>, vector<2000x128xf32>,
    %swap3A_25 = arith.constant 0 : index
    %swap3A_26 = arith.constant 0 : index
    %swap3A_27 = vector.load %arg13[%swap3A_25, %swap3A_26] : memref<2000x128xf32, #tpu.memory_space<vmem>>, vector<2000x128xf32>
    tpu.vector_store %arg13[%swap3A_25, %swap3A_26], %add3A_22 {strides = array<i32>} : memref<2000x128xf32, #tpu.memory_space<vmem>>, vector<2000x128xf32>,
    %get3A_28 = arith.constant 0 : index
    %get3A_29 = arith.constant 0 : index
    %get3A_30 = vector.load %arg7[%get3A_28, %get3A_29] : memref<128x16xf32, #tpu.memory_space<vmem>>, vector<128x16xf32>
    %dot_general3A_31 = arith.constant dense<0.000000e+00> : vector<2000x16xf32>
    %dot_general3A_32 = tpu.matmul %add3A_9, %get3A_30, %dot_general3A_31 {dimension_numbers = #tpu.dot_dimension_numbers<[1], [0], [0], [1], [0, 0, 1, 1], [], []>, transpose_lhs_hint = false} : vector<2000x128xf32>, vector<128x16xf32>, vector<2000x16xf32> -> vector<2000x16xf32>
    %swap3A_33 = arith.constant 0 : index
    %swap3A_34 = arith.constant 0 : index
    %swap3A_35 = vector.load %arg14[%swap3A_33, %swap3A_34] : memref<2000x16xf32, #tpu.memory_space<vmem>>, vector<2000x16xf32>
    tpu.vector_store %arg14[%swap3A_33, %swap3A_34], %dot_general3A_32 {strides = array<i32>} : memref<2000x16xf32, #tpu.memory_space<vmem>>, vector<2000x16xf32>,
    %get3A_36 = arith.constant 0 : index
    %get3A_37 = arith.constant 0 : index
    %get3A_38 = vector.load %arg10[%get3A_36, %get3A_37] : memref<128x16xf32, #tpu.memory_space<vmem>>, vector<128x16xf32>
    %dot_general3A_39 = arith.constant dense<0.000000e+00> : vector<2000x16xf32>
    %dot_general3A_40 = tpu.matmul %add3A_9, %get3A_38, %dot_general3A_39 {dimension_numbers = #tpu.dot_dimension_numbers<[1], [0], [0], [1], [0, 0, 1, 1], [], []>, transpose_lhs_hint = false} : vector<2000x128xf32>, vector<128x16xf32>, vector<2000x16xf32> -> vector<2000x16xf32>
    %swap3A_41 = arith.constant 0 : index
    %swap3A_42 = arith.constant 0 : index
    %swap3A_43 = vector.load %arg17[%swap3A_41, %swap3A_42] : memref<2000x16xf32, #tpu.memory_space<vmem>>, vector<2000x16xf32>
    tpu.vector_store %arg17[%swap3A_41, %swap3A_42], %dot_general3A_40 {strides = array<i32>} : memref<2000x16xf32, #tpu.memory_space<vmem>>, vector<2000x16xf32>,
    %get3A_44 = arith.constant 0 : index
    %get3A_45 = arith.constant 0 : index
    %get3A_46 = vector.load %arg9[%get3A_44, %get3A_45] : memref<128x16xf32, #tpu.memory_space<vmem>>, vector<128x16xf32>
    %dot_general3A_47 = arith.constant dense<0.000000e+00> : vector<2000x16xf32>
    %dot_general3A_48 = tpu.matmul %add3A_22, %get3A_46, %dot_general3A_47 {dimension_numbers = #tpu.dot_dimension_numbers<[1], [0], [0], [1], [0, 0, 1, 1], [], []>, transpose_lhs_hint = false} : vector<2000x128xf32>, vector<128x16xf32>, vector<2000x16xf32> -> vector<2000x16xf32>
    %swap3A_49 = arith.constant 0 : index
    %swap3A_50 = arith.constant 0 : index
    %swap3A_51 = vector.load %arg16[%swap3A_49, %swap3A_50] : memref<2000x16xf32, #tpu.memory_space<vmem>>, vector<2000x16xf32>
    tpu.vector_store %arg16[%swap3A_49, %swap3A_50], %dot_general3A_48 {strides = array<i32>} : memref<2000x16xf32, #tpu.memory_space<vmem>>, vector<2000x16xf32>,
    %get3A_52 = arith.constant 0 : index
    %get3A_53 = arith.constant 0 : index
    %get3A_54 = vector.load %arg8[%get3A_52, %get3A_53] : memref<128x16xf32, #tpu.memory_space<vmem>>, vector<128x16xf32>
    %dot_general3A_55 = arith.constant dense<0.000000e+00> : vector<2000x16xf32>
    %dot_general3A_56 = tpu.matmul %add3A_22, %get3A_54, %dot_general3A_55 {dimension_numbers = #tpu.dot_dimension_numbers<[1], [0], [0], [1], [0, 0, 1, 1], [], []>, transpose_lhs_hint = false} : vector<2000x128xf32>, vector<128x16xf32>, vector<2000x16xf32> -> vector<2000x16xf32>
    %swap3A_57 = arith.constant 0 : index
    %swap3A_58 = arith.constant 0 : index
    %swap3A_59 = vector.load %arg15[%swap3A_57, %swap3A_58] : memref<2000x16xf32, #tpu.memory_space<vmem>>, vector<2000x16xf32>
    tpu.vector_store %arg15[%swap3A_57, %swap3A_58], %dot_general3A_56 {strides = array<i32>} : memref<2000x16xf32, #tpu.memory_space<vmem>>, vector<2000x16xf32>,
    return
  }
  func.func @transform_0(%arg0: i32) -> (i32, i32) {
    %c0_i32 = arith.constant 0 : i32
    %c0_i32_0 = arith.constant 0 : i32
    return %arg0, %c0_i32 : i32, i32
  }
  func.func @transform_1(%arg0: i32) -> (i32, i32) {
    %c0_i32 = arith.constant 0 : i32
    %c0_i32_0 = arith.constant 0 : i32
    return %arg0, %c0_i32 : i32, i32
  }
  func.func @transform_2(%arg0: i32) -> (i32, i32) {
    %c0_i32 = arith.constant 0 : i32
    %c0_i32_0 = arith.constant 0 : i32
    %c0_i32_1 = arith.constant 0 : i32
    return %c0_i32, %c0_i32_0 : i32, i32
  }
  func.func @transform_3(%arg0: i32) -> (i32, i32) {
    %c0_i32 = arith.constant 0 : i32
    %c0_i32_0 = arith.constant 0 : i32
    %c0_i32_1 = arith.constant 0 : i32
    return %c0_i32, %c0_i32_0 : i32, i32
  }
  func.func @transform_4(%arg0: i32) -> (i32, i32) {
    %c0_i32 = arith.constant 0 : i32
    %c0_i32_0 = arith.constant 0 : i32
    %c0_i32_1 = arith.constant 0 : i32
    return %c0_i32, %c0_i32_0 : i32, i32
  }
  func.func @transform_5(%arg0: i32) -> (i32, i32) {
    %c0_i32 = arith.constant 0 : i32
    %c0_i32_0 = arith.constant 0 : i32
    %c0_i32_1 = arith.constant 0 : i32
    return %c0_i32, %c0_i32_0 : i32, i32
  }
  func.func @transform_6(%arg0: i32) -> (i32, i32) {
    %c0_i32 = arith.constant 0 : i32
    %c0_i32_0 = arith.constant 0 : i32
    %c0_i32_1 = arith.constant 0 : i32
    return %c0_i32, %c0_i32_0 : i32, i32
  }
  func.func @transform_7(%arg0: i32) -> (i32, i32) {
    %c0_i32 = arith.constant 0 : i32
    %c0_i32_0 = arith.constant 0 : i32
    %c0_i32_1 = arith.constant 0 : i32
    return %c0_i32, %c0_i32_0 : i32, i32
  }
  func.func @transform_8(%arg0: i32) -> (i32, i32) {
    %c0_i32 = arith.constant 0 : i32
    %c0_i32_0 = arith.constant 0 : i32
    %c0_i32_1 = arith.constant 0 : i32
    return %c0_i32, %c0_i32_0 : i32, i32
  }
  func.func @transform_9(%arg0: i32) -> (i32, i32) {
    %c0_i32 = arith.constant 0 : i32
    %c0_i32_0 = arith.constant 0 : i32
    %c0_i32_1 = arith.constant 0 : i32
    return %c0_i32, %c0_i32_0 : i32, i32
  }
  func.func @transform_10(%arg0: i32) -> (i32, i32) {
    %c0_i32 = arith.constant 0 : i32
    %c0_i32_0 = arith.constant 0 : i32
    %c0_i32_1 = arith.constant 0 : i32
    return %c0_i32, %c0_i32_0 : i32, i32
  }
  func.func @transform_11(%arg0: i32) -> (i32, i32) {
    %c0_i32 = arith.constant 0 : i32
    %c0_i32_0 = arith.constant 0 : i32
    return %arg0, %c0_i32 : i32, i32
  }
  func.func @transform_12(%arg0: i32) -> (i32, i32) {
    %c0_i32 = arith.constant 0 : i32
    %c0_i32_0 = arith.constant 0 : i32
    return %arg0, %c0_i32 : i32, i32
  }
  func.func @transform_13(%arg0: i32) -> (i32, i32) {
    %c0_i32 = arith.constant 0 : i32
    %c0_i32_0 = arith.constant 0 : i32
    return %arg0, %c0_i32 : i32, i32
  }
  func.func @transform_14(%arg0: i32) -> (i32, i32) {
    %c0_i32 = arith.constant 0 : i32
    %c0_i32_0 = arith.constant 0 : i32
    return %arg0, %c0_i32 : i32, i32
  }
  func.func @transform_15(%arg0: i32) -> (i32, i32) {
    %c0_i32 = arith.constant 0 : i32
    %c0_i32_0 = arith.constant 0 : i32
    return %arg0, %c0_i32 : i32, i32
  }
  func.func @transform_16(%arg0: i32) -> (i32, i32) {
    %c0_i32 = arith.constant 0 : i32
    %c0_i32_0 = arith.constant 0 : i32
    return %arg0, %c0_i32 : i32, i32
  }
}

module attributes {stable_mosaic.version = 14 : i64} {
  func.func @_epi_body(%arg0: i32, %arg1: memref<2x2000x128xf32, #tpu.memory_space<vmem>>, %arg2: memref<2x2000x16xf32, #tpu.memory_space<vmem>>, %arg3: memref<2000x128xf32, #tpu.memory_space<vmem>>) attributes {dimension_semantics = [#tpu.dimension_semantics<arbitrary>], iteration_bounds = array<i64: 5>, scalar_prefetch = 0 : i64, scratch_operands = 0 : i64, tpu.core_type = #tpu.core_type<tc>, window_params = [{transform_indices = @transform_0, window_bounds = array<i64: 2, 2000, 128>}, {transform_indices = @transform_1, window_bounds = array<i64: 2, 2000, 16>}, {transform_indices = @transform_2, window_bounds = array<i64: 2000, 128>}]} {
    %get3A = arith.constant 0 : index
    %get3A_0 = arith.constant 0 : index
    %get3A_1 = arith.constant 0 : index
    %get3A_2 = vector.load %arg1[%get3A, %get3A_0, %get3A_1] : memref<2x2000x128xf32, #tpu.memory_space<vmem>>, vector<1x2000x128xf32>
    %get3A_3 = vector.shape_cast %get3A_2 : vector<1x2000x128xf32> to vector<2000x128xf32>
    %get3A_4 = arith.constant 1 : index
    %get3A_5 = arith.constant 0 : index
    %get3A_6 = arith.constant 0 : index
    %get3A_7 = vector.load %arg1[%get3A_4, %get3A_5, %get3A_6] : memref<2x2000x128xf32, #tpu.memory_space<vmem>>, vector<1x2000x128xf32>
    %get3A_8 = vector.shape_cast %get3A_7 : vector<1x2000x128xf32> to vector<2000x128xf32>
    %add3A = arith.addf %get3A_3, %get3A_8 : vector<2000x128xf32>
    %get3A_9 = arith.constant 0 : index
    %get3A_10 = arith.constant 0 : index
    %get3A_11 = arith.constant 0 : index
    %get3A_12 = vector.load %arg2[%get3A_9, %get3A_10, %get3A_11] : memref<2x2000x16xf32, #tpu.memory_space<vmem>>, vector<1x2000x16xf32>
    %get3A_13 = vector.shape_cast %get3A_12 : vector<1x2000x16xf32> to vector<2000x16xf32>
    %get3A_14 = arith.constant 1 : index
    %get3A_15 = arith.constant 0 : index
    %get3A_16 = arith.constant 0 : index
    %get3A_17 = vector.load %arg2[%get3A_14, %get3A_15, %get3A_16] : memref<2x2000x16xf32, #tpu.memory_space<vmem>>, vector<1x2000x16xf32>
    %get3A_18 = vector.shape_cast %get3A_17 : vector<1x2000x16xf32> to vector<2000x16xf32>
    %add3A_19 = arith.addf %get3A_13, %get3A_18 : vector<2000x16xf32>
    %iota3A = tpu.iota {dimensions = array<i32: 0>} : vector<16x128xi32>
    %iota3A_20 = tpu.iota {dimensions = array<i32: 1>} : vector<16x128xi32>
    %jit3A = arith.constant 16 : i32
    %div3A = vector.broadcast %jit3A : i32 to vector<16x128xi32>
    %div3A_21 = arith.divsi %iota3A_20, %div3A : vector<16x128xi32>
    %sign3A = arith.constant 0 : i32
    %sign3A_22 = vector.broadcast %sign3A : i32 to vector<16x128xi32>
    %sign3A_23 = arith.cmpi sgt, %iota3A_20, %sign3A_22 : vector<16x128xi32>
    %sign3A_24 = arith.extui %sign3A_23 : vector<16x128xi1> to vector<16x128xi32>
    %sign3A_25 = arith.constant 0 : i32
    %sign3A_26 = vector.broadcast %sign3A_25 : i32 to vector<16x128xi32>
    %sign3A_27 = arith.cmpi slt, %iota3A_20, %sign3A_26 : vector<16x128xi32>
    %sign3A_28 = arith.extui %sign3A_27 : vector<16x128xi1> to vector<16x128xi32>
    %sign3A_29 = arith.subi %sign3A_24, %sign3A_28 : vector<16x128xi32>
    %sign3A_30 = arith.constant 0 : i32
    %sign3A_31 = arith.cmpi sgt, %jit3A, %sign3A_30 : i32
    %sign3A_32 = arith.extui %sign3A_31 : i1 to i32
    %sign3A_33 = arith.constant 0 : i32
    %sign3A_34 = arith.cmpi slt, %jit3A, %sign3A_33 : i32
    %sign3A_35 = arith.extui %sign3A_34 : i1 to i32
    %sign3A_36 = arith.subi %sign3A_32, %sign3A_35 : i32
    %ne3A = vector.broadcast %sign3A_36 : i32 to vector<16x128xi32>
    %ne3A_37 = arith.cmpi ne, %sign3A_29, %ne3A : vector<16x128xi32>
    %rem3A = vector.broadcast %jit3A : i32 to vector<16x128xi32>
    %rem3A_38 = arith.remsi %iota3A_20, %rem3A : vector<16x128xi32>
    %ne3A_39 = arith.constant 0 : i32
    %ne3A_40 = vector.broadcast %ne3A_39 : i32 to vector<16x128xi32>
    %ne3A_41 = arith.cmpi ne, %rem3A_38, %ne3A_40 : vector<16x128xi32>
    %and3A = arith.andi %ne3A_37, %ne3A_41 : vector<16x128xi1>
    %sub3A = arith.constant 1 : i32
    %sub3A_42 = vector.broadcast %sub3A : i32 to vector<16x128xi32>
    %sub3A_43 = arith.subi %div3A_21, %sub3A_42 : vector<16x128xi32>
    %select_n3A = arith.select %and3A, %sub3A_43, %div3A_21 : vector<16x128xi1>, vector<16x128xi32>
    %eq3A = arith.cmpi eq, %iota3A, %select_n3A : vector<16x128xi32>
    %jit3A_44 = arith.constant 1.000000e+00 : f32
    %jit3A_45 = arith.constant 0.000000e+00 : f32
    %broadcast_in_dim3A = vector.broadcast %jit3A_44 : f32 to vector<16x128xf32>
    %broadcast_in_dim3A_46 = vector.broadcast %jit3A_45 : f32 to vector<16x128xf32>
    %select_n3A_47 = arith.select %eq3A, %broadcast_in_dim3A, %broadcast_in_dim3A_46 : vector<16x128xi1>, vector<16x128xf32>
    %dot_general3A = arith.constant dense<0.000000e+00> : vector<2000x128xf32>
    %dot_general3A_48 = tpu.matmul %add3A_19, %select_n3A_47, %dot_general3A {dimension_numbers = #tpu.dot_dimension_numbers<[1], [0], [0], [1], [0, 0, 1, 1], [], []>, transpose_lhs_hint = false} : vector<2000x16xf32>, vector<16x128xf32>, vector<2000x128xf32> -> vector<2000x128xf32>
    %add3A_49 = arith.constant 1.000000e-16 : f32
    %add3A_50 = vector.broadcast %add3A_49 : f32 to vector<2000x128xf32>
    %add3A_51 = arith.addf %dot_general3A_48, %add3A_50 : vector<2000x128xf32>
    %div3A_52 = arith.divf %add3A, %add3A_51 : vector<2000x128xf32>
    %max3A = arith.constant 0.000000e+00 : f32
    %max3A_53 = vector.broadcast %max3A : f32 to vector<2000x128xf32>
    %max3A_54 = arith.maximumf %div3A_52, %max3A_53 : vector<2000x128xf32>
    %swap3A = arith.constant 0 : index
    %swap3A_55 = arith.constant 0 : index
    %swap3A_56 = vector.load %arg3[%swap3A, %swap3A_55] : memref<2000x128xf32, #tpu.memory_space<vmem>>, vector<2000x128xf32>
    tpu.vector_store %arg3[%swap3A, %swap3A_55], %max3A_54 {strides = array<i32>} : memref<2000x128xf32, #tpu.memory_space<vmem>>, vector<2000x128xf32>,
    return
  }
  func.func @transform_0(%arg0: i32) -> (i32, i32, i32) {
    %c0_i32 = arith.constant 0 : i32
    %c0_i32_0 = arith.constant 0 : i32
    %c0_i32_1 = arith.constant 0 : i32
    return %c0_i32, %arg0, %c0_i32_0 : i32, i32, i32
  }
  func.func @transform_1(%arg0: i32) -> (i32, i32, i32) {
    %c0_i32 = arith.constant 0 : i32
    %c0_i32_0 = arith.constant 0 : i32
    %c0_i32_1 = arith.constant 0 : i32
    return %c0_i32, %arg0, %c0_i32_0 : i32, i32, i32
  }
  func.func @transform_2(%arg0: i32) -> (i32, i32) {
    %c0_i32 = arith.constant 0 : i32
    %c0_i32_0 = arith.constant 0 : i32
    return %arg0, %c0_i32 : i32, i32
  }
}

</mosaic_0001>

<sc_bundles>
// kernel: kernel.6.cloned.1.call-start
scs
__scs_entry_jumppad:
0x0: {  	(pc) =	sbr.rel $0x88, $3  }
0x1: {  	(tag) =	ssettag $0x0;
	lr =	simm.s32 $0x1  }
0x2: {  	[smem:$0x3F95] =	sst lr;
	_ =	strace $0xD0000000  }
0x3: {  	_ = 	snop  }
0x4: {  	_ = 	snop  }
0x5: {  	_ = 	snop  }
0x6: {  	_ = 	snop  }
0x7: {  	_ = 	snop  }
__scs_overlays_trampoline_lowered:
0x8: {  	[smem:$0x3FA4] =	sst s0  }
0x9: {  	[smem:$0x3FA5] =	sst s1  }
0xa: {  	[smem:$0x3FA6] =	sst s2  }
0xb: {  	[smem:$0x3FA7] =	sst s3  }
0xc: {  	[smem:$0x3FA8] =	sst s4  }
0xd: {  	[smem:$0x3FA9] =	sst s5  }
0xe: {  	[smem:$0x3FAA] =	sst s6  }
0xf: {  	[smem:$0x3FAB] =	sst s7  }
0x10: {  	[smem:$0x3FAC] =	sst s8  }
0x11: {  	[smem:$0x3FAD] =	sst s9;
	s0 =	simm.s32 @!p0 $0x0  }
0x12: {  	s1 =	sld [smem:$0x3F93];
	s0 =	simm.s32 @p0 $0x1  }
0x13: {  	[smem:$0x3FAE] =	sst s0;
	s0 =	simm.s32 @!p1 $0x0  }
0x14: {  	s2 =	sld [smem:$0x3F92];
	s0 =	simm.s32 @p1 $0x1  }
0x15: {  	[smem:$0x3FAF] =	sst s0;
	s0 =	simm.s32 @!p2 $0x0  }
0x16: {  	s3 =	sld [smem:$0x3FDB];
	s0 =	simm.s32 @p2 $0x1  }
0x17: {  	s4 =	simm.s32 $0x1BF5;
	[smem:$0x3FB1] =	sst s0  }
0x18: {  	s0 =	sld [smem:$0x3F94];
	_ =	swait.ge [sflag:s4], $0x0  }
0x19: {  	s7 =	sld [smem:$0x3F95]  }
0x1a: {  	s8 =	sadd.s32 $0xFFFFE003, lr  }
0x1b: {  	s9 =	sadd.s32 $0xFFFFFEF7, lr;
	s5 =	simm.s32 $0xFFFFFFFF;
	p2 =	slt.u32 s8, $0xFFFFF086  }
0x1c: {  	p1 =	slt.u32 s9, $0xF7A;
	s5 =	simm.s32 @!p2 $0x0  }
0x1d: {  	s5 =	simm.s32 @p1 $0x1;
	p0 =	seq.s32 s7, s2  }
0x1e: {  	s7 =	smul.u32 @!p0 $0xF7A, s2;
	p2 =	seq.s32 @!p0 s5, $0x0  }
0x1f: {  	s9 =	smul.u32 $0xF7A, s1;
	s8 =	simm.s32 @!p0 $0x1BF5;
	p2 =	por !p2, p0  }
0x20: {  	[sflag:s8] =	ssyncset.s32 @!p0 $0xFFFFF086;
	s6 =	sadd.s32 @!p0 s3, s7;
	s7 =	simm.s32 @!p0 $0x108  }
0x21: {  	s3 =	sadd.s32 s3, s9;
	s6 =	sadd.s32 @!p0 $0x88, s6;
	s7 =	simm.s32 @p2 $0x1082  }
0x22: {  	[simem:s7], [sflag:s8] =	dma.local @!p0 [hbm:s6], $0xF7A  }
0x23: {  	s9 =	sor.u32 $0xD0000000, s2;
	s6 =	simm.s32 $0x108;
	_ =	swait.ge @!p0 [sflag:s8], $0x0  }
0x24: {  	s3 =	sadd.s32 $0x88, s3;
	s6 =	simm.s32 @!p1 $0x1082;
	[sflag:s4] =	ssyncset.s32 $0xFFFFF086  }
0x25: {  	[simem:s6], [sflag:s4] =	dma.local [hbm:s3], $0xF7A  }
0x26: {  	[smem:$0x3F95] =	sst s1;
	(tag) =	ssettag s2;
	_ =	strace s9  }
0x27: {  	s1 =	sld [smem:$0x3FA5]  }
0x28: {  	s2 =	sld [smem:$0x3FA6]  }
0x29: {  	s4 =	sld [smem:$0x3FA8]  }
0x2a: {  	p0 =	seq.s32 s5, $0x0;
	s5 =	sld [smem:$0x3FA9]  }
0x2b: {  	s6 =	sld [smem:$0x3FAA]  }
0x2c: {  	s7 =	sld [smem:$0x3FAB]  }
0x2d: {  	s3 =	simm.s32 $0x108;
	s8 =	sld [smem:$0x3FAC]  }
0x2e: {  	s3 =	simm.s32 @!p0 $0x1082;
	s9 =	sld [smem:$0x3FAD]  }
0x2f: {  	lr =	sadd.s32 s0, s3;
	s0 =	sld [smem:$0x3FA4]  }
0x30: {  	s3 =	sld [smem:$0x3FA7]  }
0x31: {  	[smem:$0x3FB0] =	sst s10  }
0x32: {  	s10 =	sld [smem:$0x3FAE];
	_ =	sdelay $0x3  }
0x33: {  	p0 =	seq.s32 s10, $0x1;
	s10 =	sld [smem:$0x3FB0];
	_ =	sdelay $0x3  }
0x34: {  	[smem:$0x3FB0] =	sst s10  }
0x35: {  	s10 =	sld [smem:$0x3FAF];
	_ =	sdelay $0x3  }
0x36: {  	p1 =	seq.s32 s10, $0x1;
	s10 =	sld [smem:$0x3FB0];
	_ =	sdelay $0x3  }
0x37: {  	[smem:$0x3FB0] =	sst s10  }
0x38: {  	s10 =	sld [smem:$0x3FB1]  }
0x39: {  	_ = 	snop;
	(pc) =	sbr.ind lr, $3  }
0x3a: {  	_ = 	snop  }
0x3b: {  	_ = 	snop  }
0x3c: {  	p2 =	seq.s32 s10, $0x1;
	s10 =	sld [smem:$0x3FB0]  }
0x3d: {  	_ =	shalt  }
0x3e: {  	_ =	shalt  }
0x3f: {  	_ =	shalt  }
0x40: {  	_ =	shalt  }
0x41: {  	_ =	shalt  }
0x42: {  	_ =	shalt  }
0x43: {  	_ =	shalt  }
0x44: {  	_ =	shalt  }
0x45: {  	_ =	shalt  }
0x46: {  	_ =	shalt  }
0x47: {  	_ =	shalt  }
0x48: {  	_ =	shalt  }
0x49: {  	_ =	shalt  }
0x4a: {  	_ =	shalt  }
0x4b: {  	_ =	shalt  }
0x4c: {  	_ =	shalt  }
0x4d: {  	_ =	shalt  }
0x4e: {  	_ =	shalt  }
0x4f: {  	_ =	shalt  }
0x50: {  	_ =	shalt  }
0x51: {  	_ =	shalt  }
0x52: {  	_ =	shalt  }
0x53: {  	_ =	shalt  }
0x54: {  	_ =	shalt  }
0x55: {  	_ =	shalt  }
0x56: {  	_ =	shalt  }
0x57: {  	_ =	shalt  }
0x58: {  	_ =	shalt  }
0x59: {  	_ =	shalt  }
0x5a: {  	_ =	shalt  }
0x5b: {  	_ =	shalt  }
0x5c: {  	_ =	shalt  }
0x5d: {  	_ =	shalt  }
0x5e: {  	_ =	shalt  }
0x5f: {  	_ =	shalt  }
0x60: {  	_ =	shalt  }
0x61: {  	_ =	shalt  }
0x62: {  	_ =	shalt  }
0x63: {  	_ =	shalt  }
0x64: {  	_ =	shalt  }
0x65: {  	_ =	shalt  }
0x66: {  	_ =	shalt  }
0x67: {  	_ =	shalt  }
0x68: {  	_ =	shalt  }
0x69: {  	_ =	shalt  }
0x6a: {  	_ =	shalt  }
0x6b: {  	_ =	shalt  }
0x6c: {  	_ =	shalt  }
0x6d: {  	_ =	shalt  }
0x6e: {  	_ =	shalt  }
0x6f: {  	_ =	shalt  }
0x70: {  	_ =	shalt  }
0x71: {  	_ =	shalt  }
0x72: {  	_ =	shalt  }
0x73: {  	_ =	shalt  }
0x74: {  	_ =	shalt  }
0x75: {  	_ =	shalt  }
0x76: {  	_ =	shalt  }
0x77: {  	_ =	shalt  }
0x78: {  	_ =	shalt  }
0x79: {  	_ =	shalt  }
0x7a: {  	_ =	shalt  }
0x7b: {  	_ =	shalt  }
0x7c: {  	_ =	shalt  }
0x7d: {  	_ =	shalt  }
0x7e: {  	_ =	shalt  }
0x7f: {  	_ =	shalt  }
0x80: {  	_ =	shalt  }
0x81: {  	_ =	shalt  }
0x82: {  	_ =	shalt  }
0x83: {  	_ =	shalt  }
0x84: {  	_ =	shalt  }
0x85: {  	_ =	shalt  }
0x86: {  	_ =	shalt  }
0x87: {  	_ =	shalt  }
.Lfunc_end0:
.L_simem_size_0:
called_computation_lowered:
.L_overlay_start_0:
0x88: {  	s2 =	sld [smem:$0x3FD9]  }
0x89: {  	s3 =	sld [smem:$0x3FFE];
	_ =	sdelay $0x1  }
0x8a: {  	s1 =	srdreg.scid  }
0x8b: {  	s0 =	sand.u32 $0x1, s1  }
0x8c: {  	s17 =	sshll.u32 s0, $0xA;
	s2 =	sadd.s32 s3, s2  }
0x8d: {  	s2 =	sadd.s32 s2, s17  }
0x8e: {  	[smem:$0x3FBC] =	sst s2  }
0x8f: {  	_ = 	snop  }
0x90: {  	s2 =	sld [smem:$0x3FD0];
	(tm) =	ssettm $0x1  }
0x91: {  	s18 =	sld [smem:$0x3FFB];
	_ =	sdelay $0x3  }
0x92: {  	_ =	strace s18  }
0x93: {  	s3 =	sld [smem:$0x3FFC];
	_ =	sdelay $0x3  }
0x94: {  	_ =	strace s3  }
0x95: {  	s3 =	sld [smem:$0x3FFD];
	_ =	sdelay $0x3  }
0x96: {  	_ =	strace s3  }
0x97: {  	_ =	strace $0x8FFFFFFF  }
0x98: {  	s19 =	sld [smem:$0x3FDB];
	_ =	sdelay $0x1  }
0x99: {  	s4 =	simm.s32 $_scs_section_size  }
0x9a: {  	s5 =	simm.s32 $_size__tile_overlayer_lowered;
	s6 =	simm.s32 $_tile_overlayer_lowered  }
0x9b: {  	s22 =	simm.s32 $0x1BFF;
	s21 =	sshll.u32 s6, $0x1;
	s3 =	sadd.s32 s4, s19  }
0x9c: {  	s7 =	simm.s32 $0x0;
	s20 =	sshll.u32 s5, $0x1;
	s5 =	sadd.s32 s21, s3  }
0x9d: {  	[timem:s7], [sflag:s22] =	dma.local [hbm:s5], s20  }
0x9e: {  	_ =	swait.ge [sflag:s22], s20  }
0x9f: {  	s4 =	ssub.s32 $0x0, s20;
	[sflag:s22] =	ssyncset.done $0x0  }
0xa0: {  	[sflag:s22] =	ssyncadd.s32 s4;
	_ =	sdelay $0x1  }
0xa1: {  	s23 =	simm.s32 $0x1B8B  }
0xa2: {  	_ =	swait.ge [sflag:s23], $0x1  }
0xa3: {  	[sflag:s23] =	ssyncset.done $0x0  }
0xa4: {  	s25 =	simm.s32 $0x1B8E;
	s24 =	sld [smem:$0x3FFE];
	[sflag:s23] =	ssyncadd.s32 $0xFFFFFFFF  }
0xa5: {  	s26 =	simm.s32 $execute0_lowered;
	[smem:$0x3FD2] =	sst s25  }
0xa6: {  	s5 =	sshll.u32 s26, $0x1;
	_ =	strace $0x80000046;
	[dreg:$0x1] =	wrdreg $0xFFFFFFFF  }
0xa7: {  	s28 =	simm.s32 $_size_execute0_lowered;
	s3 =	sadd.s32 s3, s5;
	[dreg:$0x0] =	wrdreg $0x0  }
0xa8: {  	s5 =	sshll.u32 s28, $0x1;
	[dreg:$0x2] =	wrdreg s3  }
0xa9: {  	[dreg:$0x3] =	wrdreg s5  }
0xaa: {  	[dreg:$0x4] =	wrdreg $0xC0  }
0xab: {  	_ =	task [dreg:s7], $0x5FFFF  }
0xac: {  	[dreg:$0x1] =	wrdreg $0xFFFFFFFF  }
0xad: {  	[dreg:$0x0] =	wrdreg $0x60  }
0xae: {  	[dreg:$0x2] =	wrdreg s24  }
0xaf: {  	[dreg:$0x3] =	wrdreg s2  }
0xb0: {  	[dreg:$0x4] =	wrdreg $0x5FA00  }
0xb1: {  	[dreg:$0x5] =	wrdreg $0x19BA00  }
0xb2: {  	[dreg:$0x6] =	wrdreg $0x9  }
0xb3: {  	_ =	task.clear_ibuf [dreg:s7], $0x7FFFF;
	_ =	strace $0x90000046  }
0xb4: {  	s29 =	simm.s32 $0x9;
	_ =	strace $0x80000048  }
0xb5: {  	_ =	swait.ge [sflag:s29], $0x1  }
0xb6: {  	[sflag:s29] =	ssyncadd.s32 $0xFFFFFFFF  }
0xb7: {  	_ =	strace $0x90000048  }
0xb8: {  	_ =	sfence  }
0xb9: {  	s30 =	sld [smem:$0x0];
	_ =	sdelay $0x2  }
0xba: {  	s31 =	sshll.u32 s1, $0xD;
	s1 =	sshrl.u32 s1, $0x2  }
0xbb: {  	s3 =	sand.u32 $0x4000, s31;
	s1 =	sadd.s32 s1, s30  }
0xbc: {  	s0 =	sor.u32 s3, s0;
	s1 =	sshll.u32 s1, $0x11  }
0xbd: {  	s0 =	sor.u32 s1, s0  }
0xbe: {  	s0 =	sadd.s32 $0x8F2B, s0  }
0xbf: {  	[sflag:s0] =	ssyncadd.remote.s32 $0x1  }
0xc0: {  	_ =	sfence.sel $0xFFFF  }
0xc1: {  	[dreg:$0x0] =	wrdreg $0xFFFFFFFF;
	(pc) =	sbr.abs _section_cstart, $3  }
0xc2: {  	[dreg:$0x1] =	wrdreg $0xFFFFFFFF  }
0xc3: {  	_ =	task.clear_ibuf [dreg:s7], $0x2FFFF;
	_ =	strace $0x9FFFFFFF  }
0xc4: {  	(tm) =	ssettm $0x7FFFFFFF  }
0xc5: {  	_ =	shalt  }
tec
execute0_lowered:
.L_overlay_start_1:
0x0: {  	(tag) =	ssettag $0x1  }
0x1: {  	s0 =	rddreg [dreg:$0x0]  }
0x2: {  	s1 =	rddreg [dreg:$0x1]  }
0x3: {  	s19 =	rddreg [dreg:$0x2]  }
0x4: {  	s20 =	rddreg [dreg:$0x3]  }
0x5: {  	s26 =	simm.s32 $0x0;
	s6 =	srdreg.scid;
	s7 =	stileid.u32  }
0x6: {  	[smem:$0x7FF] =	sst s26;
	s2 =	sadd.s32 $0x50400, s0;
	s3 =	sadd.s32 $0x77600, s0  }
0x7: {  	s8 =	smul.u32 $0x13C00, s7;
	s4 =	sadd.s32 $0x9E800, s0;
	s16 =	sadd.s32 $0xA3800, s0  }
0x8: {  	s9 =	sadd.s32 $0xA8800, s0;
	s10 =	sadd.s32 $0x29200, s0;
	s5 =	smul.u32 $0x2780, s7  }
0x9: {  	s11 =	sadd.s32 $0xB800, s0;
	_ =	strace $0x80000047;
	[dreg:$0x6] =	wrdreg s2  }
0xa: {  	s12 =	sadd.s32 $0x1A00, s0;
	s13 =	sadd.s32 $0x1F400, s0;
	[dreg:$0x7] =	wrdreg s3  }
0xb: {  	s2 =	sand.u32 $0x1, s6;
	[dreg:$0x9] =	wrdreg s16;
	s16 =	smul.u32 $0x278, s7  }
0xc: {  	s14 =	sadd.s32 $0x15600, s0;
	[dreg:$0x8] =	wrdreg s4;
	s17 =	smul.u32 $0x13C000, s2  }
0xd: {  	s6 =	smul.u32 $0x27800, s2;
	s21 =	ssub.s32 $0x2, s2;
	s3 =	sadd.s32 s8, s19  }
0xe: {  	s23 =	sadd.s32 s5, s20;
	s22 =	sadd.s32 $0x50, s16;
	[dreg:$0xa] =	wrdreg s3  }
0xf: {  	[dreg:$0xb] =	wrdreg s23;
	s28 =	sadd.s32 $0xA0, s16;
	s31 =	sadd.s32 $0xF0, s16  }
0x10: {  	s23 =	sadd.s32 $0x230, s16;
	s4 =	sadd.s32 s8, s17;
	s18 =	sadd.s32 s5, s6  }
0x11: {  	s17 =	sshrl.u32 s21, $0x1;
	s24 =	sshll.u32 s22, $0x7;
	s25 =	sshll.u32 s22, $0x4  }
0x12: {  	s30 =	sshll.u32 s28, $0x7;
	s22 =	sadd.s32 $0x1E0, s16;
	s4 =	sshrl.u32 s4, $0x3  }
0x13: {  	s6 =	ssub.s32 s21, s17;
	s3 =	sadd.s32 s24, s19;
	s29 =	sadd.s32 s25, s20  }
0x14: {  	s17 =	sadd.s32 $0x190, s16;
	s24 =	sshll.u32 s22, $0x7;
	s25 =	sshll.u32 s23, $0x7  }
0x15: {  	s15 =	sadd.s32 s4, s0;
	s4 =	sshrl.u32 s18, $0x3;
	[dreg:$0xd] =	wrdreg s3  }
0x16: {  	s18 =	sshll.u32 s7, $0x1;
	[dreg:$0xe] =	wrdreg s29;
	s3 =	sadd.s32 s30, s19  }
0x17: {  	s7 =	sadd.s32 $0x140, s16;
	s21 =	sshll.u32 s17, $0x4;
	s0 =	sadd.s32 s4, s0  }
0x18: {  	s2 =	sor.u32 s2, s18;
	s1 =	sadd.s32 s1, s4;
	[dreg:$0xf] =	wrdreg s3  }
0x19: {  	s4 =	sshll.u32 s31, $0x7;
	s29 =	sadd.s32 $0xFC800, s15;
	[dreg:$0xc] =	wrdreg s1  }
0x1a: {  	s3 =	sshll.u32 s31, $0x4;
	s30 =	sadd.s32 $0xAD800, s15;
	[dreg:$0x1b] =	wrdreg s29  }
0x1b: {  	s8 =	sshll.u32 s7, $0x7;
	s31 =	smax.u32 s6, $0x1;
	[dreg:$0x1c] =	wrdreg s30  }
0x1c: {  	s18 =	sshll.u32 s17, $0x7;
	s5 =	sadd.s32 s3, s20;
	[dreg:$0x1e] =	wrdreg s31  }
0x1d: {  	s17 =	simm.s32 $0x32A0;
	s3 =	sadd.s32 s8, s19;
	[dreg:$0x12] =	wrdreg s5  }
0x1e: {  	s1 =	sshll.u32 s28, $0x4;
	s28 =	sadd.s32 s25, s19;
	[dreg:$0x13] =	wrdreg s3  }
0x1f: {  	s8 =	smov.u32 s20;
	s0 =	sadd.s32 $0x2E200, s0;
	[dreg:$0x19] =	wrdreg s28  }
0x20: {  	s25 =	simm.s32 $0x2;
	s1 =	sadd.s32 s1, s20;
	[dreg:$0x1d] =	wrdreg s0  }
0x21: {  	s3 =	sshll.u32 s22, $0x4;
	[dreg:$0x10] =	wrdreg s1;
	s1 =	sadd.s32 s4, s19  }
0x22: {  	s22 =	simm.s32 $0x28A0;
	s4 =	sadd.s32 s24, s19;
	[dreg:$0x11] =	wrdreg s1  }
0x23: {  	s3 =	sadd.s32 s3, s20;
	s1 =	sshll.u32 s7, $0x4;
	[dreg:$0x17] =	wrdreg s4  }
0x24: {  	s24 =	simm.s32 $0x1;
	[dreg:$0x18] =	wrdreg s3;
	s1 =	sadd.s32 s1, s20  }
0x25: {  	s7 =	smov.u32 s19;
	[dreg:$0x14] =	wrdreg s1;
	s1 =	sadd.s32 s18, s19  }
0x26: {  	s4 =	smul.u32 $0x2710, s2;
	[dreg:$0x15] =	wrdreg s1;
	s1 =	sadd.s32 s21, s20  }
0x27: {  	v0 =	vimm.f32 $0.0e+00;
	v1 =	vimm.s32 $0x0;
	v2 =	vimm.s32 $0x1;
	s18 =	simm.s32 $0x3;
	[dreg:$0x16] =	wrdreg s1;
	s1 =	sshll.u32 s23, $0x4  }
0x28: {  	v3 =	vimm.s32 $0x2;
	v4 =	vimm.s32 $0x3;
	v5 =	vimm.s32 $0x4;
	s19 =	simm.s32 $0x5AA0;
	s21 =	simm.s32 $0xA0;
	s1 =	sadd.s32 s1, s20  }
0x29: {  	v6 =	vimm.s32 $0x5;
	v7 =	vimm.s32 $0x6;
	v8 =	vimm.s32 $0x7;
	s23 =	simm.s32 $0x2DA0;
	s20 =	simm.s32 $0x50;
	[dreg:$0x1a] =	wrdreg s1  }
.LBB2_1:
0x2a: {  	s0 =	simm.s32 $0x32E0  }
0x2b: {  	[tilespmem:s0+$0xFFFFFFD0] =	vst v0  }
0x2c: {  	[tilespmem:s0+$0xFFFFFFE0] =	vst v0  }
0x2d: {  	[tilespmem:s0+$0xFFFFFFF0] =	vst v0  }
0x2e: {  	[tilespmem:s0+$0x0] =	vst v0  }
0x2f: {  	[tilespmem:s0+$0x10] =	vst v0  }
0x30: {  	[tilespmem:s0+$0x20] =	vst v0  }
0x31: {  	[tilespmem:s0+$0x30] =	vst v0  }
0x32: {  	[dreg:$0x5] =	wrdreg s26;
	s2 =	simm.s32 $0x0;
	s1 =	simm.s32 $0x40;
	[tilespmem:s0+$0xFFFFFFC0] =	vst v0  }
.LBB2_2:
0x33: {  	p0 =	sne.s32 s1, $0x13C0;
	[tilespmem:s2+$0x5AA0] =	vst v0;
	s0 =	sadd.s32 $0x80, s0  }
0x34: {  	[tilespmem:s0+$0xFFFFFFD0] =	vst v0  }
0x35: {  	[tilespmem:s0+$0xFFFFFFE0] =	vst v0  }
0x36: {  	[tilespmem:s0+$0xFFFFFFF0] =	vst v0  }
.Ltmp0:
0x37: {  	[tilespmem:s0+$0x0] =	vst v0;
	(pc) =	sbr.rel @p0 .LBB2_2-.Ltmp0, $4  }
0x38: {  	[tilespmem:s0+$0x10] =	vst v0  }
0x39: {  	[tilespmem:s0+$0x20] =	vst v0  }
0x3a: {  	[tilespmem:s0+$0x30] =	vst v0  }
0x3b: {  	s2 =	sshra.s32 s1, $0x2;
	s1 =	sadd.s32 $0x40, s1;
	[tilespmem:s0+$0xFFFFFFC0] =	vst v0  }
0x3c: {  	[tilespmem:s2+$0x5AA0] =	vst v0;
	s0 =	rddreg [dreg:$0xa]  }
0x3d: {  	[spmem:s0] =	stream.linear.scatter [tilespmem:s17], [sflag:$0x3], $0x2800, $0x38;
	[tilespmem:$0x1C320] =	vst v63  }
0x3e: {  	_ =	swait.ge [sflag:s18], $0x2800  }
0x3f: {  	[sflag:s18] =	ssyncset.done $0x0  }
0x40: {  	s26 =	rddreg [dreg:$0xb];
	[sflag:s18] =	ssyncadd.s32 $0xFFFFD800  }
0x41: {  	[spmem:s26] =	stream.linear.scatter [tilespmem:s19], [sflag:$0x3], $0x500, $0x38;
	[tilespmem:$0x1C320] =	vst v63  }
0x42: {  	_ =	swait.ge [sflag:s18], $0x500  }
0x43: {  	[sflag:s18] =	ssyncset.done $0x0  }
0x44: {  	s29 =	rddreg [dreg:$0xd];
	[sflag:s18] =	ssyncadd.s32 $0xFFFFFB00  }
0x45: {  	[spmem:s29] =	stream.linear.scatter [tilespmem:s17], [sflag:$0x3], $0x2800, $0x38;
	[tilespmem:$0x1C320] =	vst v63  }
0x46: {  	_ =	swait.ge [sflag:s18], $0x2800  }
0x47: {  	[sflag:s18] =	ssyncset.done $0x0  }
0x48: {  	s30 =	rddreg [dreg:$0xe];
	[sflag:s18] =	ssyncadd.s32 $0xFFFFD800  }
0x49: {  	[spmem:s30] =	stream.linear.scatter [tilespmem:s19], [sflag:$0x3], $0x500, $0x38;
	[tilespmem:$0x1C320] =	vst v63  }
0x4a: {  	_ =	swait.ge [sflag:s18], $0x500  }
0x4b: {  	[sflag:s18] =	ssyncset.done $0x0  }
0x4c: {  	s31 =	rddreg [dreg:$0xf];
	[sflag:s18] =	ssyncadd.s32 $0xFFFFFB00  }
0x4d: {  	[spmem:s31] =	stream.linear.scatter [tilespmem:s17], [sflag:$0x3], $0x2800, $0x38;
	[tilespmem:$0x1C320] =	vst v63  }
0x4e: {  	_ =	swait.ge [sflag:s18], $0x2800  }
0x4f: {  	[sflag:s18] =	ssyncset.done $0x0  }
0x50: {  	s1 =	rddreg [dreg:$0x10];
	[sflag:s18] =	ssyncadd.s32 $0xFFFFD800  }
0x51: {  	[spmem:s1] =	stream.linear.scatter [tilespmem:s19], [sflag:$0x3], $0x500, $0x38;
	[tilespmem:$0x1C320] =	vst v63  }
0x52: {  	_ =	swait.ge [sflag:s18], $0x500  }
0x53: {  	[sflag:s18] =	ssyncset.done $0x0  }
0x54: {  	s2 =	rddreg [dreg:$0x11];
	[sflag:s18] =	ssyncadd.s32 $0xFFFFFB00  }
0x55: {  	[spmem:s2] =	stream.linear.scatter [tilespmem:s17], [sflag:$0x3], $0x2800, $0x38;
	[tilespmem:$0x1C320] =	vst v63  }
0x56: {  	_ =	swait.ge [sflag:s18], $0x2800  }
0x57: {  	[sflag:s18] =	ssyncset.done $0x0  }
0x58: {  	s3 =	rddreg [dreg:$0x12];
	[sflag:s18] =	ssyncadd.s32 $0xFFFFD800  }
0x59: {  	[spmem:s3] =	stream.linear.scatter [tilespmem:s19], [sflag:$0x3], $0x500, $0x38;
	[tilespmem:$0x1C320] =	vst v63  }
0x5a: {  	_ =	swait.ge [sflag:s18], $0x500  }
0x5b: {  	[sflag:s18] =	ssyncset.done $0x0  }
0x5c: {  	s5 =	rddreg [dreg:$0x13];
	[sflag:s18] =	ssyncadd.s32 $0xFFFFFB00  }
0x5d: {  	[spmem:s5] =	stream.linear.scatter [tilespmem:s17], [sflag:$0x3], $0x2800, $0x38;
	[tilespmem:$0x1C320] =	vst v63  }
0x5e: {  	_ =	swait.ge [sflag:s18], $0x2800  }
0x5f: {  	[sflag:s18] =	ssyncset.done $0x0  }
0x60: {  	s6 =	rddreg [dreg:$0x14];
	[sflag:s18] =	ssyncadd.s32 $0xFFFFD800  }
0x61: {  	[spmem:s6] =	stream.linear.scatter [tilespmem:s19], [sflag:$0x3], $0x500, $0x38;
	[tilespmem:$0x1C320] =	vst v63  }
0x62: {  	_ =	swait.ge [sflag:s18], $0x500  }
0x63: {  	[sflag:s18] =	ssyncset.done $0x0  }
0x64: {  	s15 =	rddreg [dreg:$0x15];
	[sflag:s18] =	ssyncadd.s32 $0xFFFFFB00  }
0x65: {  	[spmem:s15] =	stream.linear.scatter [tilespmem:s17], [sflag:$0x3], $0x2800, $0x38;
	[tilespmem:$0x1C320] =	vst v63  }
0x66: {  	_ =	swait.ge [sflag:s18], $0x2800  }
0x67: {  	[sflag:s18] =	ssyncset.done $0x0  }
0x68: {  	s16 =	rddreg [dreg:$0x16];
	[sflag:s18] =	ssyncadd.s32 $0xFFFFD800  }
0x69: {  	[spmem:s16] =	stream.linear.scatter [tilespmem:s19], [sflag:$0x3], $0x500, $0x38;
	[tilespmem:$0x1C320] =	vst v63  }
0x6a: {  	_ =	swait.ge [sflag:s18], $0x500  }
0x6b: {  	[sflag:s18] =	ssyncset.done $0x0  }
0x6c: {  	s26 =	rddreg [dreg:$0x17];
	[sflag:s18] =	ssyncadd.s32 $0xFFFFFB00  }
0x6d: {  	[spmem:s26] =	stream.linear.scatter [tilespmem:s17], [sflag:$0x3], $0x2800, $0x38;
	[tilespmem:$0x1C320] =	vst v63  }
0x6e: {  	_ =	swait.ge [sflag:s18], $0x2800  }
0x6f: {  	[sflag:s18] =	ssyncset.done $0x0  }
0x70: {  	s29 =	rddreg [dreg:$0x18];
	[sflag:s18] =	ssyncadd.s32 $0xFFFFD800  }
0x71: {  	[spmem:s29] =	stream.linear.scatter [tilespmem:s19], [sflag:$0x3], $0x500, $0x38;
	[tilespmem:$0x1C320] =	vst v63  }
0x72: {  	_ =	swait.ge [sflag:s18], $0x500  }
0x73: {  	[sflag:s18] =	ssyncset.done $0x0  }
0x74: {  	s30 =	rddreg [dreg:$0x19];
	[sflag:s18] =	ssyncadd.s32 $0xFFFFFB00  }
0x75: {  	[spmem:s30] =	stream.linear.scatter [tilespmem:s17], [sflag:$0x3], $0x2400, $0x38;
	[tilespmem:$0x1C320] =	vst v63  }
0x76: {  	_ =	swait.ge [sflag:s18], $0x2400  }
0x77: {  	[sflag:s18] =	ssyncset.done $0x0  }
0x78: {  	s31 =	rddreg [dreg:$0x1a];
	[sflag:s18] =	ssyncadd.s32 $0xFFFFDC00  }
0x79: {  	[spmem:s31] =	stream.linear.scatter [tilespmem:s19], [sflag:$0x3], $0x480, $0x38;
	[tilespmem:$0x1C320] =	vst v63  }
0x7a: {  	_ =	swait.ge [sflag:s18], $0x480  }
0x7b: {  	[sflag:s18] =	ssyncset.done $0x0  }
0x7c: {  	[sflag:s18] =	ssyncadd.s32 $0xFFFFFB80  }
0x7d: {  	s28 =	simm.s32 $0x0;
	s26 =	simm.s32 $0x0;
	[bflag:$0x0] =	sbarrier.arrive $0xFFFF  }
.LBB2_4:
0x7e: {  	s0 =	smul.u32 $0x50, s28;
	_ =	sdelay $0x1  }
0x7f: {  	s0 =	sadd.s32 s4, s0  }
0x80: {  	s0 =	sshrl.u32 s0, $0x3  }
0x81: {  	s1 =	sadd.s32 s11, s0  }
0x82: {  	[tilespmem:s26], [sflag:$0x3] =	stream.linear.gather [hbm4b:s1+s26], $0x50, $0x38;
	[tilespmem:$0x1C320] =	vst v63  }
0x83: {  	_ =	swait.ge [sflag:s18], $0x50  }
0x84: {  	[sflag:s18] =	ssyncset.done $0x0  }
0x85: {  	s0 =	sadd.s32 s12, s0;
	[sflag:s18] =	ssyncadd.s32 $0xFFFFFFB0  }
0x86: {  	[tilespmem:s20], [sflag:$0x3] =	stream.linear.gather [hbm4b:s0+s26], $0x50, $0x38;
	[tilespmem:$0x1C320] =	vst v63  }
0x87: {  	_ =	swait.ge [sflag:s18], $0x50  }
0x88: {  	[sflag:s18] =	ssyncset.done $0x0  }
0x89: {  	s29 =	rddreg [dreg:$0x6];
	[sflag:s18] =	ssyncadd.s32 $0xFFFFFFB0  }
0x8a: {  	[tilespmem:s21], [sflag:$0x2] =	stream.indirect.gather [hbm4b:s29+s20], $0x80, s26, s20, $0xb8;
	[tilespmem:$0x1C320] =	vst v63  }
0x8b: {  	s30 =	rddreg [dreg:$0x8]  }
0x8c: {  	[tilespmem:s22], [sflag:$0x1] =	stream.indirect.gather [hbm4b:s30+s20], $0x10, s26, s20, $0xb8;
	[tilespmem:$0x1C320] =	vst v63  }
0x8d: {  	s31 =	rddreg [dreg:$0x9]  }
0x8e: {  	[tilespmem:s23], [sflag:$0x1] =	stream.indirect.gather [hbm4b:s31+s20], $0x10, s20, s20, $0xb8;
	[tilespmem:$0x1C320] =	vst v63  }
0x8f: {  	_ =	swait.ge [sflag:s24], $0x500  }
0x90: {  	[sflag:s24] =	ssyncset.done $0x0  }
0x91: {  	[sflag:s24] =	ssyncadd.s32 $0xFFFFFB00  }
0x92: {  	_ =	swait.ge [sflag:s24], $0x500  }
0x93: {  	[sflag:s24] =	ssyncset.done $0x0  }
0x94: {  	s0 =	simm.s32 $0x0;
	[sflag:s24] =	ssyncadd.s32 $0xFFFFFB00  }
0x95: {  	v9 =	vld [tilespmem:s0+$0x28A0]  }
0x96: {  	v10 =	vld [tilespmem:s0+$0x2DA0];
	_ =	sdelay $0x4  }
0x97: {  	v9 =	vadd.f32 v10, v9;
	_ =	sdelay $0x1  }
0x98: {  	s1 =	simm.s32 $0x10;
	v10 =	vmul.f32 $2.000000030e-01, v9  }
0x99: {  	v11 =	vld [tilespmem:s1+$0x28A0]  }
0x9a: {  	v12 =	vld [tilespmem:s1+$0x2DA0];
	v9 =	vmax.f32 v9, v10  }
0x9b: {  	s3 =	simm.s32 $0x20;
	v9 =	vmul.f32 $1.442695020e+00, v9  }
0x9c: {  	v10 =	vld [tilespmem:s3+$0x28A0]  }
0x9d: {  	(erf) = vpow2.f32 v9;
	v9 =	vld [tilespmem:s3+$0x2DA0];
	_ =	sdelay $0x1  }
0x9e: {  	v11 =	vadd.f32 v12, v11;
	_ =	sdelay $0x1  }
0x9f: {  	v12 =	vmul.f32 $2.000000030e-01, v11  }
0xa0: {  	v13 =	vadd.f32 v9, v10  }
0xa1: {  	v9 =	vmax.f32 v11, v12  }
0xa2: {  	s2 =	simm.s32 $0x30;
	v10 =	vmul.f32 $1.442695020e+00, v9;
	v11 =	vmul.f32 $2.000000030e-01, v13  }
0xa3: {  	v9 =	vld [tilespmem:s2+$0x28A0]  }
0xa4: {  	(erf) = vpow2.f32 v10;
	v10 =	vld [tilespmem:s2+$0x2DA0];
	_ =	sdelay $0x1  }
0xa5: {  	s5 =	simm.s32 $0x100;
	v12 =	vmax.f32 v13, v11;
	v11 =	vpop (erf)  }
.LBB2_5:
0xa6: {  	s6 =	sshra.s32 s5, $0x2  }
0xa7: {  	v12 =	vmul.f32 $1.442695020e+00, v12;
	[tilespmem:s0+$0x5AA0] =	vst v11;
	s0 =	smov.u32 s1;
	s1 =	smov.u32 s3;
	p0 =	sne.s32 s5, $0x13C0  }
.Ltmp1:
0xa8: {  	s5 =	sadd.s32 $0x40, s5;
	v11 =	vadd.f32 v10, v9;
	v9 =	vld [tilespmem:s6+$0x28A0];
	(pc) =	sbr.rel @p0 .LBB2_5-.Ltmp1, $3  }
0xa9: {  	s3 =	smov.u32 s2;
	s2 =	smov.u32 s6;
	v10 =	vld [tilespmem:s6+$0x2DA0];
	(erf) = vpow2.f32 v12  }
0xaa: {  	v12 =	vmul.f32 $2.000000030e-01, v11;
	_ =	sdelay $0x1  }
0xab: {  	v12 =	vmax.f32 v11, v12;
	v11 =	vpop (erf)  }
0xac: {  	_ = 	snop  }
0xad: {  	v9 =	vadd.f32 v10, v9;
	_ =	sdelay $0x1  }
0xae: {  	v10 =	vmul.f32 $2.000000030e-01, v9;
	_ =	sdelay $0x1  }
0xaf: {  	v12 =	vmul.f32 $1.442695020e+00, v12;
	v9 =	vmax.f32 v9, v10  }
0xb0: {  	v9 =	vmul.f32 $1.442695020e+00, v9  }
0xb1: {  	(erf) = vpow2.f32 v12  }
0xb2: {  	(erf) = vpow2.f32 v9;
	_ =	sdelay $0x6  }
0xb3: {  	[tilespmem:s0+$0x5AA0] =	vst v11;
	v9 =	vpop (erf)  }
0xb4: {  	[tilespmem:s1+$0x5AA0] =	vst v9;
	v9 =	vpop (erf)  }
0xb5: {  	[tilespmem:s3+$0x5AA0] =	vst v9;
	v9 =	vpop (erf)  }
0xb6: {  	[tilespmem:s2+$0x5AA0] =	vst v9  }
0xb7: {  	_ =	swait.ge [sflag:s25], $0x2800  }
0xb8: {  	[sflag:s25] =	ssyncset.done $0x0  }
0xb9: {  	s2 =	simm.s32 $0x5AC0;
	[sflag:s25] =	ssyncadd.s32 $0xFFFFD800  }
0xba: {  	v9 =	vld [tilespmem:s2+$0x10]  }
0xbb: {  	s31 =	simm.s32 $0x1A0  }
0xbc: {  	v10 =	vld [tilespmem:s31+$0x80];
	_ =	sdelay $0x2  }
0xbd: {  	v11 =	vperm.xlane v9, v1  }
0xbe: {  	v12 =	vld [tilespmem:s2+$0xFFFFFFE0]  }
0xbf: {  	v10 =	vmul.f32 v11, v10  }
0xc0: {  	s29 =	simm.s32 $0x33A0;
	v11 =	vld [tilespmem:s31+$0xFFFFFF00]  }
0xc1: {  	[tilespmem:s29+$0x80] =	vst v10  }
0xc2: {  	v10 =	vld [tilespmem:s31+$0x90]  }
0xc3: {  	v14 =	vld [tilespmem:s2+$0xFFFFFFF0];
	v15 =	vperm.xlane v12, v1  }
0xc4: {  	v13 =	vld [tilespmem:s2+$0x0]  }
0xc5: {  	v16 =	vld [tilespmem:s31+$0xFFFFFF80];
	v11 =	vmul.f32 v15, v11;
	v15 =	vperm.xlane v9, v2;
	_ =	sdelay $0x1  }
0xc6: {  	v17 =	vld [tilespmem:s31+$0x0];
	[tilespmem:s29+$0xFFFFFF00] =	vst v11;
	v10 =	vmul.f32 v15, v10  }
0xc7: {  	v11 =	vperm.xlane v14, v1;
	v15 =	vld [tilespmem:s31+$0xFFFFFF10]  }
0xc8: {  	[tilespmem:s29+$0x90] =	vst v10  }
0xc9: {  	v18 =	vperm.xlane v13, v1;
	v10 =	vmul.f32 v11, v16;
	v11 =	vld [tilespmem:s31+$0xA0]  }
0xca: {  	v16 =	vperm.xlane v12, v2  }
0xcb: {  	v17 =	vmul.f32 v18, v17  }
0xcc: {  	[tilespmem:s29+$0xFFFFFF80] =	vst v10;
	v15 =	vmul.f32 v16, v15;
	v16 =	vperm.xlane v9, v3  }
0xcd: {  	[tilespmem:s29+$0x0] =	vst v17;
	v10 =	vld [tilespmem:s31+$0xFFFFFF90]  }
0xce: {  	v17 =	vld [tilespmem:s31+$0x10];
	[tilespmem:s29+$0xFFFFFF10] =	vst v15;
	v11 =	vmul.f32 v16, v11  }
0xcf: {  	v16 =	vld [tilespmem:s31+$0xFFFFFF20]  }
0xd0: {  	v15 =	vperm.xlane v14, v2;
	[tilespmem:s29+$0xA0] =	vst v11  }
0xd1: {  	s30 =	simm.s32 $0x3A0;
	v18 =	vperm.xlane v13, v2;
	v11 =	vld [tilespmem:s31+$0xB0]  }
0xd2: {  	s3 =	simm.s32 $0x5B00;
	v19 =	vld [tilespmem:s30+$0x80];
	v10 =	vmul.f32 v15, v10;
	v15 =	vperm.xlane v12, v3  }
0xd3: {  	v24 =	vld [tilespmem:s3+$0xFFFFFFE0];
	v17 =	vmul.f32 v18, v17  }
0xd4: {  	v28 =	vld [tilespmem:s30+$0xFFFFFF00];
	[tilespmem:s29+$0xFFFFFF90] =	vst v10;
	v10 =	vmul.f32 v15, v16;
	v15 =	vperm.xlane v9, v4  }
0xd5: {  	[tilespmem:s29+$0x10] =	vst v17;
	v18 =	vld [tilespmem:s31+$0xFFFFFFA0]  }
0xd6: {  	[tilespmem:s29+$0xFFFFFF20] =	vst v10;
	v10 =	vld [tilespmem:s3+$0x10];
	v11 =	vmul.f32 v15, v11  }
0xd7: {  	v16 =	vld [tilespmem:s31+$0x20]  }
0xd8: {  	v21 =	vperm.xlane v14, v3;
	v17 =	vld [tilespmem:s31+$0xFFFFFF30];
	[tilespmem:s29+$0xB0] =	vst v11  }
0xd9: {  	v22 =	vperm.xlane v13, v3;
	v25 =	vperm.xlane v12, v4;
	v20 =	vld [tilespmem:s31+$0xC0]  }
0xda: {  	v26 =	vperm.xlane v9, v5;
	v27 =	vperm.xlane v14, v4;
	v11 =	vld [tilespmem:s3+$0x0]  }
0xdb: {  	v15 =	vld [tilespmem:s3+$0xFFFFFFF0];
	v18 =	vmul.f32 v21, v18;
	v23 =	vperm.xlane v10, v1  }
0xdc: {  	s15 =	simm.s32 $0x5A0;
	v29 =	vperm.xlane v12, v5;
	v21 =	vld [tilespmem:s30+$0x0];
	v16 =	vmul.f32 v22, v16  }
0xdd: {  	v43 =	vld [tilespmem:s15+$0x80];
	v30 =	vperm.xlane v9, v6;
	[tilespmem:s29+$0xFFFFFFA0] =	vst v18;
	v19 =	vmul.f32 v23, v19  }
0xde: {  	s0 =	simm.s32 $0x35A0;
	v31 =	vperm.xlane v13, v6;
	[tilespmem:s29+$0x20] =	vst v16;
	v20 =	vmul.f32 v26, v20;
	v26 =	vld [tilespmem:s30+$0xFFFFFF80]  }
0xdf: {  	v17 =	vmul.f32 v25, v17;
	v25 =	vld [tilespmem:s31+$0xFFFFFFB0];
	v16 =	vperm.xlane v11, v1;
	[tilespmem:s0+$0x80] =	vst v19  }
0xe0: {  	v32 =	vperm.xlane v12, v7;
	v19 =	vperm.xlane v24, v1;
	[tilespmem:s29+$0xC0] =	vst v20;
	v20 =	vld [tilespmem:s30+$0x90]  }
0xe1: {  	s5 =	simm.s32 $0x5B40;
	v18 =	vperm.xlane v15, v1;
	v16 =	vmul.f32 v16, v21;
	v22 =	vld [tilespmem:s31+$0xD0]  }
0xe2: {  	v45 =	vld [tilespmem:s5+$0xFFFFFFE0];
	v33 =	vperm.xlane v14, v7;
	[tilespmem:s29+$0xFFFFFF30] =	vst v17;
	v19 =	vmul.f32 v19, v28  }
0xe3: {  	v28 =	vld [tilespmem:s31+$0x30];
	[tilespmem:s0+$0x0] =	vst v16;
	v17 =	vmul.f32 v18, v26;
	v18 =	vperm.xlane v10, v2  }
0xe4: {  	v38 =	vperm.xlane v24, v5;
	v25 =	vmul.f32 v27, v25;
	[tilespmem:s0+$0xFFFFFF00] =	vst v19;
	v26 =	vld [tilespmem:s31+$0xFFFFFF40]  }
0xe5: {  	v42 =	vperm.xlane v24, v6;
	v21 =	vld [tilespmem:s30+$0xFFFFFF10];
	[tilespmem:s0+$0xFFFFFF80] =	vst v17;
	v17 =	vmul.f32 v18, v20  }
0xe6: {  	v23 =	vperm.xlane v13, v4;
	[tilespmem:s29+$0xFFFFFFB0] =	vst v25;
	v20 =	vmul.f32 v30, v22;
	v22 =	vld [tilespmem:s30+$0xFFFFFF90]  }
0xe7: {  	v58 =	vperm.xlane v10, v6;
	v36 =	vperm.xlane v15, v4;
	v27 =	vld [tilespmem:s30+$0x10];
	[tilespmem:s0+$0x90] =	vst v17  }
0xe8: {  	v17 =	vmul.f32 v23, v28;
	v23 =	vperm.xlane v24, v2;
	[tilespmem:s29+$0xD0] =	vst v20;
	v20 =	vld [tilespmem:s30+$0xA0]  }
0xe9: {  	v25 =	vperm.xlane v15, v2;
	v26 =	vmul.f32 v29, v26;
	v29 =	vld [tilespmem:s31+$0xFFFFFFC0]  }
0xea: {  	v28 =	vld [tilespmem:s31+$0xE0];
	[tilespmem:s29+$0x30] =	vst v17;
	v17 =	vperm.xlane v11, v2;
	v21 =	vmul.f32 v23, v21  }
0xeb: {  	v23 =	vld [tilespmem:s31+$0x40];
	[tilespmem:s29+$0xFFFFFF40] =	vst v26;
	v22 =	vmul.f32 v25, v22;
	v25 =	vperm.xlane v10, v3  }
0xec: {  	v19 =	vperm.xlane v14, v5;
	v30 =	vld [tilespmem:s31+$0xFFFFFF50];
	[tilespmem:s0+$0xFFFFFF10] =	vst v21;
	v17 =	vmul.f32 v17, v27  }
0xed: {  	v47 =	vld [tilespmem:s15+$0xFFFFFF00];
	v26 =	vperm.xlane v9, v7;
	[tilespmem:s0+$0xFFFFFF90] =	vst v22;
	v20 =	vmul.f32 v25, v20  }
0xee: {  	v18 =	vperm.xlane v13, v5;
	[tilespmem:s0+$0x10] =	vst v17;
	v17 =	vmul.f32 v19, v29;
	v25 =	vld [tilespmem:s30+$0xFFFFFFA0]  }
0xef: {  	v16 =	vperm.xlane v12, v6;
	v22 =	vmul.f32 v26, v28;
	v19 =	vld [tilespmem:s30+$0x20];
	[tilespmem:s0+$0xA0] =	vst v20  }
0xf0: {  	v39 =	vperm.xlane v15, v5;
	v21 =	vld [tilespmem:s30+$0xFFFFFF20];
	v18 =	vmul.f32 v18, v23;
	[tilespmem:s29+$0xFFFFFFC0] =	vst v17  }
0xf1: {  	v23 =	vperm.xlane v15, v3;
	[tilespmem:s29+$0xE0] =	vst v22;
	v22 =	vld [tilespmem:s30+$0xB0];
	v16 =	vmul.f32 v16, v30  }
0xf2: {  	v44 =	vperm.xlane v15, v6;
	v17 =	vperm.xlane v11, v3;
	v26 =	vld [tilespmem:s31+$0xFFFFFFD0];
	[tilespmem:s29+$0x40] =	vst v18  }
0xf3: {  	v20 =	vperm.xlane v24, v3;
	v29 =	vld [tilespmem:s31+$0xF0];
	[tilespmem:s29+$0xFFFFFF50] =	vst v16;
	v16 =	vmul.f32 v23, v25  }
0xf4: {  	v37 =	vperm.xlane v11, v4;
	v30 =	vld [tilespmem:s31+$0x50];
	v17 =	vmul.f32 v17, v19  }
0xf5: {  	v18 =	vmul.f32 v20, v21;
	v20 =	vperm.xlane v10, v4;
	v34 =	vld [tilespmem:s31+$0xFFFFFF60];
	[tilespmem:s0+$0xFFFFFFA0] =	vst v16  }
0xf6: {  	v40 =	vperm.xlane v11, v5;
	v27 =	vperm.xlane v14, v6;
	[tilespmem:s0+$0x20] =	vst v17;
	v17 =	vld [tilespmem:s5+$0x10]  }
0xf7: {  	[tilespmem:s0+$0xFFFFFF20] =	vst v18;
	v19 =	vperm.xlane v14, v8;
	v16 =	vmul.f32 v20, v22;
	v14 =	vld [tilespmem:s30+$0xFFFFFFB0]  }
0xf8: {  	v9 =	vperm.xlane v9, v8;
	v21 =	vperm.xlane v13, v7;
	v35 =	vld [tilespmem:s30+$0xFFFFFF30]  }
0xf9: {  	v20 =	vperm.xlane v12, v8;
	v12 =	vmul.f32 v27, v26;
	v26 =	vld [tilespmem:s5+$0x0];
	[tilespmem:s0+$0xB0] =	vst v16  }
0xfa: {  	v18 =	vperm.xlane v13, v8;
	v27 =	vperm.xlane v24, v4;
	v16 =	vld [tilespmem:s30+$0xC0]  }
0xfb: {  	v22 =	vperm.xlane v10, v5;
	v13 =	vld [tilespmem:s30+$0x30];
	v46 =	vperm.xlane v17, v1  }
0xfc: {  	[tilespmem:s29+$0xFFFFFFD0] =	vst v12;
	v12 =	vld [tilespmem:s5+$0xFFFFFFF0];
	v30 =	vmul.f32 v31, v30;
	v14 =	vmul.f32 v36, v14  }
0xfd: {  	v41 =	vld [tilespmem:s31+$0xFFFFFFE0];
	v43 =	vmul.f32 v46, v43;
	v46 =	vmul.f32 v9, v29  }
0xfe: {  	[tilespmem:s29+$0x50] =	vst v30;
	v9 =	vmul.f32 v27, v35;
	v27 =	vld [tilespmem:s15+$0xFFFFFF80];
	v29 =	vperm.xlane v15, v8  }
0xff: {  	s16 =	simm.s32 $0x37A0;
	v28 =	vmul.f32 v22, v16;
	v22 =	vperm.xlane v15, v7;
	v15 =	vld [tilespmem:s15+$0x0];
	[tilespmem:s0+$0xFFFFFFB0] =	vst v14  }
0x100: {  	v25 =	vperm.xlane v11, v6;
	v23 =	vperm.xlane v24, v7;
	[tilespmem:s16+$0x80] =	vst v43;
	v57 =	vld [tilespmem:s30+$0xFFFFFFC0]  }
0x101: {  	[tilespmem:s0+$0xFFFFFF30] =	vst v9;
	v9 =	vmul.f32 v37, v13;
	v13 =	vperm.xlane v45, v1;
	v43 =	vld [tilespmem:s31+$0x60]  }
0x102: {  	v30 =	vperm.xlane v17, v2;
	v14 =	vperm.xlane v12, v1;
	[tilespmem:s0+$0xC0] =	vst v28;
	v56 =	vld [tilespmem:s15+$0x90]  }
0x103: {  	v31 =	vld [tilespmem:s30+$0xFFFFFF40];
	[tilespmem:s0+$0x30] =	vst v9;
	v9 =	vperm.xlane v26, v1;
	v13 =	vmul.f32 v13, v47  }
0x104: {  	v28 =	vperm.xlane v24, v8;
	v24 =	vld [tilespmem:s30+$0xD0];
	v14 =	vmul.f32 v14, v27  }
0x105: {  	v16 =	vperm.xlane v11, v7;
	v27 =	vld [tilespmem:s30+$0x40];
	v15 =	vmul.f32 v9, v15;
	[tilespmem:s16+$0xFFFFFF00] =	vst v13  }
0x106: {  	v9 =	vperm.xlane v11, v8;
	v11 =	vld [tilespmem:s15+$0xFFFFFF10];
	[tilespmem:s16+$0xFFFFFF80] =	vst v14;
	v14 =	vmul.f32 v32, v34  }
0x107: {  	v54 =	vmul.f32 v39, v57;
	v13 =	vmul.f32 v30, v56;
	v30 =	vld [tilespmem:s15+$0xFFFFFF90];
	[tilespmem:s16+$0x0] =	vst v15  }
0x108: {  	v60 =	vld [tilespmem:s15+$0x10];
	[tilespmem:s29+$0xFFFFFF60] =	vst v14  }
0x109: {  	v61 =	vperm.xlane v45, v2;
	v24 =	vmul.f32 v58, v24;
	[tilespmem:s0+$0xFFFFFFC0] =	vst v54;
	v63 =	vld [tilespmem:s31+$0xFFFFFF70]  }
0x10a: {  	v50 =	vperm.xlane v17, v3;
	v15 =	vmul.f32 v33, v41;
	[tilespmem:s16+$0x90] =	vst v13;
	v32 =	vld [tilespmem:s30+$0xFFFFFFD0]  }
0x10b: {  	v59 =	vperm.xlane v12, v2;
	v31 =	vmul.f32 v38, v31;
	[tilespmem:s0+$0xD0] =	vst v24;
	v24 =	vld [tilespmem:s15+$0xA0]  }
0x10c: {  	v51 =	vperm.xlane v26, v3;
	[tilespmem:s29+$0xFFFFFFE0] =	vst v15;
	v62 =	vld [tilespmem:s30+$0xE0];
	v11 =	vmul.f32 v61, v11  }
0x10d: {  	v14 =	vperm.xlane v26, v2;
	[tilespmem:s0+$0xFFFFFF40] =	vst v31;
	v31 =	vld [tilespmem:s31+$0xFFFFFFF0];
	v30 =	vmul.f32 v59, v30  }
0x10e: {  	v36 =	vperm.xlane v26, v6;
	v27 =	vmul.f32 v40, v27;
	v52 =	vld [tilespmem:s30+$0xFFFFFF50];
	[tilespmem:s16+$0xFFFFFF10] =	vst v11  }
0x10f: {  	v11 =	vmul.f32 v14, v60;
	v14 =	vperm.xlane v10, v7;
	v53 =	vld [tilespmem:s15+$0xFFFFFF20];
	[tilespmem:s16+$0xFFFFFF90] =	vst v30  }
0x110: {  	v35 =	vperm.xlane v12, v6;
	[tilespmem:s0+$0x40] =	vst v27;
	v24 =	vmul.f32 v50, v24;
	v55 =	vld [tilespmem:s15+$0xFFFFFFA0]  }
0x111: {  	v47 =	vperm.xlane v45, v6;
	v27 =	vld [tilespmem:s30+$0x50];
	[tilespmem:s16+$0x10] =	vst v11;
	v11 =	vmul.f32 v14, v62  }
0x112: {  	v34 =	vperm.xlane v45, v7;
	v15 =	vperm.xlane v45, v3;
	v14 =	vld [tilespmem:s15+$0x20];
	[tilespmem:s16+$0xA0] =	vst v24  }
0x113: {  	s6 =	simm.s32 $0x5B80;
	v13 =	vperm.xlane v12, v3;
	v57 =	vld [tilespmem:s15+$0xB0];
	[tilespmem:s0+$0xE0] =	vst v11;
	v11 =	vmul.f32 v42, v52  }
0x114: {  	v21 =	vmul.f32 v21, v43;
	v42 =	vld [tilespmem:s6+$0xFFFFFFE0];
	v15 =	vmul.f32 v15, v53  }
0x115: {  	v56 =	vperm.xlane v12, v4;
	v58 =	vld [tilespmem:s30+$0xF0];
	[tilespmem:s0+$0xFFFFFF50] =	vst v11;
	v11 =	vmul.f32 v13, v55  }
0x116: {  	v38 =	vperm.xlane v12, v5;
	v13 =	vperm.xlane v17, v4;
	v59 =	vld [tilespmem:s30+$0xFFFFFF60];
	[tilespmem:s16+$0xFFFFFF20] =	vst v15  }
0x117: {  	v33 =	vperm.xlane v26, v5;
	v14 =	vmul.f32 v51, v14;
	v48 =	vld [tilespmem:s15+$0xFFFFFF30];
	[tilespmem:s16+$0xFFFFFFA0] =	vst v11  }
0x118: {  	v40 =	vperm.xlane v45, v5;
	v11 =	vmul.f32 v13, v57;
	v49 =	vld [tilespmem:s15+$0xFFFFFFB0]  }
0x119: {  	v10 =	vperm.xlane v10, v8;
	v30 =	vperm.xlane v45, v4;
	[tilespmem:s16+$0x20] =	vst v14;
	v14 =	vld [tilespmem:s6+$0x10]  }
0x11a: {  	v24 =	vperm.xlane v26, v4;
	v13 =	vmul.f32 v44, v32;
	v60 =	vld [tilespmem:s15+$0x30];
	[tilespmem:s16+$0xB0] =	vst v11  }
0x11b: {  	s3 =	simm.s32 $0x7A0;
	v25 =	vmul.f32 v25, v27;
	v41 =	vmul.f32 v10, v58;
	v61 =	vld [tilespmem:s15+$0xC0]  }
0x11c: {  	v10 =	vperm.xlane v26, v8;
	[tilespmem:s0+$0xFFFFFFD0] =	vst v13;
	v13 =	vperm.xlane v26, v7;
	v26 =	vld [tilespmem:s3+$0x80]  }
0x11d: {  	[tilespmem:s29+$0x60] =	vst v21;
	v50 =	vperm.xlane v17, v5;
	v19 =	vmul.f32 v19, v31;
	v62 =	vld [tilespmem:s30+$0xFFFFFFE0]  }
0x11e: {  	[tilespmem:s0+$0x50] =	vst v25;
	v11 =	vperm.xlane v45, v8;
	v45 =	vld [tilespmem:s6+$0xFFFFFFF0];
	v23 =	vmul.f32 v23, v59  }
0x11f: {  	[tilespmem:s0+$0xF0] =	vst v41;
	v41 =	vld [tilespmem:s6+$0x0];
	v25 =	vmul.f32 v30, v48;
	v31 =	vperm.xlane v14, v1  }
0x120: {  	v20 =	vmul.f32 v20, v63;
	v30 =	vld [tilespmem:s3+$0xFFFFFF00];
	[tilespmem:s0+$0xFFFFFF60] =	vst v23;
	v27 =	vmul.f32 v50, v61  }
0x121: {  	v23 =	vmul.f32 v56, v49;
	[tilespmem:s16+$0xFFFFFF30] =	vst v25;
	v26 =	vmul.f32 v31, v26;
	v31 =	vld [tilespmem:s3+$0x0]  }
0x122: {  	v55 =	vperm.xlane v17, v6;
	v21 =	vmul.f32 v22, v62;
	v22 =	vld [tilespmem:s3+$0xFFFFFF80];
	[tilespmem:s16+$0xC0] =	vst v27  }
0x123: {  	s5 =	simm.s32 $0x39A0;
	v15 =	vperm.xlane v12, v7;
	v24 =	vmul.f32 v24, v60;
	[tilespmem:s16+$0xFFFFFFB0] =	vst v23;
	v27 =	vld [tilespmem:s15+$0xD0]  }
0x124: {  	v12 =	vperm.xlane v12, v8;
	v56 =	vperm.xlane v42, v1;
	v59 =	vld [tilespmem:s15+$0xFFFFFFC0];
	[tilespmem:s5+$0x80] =	vst v26  }
0x125: {  	v25 =	vperm.xlane v45, v1;
	v23 =	vperm.xlane v41, v1;
	[tilespmem:s16+$0x30] =	vst v24;
	v57 =	vld [tilespmem:s3+$0x90]  }
0x126: {  	v32 =	vperm.xlane v42, v4;
	v44 =	vld [tilespmem:s30+$0xFFFFFF70];
	[tilespmem:s0+$0xFFFFFFE0] =	vst v21;
	v21 =	vmul.f32 v56, v30  }
0x127: {  	[tilespmem:s29+$0xFFFFFF70] =	vst v20;
	v60 =	vld [tilespmem:s15+$0x40];
	v23 =	vmul.f32 v23, v31;
	v22 =	vmul.f32 v25, v22  }
0x128: {  	v26 =	vld [tilespmem:s15+$0xFFFFFF40];
	[tilespmem:s5+$0xFFFFFF00] =	vst v21;
	v25 =	vperm.xlane v14, v2;
	v24 =	vmul.f32 v55, v27  }
0x129: {  	v63 =	vperm.xlane v45, v2;
	v39 =	vperm.xlane v45, v3;
	v52 =	vld [tilespmem:s3+$0xFFFFFF10];
	[tilespmem:s5+$0x0] =	vst v23  }
0x12a: {  	v38 =	vmul.f32 v38, v59;
	v21 =	vmul.f32 v25, v57;
	v25 =	vld [tilespmem:s3+$0x10];
	[tilespmem:s16+$0xD0] =	vst v24  }
0x12b: {  	v58 =	vperm.xlane v41, v2;
	v61 =	vperm.xlane v42, v3;
	[tilespmem:s5+$0xFFFFFF80] =	vst v22;
	v24 =	vld [tilespmem:s15+$0xE0]  }
0x12c: {  	v51 =	vperm.xlane v41, v3;
	v43 =	vmul.f32 v33, v60;
	[tilespmem:s16+$0xFFFFFFC0] =	vst v38;
	v22 =	vld [tilespmem:s3+$0xFFFFFF90]  }
0x12d: {  	v62 =	vperm.xlane v17, v7;
	v27 =	vperm.xlane v42, v2;
	v38 =	vld [tilespmem:s15+$0xFFFFFFD0];
	[tilespmem:s5+$0x90] =	vst v21  }
0x12e: {  	v17 =	vperm.xlane v17, v8;
	v26 =	vmul.f32 v40, v26;
	[tilespmem:s16+$0x40] =	vst v43;
	v20 =	vld [tilespmem:s3+$0xA0]  }
0x12f: {  	[tilespmem:s29+$0xFFFFFFF0] =	vst v19;
	v30 =	vperm.xlane v41, v4;
	v43 =	vld [tilespmem:s15+$0x50];
	v27 =	vmul.f32 v27, v52  }
0x130: {  	v31 =	vperm.xlane v45, v4;
	[tilespmem:s16+$0xFFFFFF40] =	vst v26;
	v52 =	vld [tilespmem:s30+$0xFFFFFFF0];
	v19 =	vmul.f32 v62, v24  }
0x131: {  	v26 =	vperm.xlane v14, v3;
	[tilespmem:s5+$0xFFFFFF10] =	vst v27;
	v22 =	vmul.f32 v63, v22;
	v63 =	vld [tilespmem:s15+$0xFFFFFF50]  }
0x132: {  	v23 =	vperm.xlane v45, v5;
	v57 =	vld [tilespmem:s3+$0xFFFFFF20];
	[tilespmem:s16+$0xE0] =	vst v19;
	v19 =	vmul.f32 v58, v25  }
0x133: {  	v33 =	vperm.xlane v45, v7;
	[tilespmem:s5+$0xFFFFFF90] =	vst v22;
	v20 =	vmul.f32 v26, v20;
	v56 =	vld [tilespmem:s15+$0xF0]  }
0x134: {  	v60 =	vperm.xlane v14, v4;
	v21 =	vperm.xlane v42, v5;
	v22 =	vld [tilespmem:s3+$0xFFFFFFA0];
	[tilespmem:s5+$0x10] =	vst v19  }
0x135: {  	v27 =	vperm.xlane v42, v6;
	v38 =	vmul.f32 v35, v38;
	[tilespmem:s5+$0xA0] =	vst v20;
	v58 =	vld [tilespmem:s3+$0x20]  }
0x136: {  	v35 =	vmul.f32 v28, v44;
	v53 =	vld [tilespmem:s3+$0xB0];
	v37 =	vmul.f32 v47, v63  }
0x137: {  	[tilespmem:s29+$0xF0] =	vst v46;
	v43 =	vmul.f32 v36, v43;
	v59 =	vmul.f32 v61, v57  }
0x138: {  	v49 =	vld [tilespmem:s30+$0x60];
	v26 =	vperm.xlane v45, v6;
	[tilespmem:s16+$0xFFFFFF50] =	vst v37;
	v17 =	vmul.f32 v17, v56  }
0x139: {  	v36 =	vmul.f32 v29, v52;
	[tilespmem:s5+$0xFFFFFF20] =	vst v59;
	v22 =	vmul.f32 v39, v22;
	v61 =	vld [tilespmem:s15+$0xFFFFFF60]  }
0x13a: {  	v24 =	vperm.xlane v41, v5;
	v62 =	vld [tilespmem:s31+$0x70];
	[tilespmem:s16+$0xF0] =	vst v17;
	v17 =	vmul.f32 v51, v58  }
0x13b: {  	v20 =	vperm.xlane v41, v7;
	v39 =	vld [tilespmem:s3+$0xFFFFFF30];
	[tilespmem:s5+$0xFFFFFFA0] =	vst v22;
	v63 =	vmul.f32 v60, v53  }
0x13c: {  	v25 =	vperm.xlane v41, v6;
	v19 =	vperm.xlane v42, v7;
	v40 =	vld [tilespmem:s3+$0xFFFFFFB0];
	[tilespmem:s5+$0x20] =	vst v17  }
0x13d: {  	v37 =	vmul.f32 v16, v49;
	[tilespmem:s5+$0xB0] =	vst v63;
	v17 =	vperm.xlane v41, v8;
	v41 =	vld [tilespmem:s3+$0x30]  }
0x13e: {  	s1 =	simm.s32 $0x7A0;
	[tilespmem:s16+$0xFFFFFFD0] =	vst v38;
	v16 =	vperm.xlane v42, v8;
	v42 =	vld [tilespmem:s3+$0xC0];
	v28 =	vmul.f32 v34, v61  }
0x13f: {  	s2 =	simm.s32 $0xC;
	s6 =	simm.s32 $0x5BC0;
	v38 =	vld [tilespmem:s15+$0xFFFFFFE0];
	[tilespmem:s16+$0x50] =	vst v43;
	s31 =	simm.s32 $0x39A0;
	v22 =	vperm.xlane v45, v8;
	v34 =	vmul.f32 v18, v62  }
.LBB2_7:
0x140: {  	v29 =	vld [tilespmem:s6+$0x10];
	s2 =	sadd.s32 $0x4, s2;
	v32 =	vmul.f32 v32, v39;
	[tilespmem:s16+$0xFFFFFF60] =	vst v28  }
0x141: {  	v39 =	vperm.xlane v14, v5;
	s3 =	sadd.s32 $0x200, s3;
	v18 =	vld [tilespmem:s6+$0xFFFFFFF0];
	p0 =	slt.u32 s2, $0x4C;
	v31 =	vmul.f32 v31, v40;
	[tilespmem:s0+$0x60] =	vst v37  }
0x142: {  	v37 =	vld [tilespmem:s3+$0x80];
	[tilespmem:s5+$0xFFFFFF30] =	vst v32;
	v30 =	vmul.f32 v30, v41  }
0x143: {  	v28 =	vld [tilespmem:s6+$0x0];
	[tilespmem:s5+$0xFFFFFFB0] =	vst v31;
	v31 =	vmul.f32 v39, v42  }
0x144: {  	v39 =	vld [tilespmem:s6+$0xFFFFFFE0];
	[tilespmem:s5+$0x30] =	vst v30;
	v30 =	vmul.f32 v15, v38;
	v15 =	vmov v33  }
0x145: {  	v32 =	vld [tilespmem:s3+$0xFFFFFF00];
	v33 =	vperm.xlane v29, v1;
	[tilespmem:s5+$0xC0] =	vst v31  }
0x146: {  	v31 =	vperm.xlane v18, v1;
	v38 =	vperm.xlane v18, v2;
	v40 =	vld [tilespmem:s1+$0xD0];
	[tilespmem:s16+$0xFFFFFFE0] =	vst v30  }
0x147: {  	v41 =	vperm.xlane v18, v3;
	v30 =	vld [tilespmem:s3+$0xFFFFFF80];
	v33 =	vmul.f32 v33, v37;
	[tilespmem:s0+$0xFFFFFF70] =	vst v35  }
0x148: {  	s5 =	sadd.s32 $0x200, s5;
	v35 =	vld [tilespmem:s3+$0x0];
	v37 =	vperm.xlane v28, v1;
	v42 =	vperm.xlane v28, v2;
	[tilespmem:s0+$0xFFFFFFF0] =	vst v36  }
0x149: {  	v43 =	vperm.xlane v14, v6;
	v36 =	vperm.xlane v39, v1;
	[tilespmem:s5+$0x80] =	vst v33;
	v33 =	vld [tilespmem:s1+$0xFFFFFF40]  }
0x14a: {  	v44 =	vperm.xlane v39, v2;
	v45 =	vperm.xlane v39, v3;
	v46 =	vld [tilespmem:s3+$0x90];
	[tilespmem:s29+$0x70] =	vst v34;
	s29 =	smov.u32 s0;
	s0 =	smov.u32 s16;
	s16 =	smov.u32 s31  }
0x14b: {  	s31 =	smov.u32 s5;
	v32 =	vmul.f32 v36, v32;
	v34 =	vld [tilespmem:s1+$0xFFFFFFC0];
	v36 =	vmul.f32 v43, v40  }
0x14c: {  	v40 =	vperm.xlane v28, v3;
	v30 =	vmul.f32 v31, v30;
	v43 =	vld [tilespmem:s1+$0x40]  }
0x14d: {  	v35 =	vmul.f32 v37, v35;
	v37 =	vperm.xlane v29, v2;
	[tilespmem:s16+$0xD0] =	vst v36;
	v36 =	vld [tilespmem:s15+$0x60]  }
0x14e: {  	v31 =	vperm.xlane v18, v4;
	[tilespmem:s5+$0xFFFFFF00] =	vst v32;
	v32 =	vperm.xlane v39, v4;
	v47 =	vld [tilespmem:s1+$0xE0]  }
0x14f: {  	v48 =	vld [tilespmem:s3+$0xFFFFFF10];
	[tilespmem:s5+$0xFFFFFF80] =	vst v30;
	v30 =	vperm.xlane v28, v4;
	v37 =	vmul.f32 v37, v46  }
0x150: {  	v50 =	vperm.xlane v18, v5;
	v46 =	vperm.xlane v39, v5;
	v49 =	vld [tilespmem:s3+$0xFFFFFF90];
	[tilespmem:s5+$0x0] =	vst v35  }
0x151: {  	v51 =	vperm.xlane v28, v5;
	v35 =	vld [tilespmem:s3+$0x10];
	[tilespmem:s5+$0x90] =	vst v37;
	v37 =	vperm.xlane v14, v7  }
0x152: {  	v33 =	vmul.f32 v21, v33;
	v34 =	vmul.f32 v23, v34;
	v23 =	vmovc v50;
	v21 =	vmov v46;
	v52 =	vld [tilespmem:s3+$0xA0]  }
0x153: {  	v43 =	vmul.f32 v24, v43;
	v24 =	vmov v51;
	v37 =	vmul.f32 v37, v47;
	v46 =	vld [tilespmem:s15+$0xFFFFFF70]  }
0x154: {  	v47 =	vperm.xlane v39, v6;
	v44 =	vmul.f32 v44, v48;
	[tilespmem:s16+$0xFFFFFF40] =	vst v33;
	v48 =	vld [tilespmem:s15+$0xFFFFFFF0]  }
0x155: {  	v33 =	vmul.f32 v38, v49;
	v38 =	vperm.xlane v29, v3;
	v49 =	vld [tilespmem:s1+$0xFFFFFF50];
	[tilespmem:s16+$0xE0] =	vst v37  }
0x156: {  	[tilespmem:s5+$0xFFFFFF10] =	vst v44;
	v44 =	vperm.xlane v18, v6;
	v35 =	vmul.f32 v42, v35;
	v42 =	vld [tilespmem:s1+$0xF0]  }
0x157: {  	v51 =	vperm.xlane v28, v6;
	v50 =	vld [tilespmem:s3+$0xFFFFFF20];
	[tilespmem:s5+$0xFFFFFF90] =	vst v33;
	v37 =	vmul.f32 v38, v52  }
0x158: {  	v38 =	vperm.xlane v39, v7;
	v33 =	vperm.xlane v18, v7;
	v52 =	vld [tilespmem:s3+$0xFFFFFFA0];
	[tilespmem:s5+$0x10] =	vst v35  }
0x159: {  	v54 =	vperm.xlane v14, v8;
	v53 =	vperm.xlane v28, v7;
	v14 =	vmov v29;
	v35 =	vld [tilespmem:s3+$0x20];
	[tilespmem:s5+$0xA0] =	vst v37  }
0x15a: {  	v37 =	vmul.f32 v13, v36;
	v13 =	vmovc v20;
	v29 =	vld [tilespmem:s3+$0xB0];
	v49 =	vmul.f32 v27, v49;
	[tilespmem:s16+$0xFFFFFFC0] =	vst v34;
	v27 =	vmov v47  }
0x15b: {  	v20 =	vmov v53;
	v34 =	vperm.xlane v39, v8;
	v36 =	vld [tilespmem:s1+$0xFFFFFFD0];
	[tilespmem:s16+$0x40] =	vst v43;
	v39 =	vmul.f32 v54, v42  }
0x15c: {  	v18 =	vperm.xlane v18, v8;
	v42 =	vmul.f32 v45, v50;
	[tilespmem:s16+$0xFFFFFF50] =	vst v49;
	v43 =	vld [tilespmem:s1+$0x50]  }
0x15d: {  	v45 =	vperm.xlane v14, v4;
	v41 =	vmul.f32 v41, v52;
	v47 =	vld [tilespmem:s1+$0xFFFFFF60];
	[tilespmem:s16+$0xF0] =	vst v39  }
0x15e: {  	v49 =	vperm.xlane v28, v8;
	[tilespmem:s5+$0xFFFFFF20] =	vst v42;
	v42 =	vmul.f32 v40, v35;
	v50 =	vld [tilespmem:s30+$0x70];
	s30 =	smov.u32 s15;
	s15 =	smov.u32 s1;
	s1 =	smov.u32 s3  }
.Ltmp2:
0x15f: {  	v35 =	vmul.f32 v11, v46;
	v11 =	vmovc v16;
	v16 =	vmov v34;
	v39 =	vld [tilespmem:s3+$0xFFFFFF30];
	[tilespmem:s5+$0xFFFFFFA0] =	vst v41;
	v28 =	vmul.f32 v45, v29;
	(pc) =	sbr.rel @p0 .LBB2_7-.Ltmp2, $4  }
0x160: {  	v40 =	vld [tilespmem:s3+$0xFFFFFFB0];
	[tilespmem:s5+$0x20] =	vst v42;
	v29 =	vmul.f32 v26, v36;
	v36 =	vmul.f32 v12, v48;
	v26 =	vmovc v44;
	v12 =	vmov v22  }
0x161: {  	v22 =	vmov v18;
	v41 =	vld [tilespmem:s3+$0x30];
	[tilespmem:s5+$0xB0] =	vst v28;
	v34 =	vmul.f32 v25, v43;
	v25 =	vmov v51  }
0x162: {  	v42 =	vld [tilespmem:s3+$0xC0];
	v28 =	vmul.f32 v19, v47;
	[tilespmem:s16+$0xFFFFFFD0] =	vst v29;
	v19 =	vmov v38  }
0x163: {  	s6 =	sadd.s32 $0x40, s6;
	v38 =	vld [tilespmem:s15+$0xFFFFFFE0];
	[tilespmem:s16+$0x50] =	vst v34;
	v34 =	vmul.f32 v9, v50;
	v9 =	vmovc v10;
	v10 =	vmov v17;
	v17 =	vmov v49  }
0x164: {  	_ = 	snop  }
0x165: {  	v29 =	vmul.f32 v31, v40  }
0x166: {  	v18 =	vmul.f32 v32, v39  }
0x167: {  	v44 =	vmul.f32 v30, v41;
	[tilespmem:s5+$0xFFFFFFB0] =	vst v29  }
0x168: {  	[tilespmem:s5+$0xFFFFFF30] =	vst v18;
	v47 =	vld [tilespmem:s1+$0xFFFFFFC0]  }
0x169: {  	v45 =	vld [tilespmem:s1+$0xFFFFFF40];
	[tilespmem:s5+$0x30] =	vst v44  }
0x16a: {  	v43 =	vperm.xlane v14, v5;
	v18 =	vld [tilespmem:s1+$0x40];
	_ =	sdelay $0x1  }
0x16b: {  	v46 =	vmul.f32 v43, v42  }
0x16c: {  	v23 =	vmul.f32 v23, v47  }
0x16d: {  	[tilespmem:s5+$0xC0] =	vst v46;
	v21 =	vmul.f32 v21, v45  }
0x16e: {  	v30 =	vld [tilespmem:s1+$0xD0];
	v18 =	vmul.f32 v24, v18;
	[tilespmem:s31+$0xFFFFFFC0] =	vst v23  }
0x16f: {  	[tilespmem:s31+$0xFFFFFF40] =	vst v21;
	v50 =	vld [tilespmem:s1+$0xFFFFFFD0]  }
0x170: {  	v21 =	vld [tilespmem:s1+$0xFFFFFF50];
	[tilespmem:s31+$0x40] =	vst v18  }
0x171: {  	v48 =	vperm.xlane v14, v6;
	v18 =	vld [tilespmem:s1+$0x50]  }
0x172: {  	[tilespmem:s16+$0xFFFFFF60] =	vst v28  }
0x173: {  	[tilespmem:s0+$0x60] =	vst v37;
	v49 =	vmul.f32 v48, v30  }
0x174: {  	[tilespmem:s0+$0xFFFFFF70] =	vst v35;
	v24 =	vmul.f32 v26, v50  }
0x175: {  	v54 =	vld [tilespmem:s15+$0x60];
	[tilespmem:s31+$0xD0] =	vst v49;
	v21 =	vmul.f32 v27, v21  }
0x176: {  	v23 =	vld [tilespmem:s1+$0xE0];
	v18 =	vmul.f32 v25, v18;
	[tilespmem:s31+$0xFFFFFFD0] =	vst v24  }
0x177: {  	[tilespmem:s31+$0xFFFFFF50] =	vst v21;
	v53 =	vld [tilespmem:s1+$0xFFFFFFE0]  }
0x178: {  	v21 =	vld [tilespmem:s1+$0xFFFFFF60];
	[tilespmem:s31+$0x50] =	vst v18  }
0x179: {  	v51 =	vperm.xlane v14, v7;
	[tilespmem:s0+$0xFFFFFFF0] =	vst v36;
	v15 =	vmul.f32 v15, v38;
	v55 =	vld [tilespmem:s1+$0x60]  }
0x17a: {  	v57 =	vld [tilespmem:s15+$0xFFFFFF70];
	[tilespmem:s29+$0x70] =	vst v34;
	v13 =	vmul.f32 v13, v54  }
0x17b: {  	v60 =	vld [tilespmem:s30+$0x70];
	[tilespmem:s16+$0xFFFFFFE0] =	vst v15;
	v52 =	vmul.f32 v51, v23  }
0x17c: {  	v58 =	vld [tilespmem:s15+$0xFFFFFFF0];
	[tilespmem:s16+$0x60] =	vst v13;
	v23 =	vmul.f32 v33, v53  }
0x17d: {  	v62 =	vld [tilespmem:s15+$0x70];
	[tilespmem:s31+$0xE0] =	vst v52;
	v19 =	vmul.f32 v19, v21  }
0x17e: {  	v56 =	vld [tilespmem:s1+$0xF0];
	v15 =	vmul.f32 v20, v55;
	[tilespmem:s31+$0xFFFFFFE0] =	vst v23  }
0x17f: {  	v11 =	vmul.f32 v11, v57;
	[tilespmem:s31+$0xFFFFFF60] =	vst v19;
	v61 =	vld [tilespmem:s1+$0xFFFFFFF0]  }
0x180: {  	v9 =	vmul.f32 v9, v60;
	v19 =	vld [tilespmem:s1+$0xFFFFFF70];
	[tilespmem:s31+$0x60] =	vst v15  }
0x181: {  	v59 =	vperm.xlane v14, v8;
	[tilespmem:s16+$0xFFFFFF70] =	vst v11;
	v12 =	vmul.f32 v12, v58;
	v63 =	vld [tilespmem:s1+$0x70]  }
0x182: {  	[tilespmem:s0+$0x70] =	vst v9;
	v10 =	vmul.f32 v10, v62  }
0x183: {  	[tilespmem:s16+$0xFFFFFFF0] =	vst v12;
	v14 =	vmul.f32 v59, v56  }
0x184: {  	[tilespmem:s16+$0x70] =	vst v10;
	v9 =	vmul.f32 v22, v61  }
0x185: {  	[tilespmem:s31+$0xF0] =	vst v14;
	v11 =	vmul.f32 v16, v19  }
0x186: {  	[tilespmem:s31+$0xFFFFFFF0] =	vst v9;
	v9 =	vmul.f32 v17, v63  }
0x187: {  	[tilespmem:s31+$0xFFFFFF70] =	vst v11  }
0x188: {  	[tilespmem:s31+$0x70] =	vst v9  }
0x189: {  	[spmem:s7] =	stream.indirect.scatter.add.f32 [tilespmem:s17], [sflag:$0x3], $0x80, s20, s20, $0xb8;
	[tilespmem:$0x1C320] =	vst v63  }
0x18a: {  	s28 =	sadd.s32 $0x1, s28;
	_ =	swait.ge [sflag:s18], $0x2800  }
0x18b: {  	p0 =	sne.s32 s28, $0x7D;
	[sflag:s18] =	ssyncset.done $0x0  }
.Ltmp3:
0x18c: {  	[sflag:s18] =	ssyncadd.s32 $0xFFFFD800;
	(pc) =	sbr.rel @p0 .LBB2_4-.Ltmp3, $4  }
0x18d: {  	[spmem:s8] =	stream.indirect.scatter.add.f32 [tilespmem:s19], [sflag:$0x3], $0x10, s20, s20, $0xb8;
	[tilespmem:$0x1C320] =	vst v63  }
0x18e: {  	_ =	swait.ge [sflag:s18], $0x500  }
0x18f: {  	[sflag:s18] =	ssyncset.done $0x0  }
0x190: {  	[sflag:s18] =	ssyncadd.s32 $0xFFFFFB00  }
0x191: {  	[bflag:$0x0] =	sbarrier.arrive $0xFFFF  }
0x192: {  	s0 =	stileid.u32;
	s26 =	rddreg [dreg:$0xa]  }
0x193: {  	s0 =	sshll.u32 s0, $0x6;
	s28 =	rddreg [dreg:$0x1b];
	s2 =	sshrl.u32 s26, $0x3  }
0x194: {  	s1 =	sor.u32 $0x1C03, s0;
	[smem:$0x7FC] =	sst s2  }
0x195: {  	[hbm:s28], [sflag:s1] =	dma.local [spmem:s2], $0x2780  }
0x196: {  	_ =	swait.ge [sflag:s18], $0x2780;
	[dreg:$0x1f] =	wrdreg s1  }
0x197: {  	s29 =	rddreg [dreg:$0xb]  }
0x198: {  	[sflag:s18] =	ssyncset.done $0x0;
	s31 =	rddreg [dreg:$0xc];
	s30 =	sshrl.u32 s29, $0x3  }
0x199: {  	[sflag:s18] =	ssyncadd.s32 $0xFFFFD880;
	[smem:$0x7FD] =	sst s30  }
0x19a: {  	[hbm:s31], [sflag:s1] =	dma.local [spmem:s30], $0x4F0  }
0x19b: {  	_ =	swait.ge [sflag:s18], $0x4F0  }
0x19c: {  	[sflag:s18] =	ssyncset.done $0x0  }
0x19d: {  	[sflag:s18] =	ssyncadd.s32 $0xFFFFFB10  }
0x19e: {  	s0 =	simm.s32 $0x32E0;
	[bflag:$0x0] =	sbarrier.arrive $0xFFFF  }
0x19f: {  	[tilespmem:s0+$0xFFFFFFD0] =	vst v0  }
0x1a0: {  	[tilespmem:s0+$0xFFFFFFE0] =	vst v0  }
0x1a1: {  	[tilespmem:s0+$0xFFFFFFF0] =	vst v0  }
0x1a2: {  	[tilespmem:s0+$0x0] =	vst v0  }
0x1a3: {  	[tilespmem:s0+$0x10] =	vst v0  }
0x1a4: {  	[tilespmem:s0+$0x20] =	vst v0  }
0x1a5: {  	[tilespmem:s0+$0x30] =	vst v0  }
0x1a6: {  	s2 =	simm.s32 $0x0;
	s1 =	simm.s32 $0x40;
	[tilespmem:s0+$0xFFFFFFC0] =	vst v0  }
.LBB2_10:
0x1a7: {  	p0 =	sne.s32 s1, $0x13C0;
	[tilespmem:s2+$0x5AA0] =	vst v0;
	s0 =	sadd.s32 $0x80, s0  }
0x1a8: {  	[tilespmem:s0+$0xFFFFFFD0] =	vst v0  }
0x1a9: {  	[tilespmem:s0+$0xFFFFFFE0] =	vst v0  }
0x1aa: {  	[tilespmem:s0+$0xFFFFFFF0] =	vst v0  }
.Ltmp4:
0x1ab: {  	[tilespmem:s0+$0x0] =	vst v0;
	(pc) =	sbr.rel @p0 .LBB2_10-.Ltmp4, $4  }
0x1ac: {  	[tilespmem:s0+$0x10] =	vst v0  }
0x1ad: {  	[tilespmem:s0+$0x20] =	vst v0  }
0x1ae: {  	[tilespmem:s0+$0x30] =	vst v0  }
0x1af: {  	s2 =	sshra.s32 s1, $0x2;
	s1 =	sadd.s32 $0x40, s1;
	[tilespmem:s0+$0xFFFFFFC0] =	vst v0  }
0x1b0: {  	[tilespmem:s2+$0x5AA0] =	vst v0;
	s0 =	rddreg [dreg:$0xa]  }
0x1b1: {  	[spmem:s0] =	stream.linear.scatter [tilespmem:s17], [sflag:$0x3], $0x2800, $0x38;
	[tilespmem:$0x1C320] =	vst v63  }
0x1b2: {  	_ =	swait.ge [sflag:s18], $0x2800  }
0x1b3: {  	[sflag:s18] =	ssyncset.done $0x0  }
0x1b4: {  	s15 =	rddreg [dreg:$0xb];
	[sflag:s18] =	ssyncadd.s32 $0xFFFFD800  }
0x1b5: {  	[spmem:s15] =	stream.linear.scatter [tilespmem:s19], [sflag:$0x3], $0x500, $0x38;
	[tilespmem:$0x1C320] =	vst v63  }
0x1b6: {  	_ =	swait.ge [sflag:s18], $0x500  }
0x1b7: {  	[sflag:s18] =	ssyncset.done $0x0  }
0x1b8: {  	s16 =	rddreg [dreg:$0xd];
	[sflag:s18] =	ssyncadd.s32 $0xFFFFFB00  }
0x1b9: {  	[spmem:s16] =	stream.linear.scatter [tilespmem:s17], [sflag:$0x3], $0x2800, $0x38;
	[tilespmem:$0x1C320] =	vst v63  }
0x1ba: {  	_ =	swait.ge [sflag:s18], $0x2800  }
0x1bb: {  	[sflag:s18] =	ssyncset.done $0x0  }
0x1bc: {  	s26 =	rddreg [dreg:$0xe];
	[sflag:s18] =	ssyncadd.s32 $0xFFFFD800  }
0x1bd: {  	[spmem:s26] =	stream.linear.scatter [tilespmem:s19], [sflag:$0x3], $0x500, $0x38;
	[tilespmem:$0x1C320] =	vst v63  }
0x1be: {  	_ =	swait.ge [sflag:s18], $0x500  }
0x1bf: {  	[sflag:s18] =	ssyncset.done $0x0  }
0x1c0: {  	s28 =	rddreg [dreg:$0xf];
	[sflag:s18] =	ssyncadd.s32 $0xFFFFFB00  }
0x1c1: {  	[spmem:s28] =	stream.linear.scatter [tilespmem:s17], [sflag:$0x3], $0x2800, $0x38;
	[tilespmem:$0x1C320] =	vst v63  }
0x1c2: {  	_ =	swait.ge [sflag:s18], $0x2800  }
0x1c3: {  	[sflag:s18] =	ssyncset.done $0x0  }
0x1c4: {  	s29 =	rddreg [dreg:$0x10];
	[sflag:s18] =	ssyncadd.s32 $0xFFFFD800  }
0x1c5: {  	[spmem:s29] =	stream.linear.scatter [tilespmem:s19], [sflag:$0x3], $0x500, $0x38;
	[tilespmem:$0x1C320] =	vst v63  }
0x1c6: {  	_ =	swait.ge [sflag:s18], $0x500  }
0x1c7: {  	[sflag:s18] =	ssyncset.done $0x0  }
0x1c8: {  	s1 =	rddreg [dreg:$0x11];
	[sflag:s18] =	ssyncadd.s32 $0xFFFFFB00  }
0x1c9: {  	[spmem:s1] =	stream.linear.scatter [tilespmem:s17], [sflag:$0x3], $0x2800, $0x38;
	[tilespmem:$0x1C320] =	vst v63  }
0x1ca: {  	_ =	swait.ge [sflag:s18], $0x2800  }
0x1cb: {  	[sflag:s18] =	ssyncset.done $0x0  }
0x1cc: {  	s2 =	rddreg [dreg:$0x12];
	[sflag:s18] =	ssyncadd.s32 $0xFFFFD800  }
0x1cd: {  	[spmem:s2] =	stream.linear.scatter [tilespmem:s19], [sflag:$0x3], $0x500, $0x38;
	[tilespmem:$0x1C320] =	vst v63  }
0x1ce: {  	_ =	swait.ge [sflag:s18], $0x500  }
0x1cf: {  	[sflag:s18] =	ssyncset.done $0x0  }
0x1d0: {  	s3 =	rddreg [dreg:$0x13];
	[sflag:s18] =	ssyncadd.s32 $0xFFFFFB00  }
0x1d1: {  	[spmem:s3] =	stream.linear.scatter [tilespmem:s17], [sflag:$0x3], $0x2800, $0x38;
	[tilespmem:$0x1C320] =	vst v63  }
0x1d2: {  	_ =	swait.ge [sflag:s18], $0x2800  }
0x1d3: {  	[sflag:s18] =	ssyncset.done $0x0  }
0x1d4: {  	s5 =	rddreg [dreg:$0x14];
	[sflag:s18] =	ssyncadd.s32 $0xFFFFD800  }
0x1d5: {  	[spmem:s5] =	stream.linear.scatter [tilespmem:s19], [sflag:$0x3], $0x500, $0x38;
	[tilespmem:$0x1C320] =	vst v63  }
0x1d6: {  	_ =	swait.ge [sflag:s18], $0x500  }
0x1d7: {  	[sflag:s18] =	ssyncset.done $0x0  }
0x1d8: {  	s6 =	rddreg [dreg:$0x15];
	[sflag:s18] =	ssyncadd.s32 $0xFFFFFB00  }
0x1d9: {  	[spmem:s6] =	stream.linear.scatter [tilespmem:s17], [sflag:$0x3], $0x2800, $0x38;
	[tilespmem:$0x1C320] =	vst v63  }
0x1da: {  	_ =	swait.ge [sflag:s18], $0x2800  }
0x1db: {  	[sflag:s18] =	ssyncset.done $0x0  }
0x1dc: {  	s15 =	rddreg [dreg:$0x16];
	[sflag:s18] =	ssyncadd.s32 $0xFFFFD800  }
0x1dd: {  	[spmem:s15] =	stream.linear.scatter [tilespmem:s19], [sflag:$0x3], $0x500, $0x38;
	[tilespmem:$0x1C320] =	vst v63  }
0x1de: {  	_ =	swait.ge [sflag:s18], $0x500  }
0x1df: {  	[sflag:s18] =	ssyncset.done $0x0  }
0x1e0: {  	s16 =	rddreg [dreg:$0x17];
	[sflag:s18] =	ssyncadd.s32 $0xFFFFFB00  }
0x1e1: {  	[spmem:s16] =	stream.linear.scatter [tilespmem:s17], [sflag:$0x3], $0x2800, $0x38;
	[tilespmem:$0x1C320] =	vst v63  }
0x1e2: {  	_ =	swait.ge [sflag:s18], $0x2800  }
0x1e3: {  	[sflag:s18] =	ssyncset.done $0x0  }
0x1e4: {  	s26 =	rddreg [dreg:$0x18];
	[sflag:s18] =	ssyncadd.s32 $0xFFFFD800  }
0x1e5: {  	[spmem:s26] =	stream.linear.scatter [tilespmem:s19], [sflag:$0x3], $0x500, $0x38;
	[tilespmem:$0x1C320] =	vst v63  }
0x1e6: {  	_ =	swait.ge [sflag:s18], $0x500  }
0x1e7: {  	[sflag:s18] =	ssyncset.done $0x0  }
0x1e8: {  	s28 =	rddreg [dreg:$0x19];
	[sflag:s18] =	ssyncadd.s32 $0xFFFFFB00  }
0x1e9: {  	[spmem:s28] =	stream.linear.scatter [tilespmem:s17], [sflag:$0x3], $0x2400, $0x38;
	[tilespmem:$0x1C320] =	vst v63  }
0x1ea: {  	_ =	swait.ge [sflag:s18], $0x2400  }
0x1eb: {  	[sflag:s18] =	ssyncset.done $0x0  }
0x1ec: {  	s29 =	rddreg [dreg:$0x1a];
	[sflag:s18] =	ssyncadd.s32 $0xFFFFDC00  }
0x1ed: {  	[spmem:s29] =	stream.linear.scatter [tilespmem:s19], [sflag:$0x3], $0x480, $0x38;
	[tilespmem:$0x1C320] =	vst v63  }
0x1ee: {  	_ =	swait.ge [sflag:s18], $0x480  }
0x1ef: {  	[sflag:s18] =	ssyncset.done $0x0  }
0x1f0: {  	[sflag:s18] =	ssyncadd.s32 $0xFFFFFB80  }
0x1f1: {  	s30 =	simm.s32 $0x0;
	s31 =	simm.s32 $0x0;
	[bflag:$0x0] =	sbarrier.arrive $0xFFFF  }
.LBB2_12:
0x1f2: {  	s0 =	smul.u32 $0x50, s31;
	_ =	sdelay $0x1  }
0x1f3: {  	s0 =	sadd.s32 s4, s0  }
0x1f4: {  	s0 =	sshrl.u32 s0, $0x3  }
0x1f5: {  	s1 =	sadd.s32 s13, s0  }
0x1f6: {  	[tilespmem:s30], [sflag:$0x3] =	stream.linear.gather [hbm4b:s1+s30], $0x50, $0x38;
	[tilespmem:$0x1C320] =	vst v63  }
0x1f7: {  	_ =	swait.ge [sflag:s18], $0x50  }
0x1f8: {  	[sflag:s18] =	ssyncset.done $0x0  }
0x1f9: {  	s0 =	sadd.s32 s14, s0;
	[sflag:s18] =	ssyncadd.s32 $0xFFFFFFB0  }
0x1fa: {  	[tilespmem:s20], [sflag:$0x3] =	stream.linear.gather [hbm4b:s0+s30], $0x50, $0x38;
	[tilespmem:$0x1C320] =	vst v63  }
0x1fb: {  	_ =	swait.ge [sflag:s18], $0x50  }
0x1fc: {  	[sflag:s18] =	ssyncset.done $0x0  }
0x1fd: {  	s29 =	rddreg [dreg:$0x7];
	[sflag:s18] =	ssyncadd.s32 $0xFFFFFFB0  }
0x1fe: {  	[tilespmem:s21], [sflag:$0x2] =	stream.indirect.gather [hbm4b:s29+s20], $0x80, s30, s20, $0xb8;
	[tilespmem:$0x1C320] =	vst v63  }
0x1ff: {  	_ = 	snop  }
0x200: {  	[tilespmem:s22], [sflag:$0x1] =	stream.indirect.gather [hbm4b:s9+s20], $0x10, s30, s20, $0xb8;
	[tilespmem:$0x1C320] =	vst v63  }
0x201: {  	_ = 	snop  }
0x202: {  	[tilespmem:s23], [sflag:$0x1] =	stream.indirect.gather [hbm4b:s10+s20], $0x10, s20, s20, $0xb8;
	[tilespmem:$0x1C320] =	vst v63  }
0x203: {  	_ =	swait.ge [sflag:s24], $0x500  }
0x204: {  	[sflag:s24] =	ssyncset.done $0x0  }
0x205: {  	[sflag:s24] =	ssyncadd.s32 $0xFFFFFB00  }
0x206: {  	_ =	swait.ge [sflag:s24], $0x500  }
0x207: {  	[sflag:s24] =	ssyncset.done $0x0  }
0x208: {  	s0 =	simm.s32 $0x0;
	[sflag:s24] =	ssyncadd.s32 $0xFFFFFB00  }
0x209: {  	v9 =	vld [tilespmem:s0+$0x28A0]  }
0x20a: {  	v10 =	vld [tilespmem:s0+$0x2DA0];
	_ =	sdelay $0x4  }
0x20b: {  	v9 =	vadd.f32 v10, v9;
	_ =	sdelay $0x1  }
0x20c: {  	s1 =	simm.s32 $0x10;
	v10 =	vmul.f32 $2.000000030e-01, v9  }
0x20d: {  	v11 =	vld [tilespmem:s1+$0x28A0]  }
0x20e: {  	v12 =	vld [tilespmem:s1+$0x2DA0];
	v9 =	vmax.f32 v9, v10  }
0x20f: {  	s3 =	simm.s32 $0x20;
	v9 =	vmul.f32 $1.442695020e+00, v9  }
0x210: {  	v10 =	vld [tilespmem:s3+$0x28A0]  }
0x211: {  	(erf) = vpow2.f32 v9;
	v9 =	vld [tilespmem:s3+$0x2DA0];
	_ =	sdelay $0x1  }
0x212: {  	v11 =	vadd.f32 v12, v11;
	_ =	sdelay $0x1  }
0x213: {  	v12 =	vmul.f32 $2.000000030e-01, v11  }
0x214: {  	v13 =	vadd.f32 v9, v10  }
0x215: {  	v9 =	vmax.f32 v11, v12  }
0x216: {  	s2 =	simm.s32 $0x30;
	v10 =	vmul.f32 $1.442695020e+00, v9;
	v11 =	vmul.f32 $2.000000030e-01, v13  }
0x217: {  	v9 =	vld [tilespmem:s2+$0x28A0]  }
0x218: {  	(erf) = vpow2.f32 v10;
	v10 =	vld [tilespmem:s2+$0x2DA0];
	_ =	sdelay $0x1  }
0x219: {  	s5 =	simm.s32 $0x100;
	v12 =	vmax.f32 v13, v11;
	v11 =	vpop (erf)  }
.LBB2_13:
0x21a: {  	s6 =	sshra.s32 s5, $0x2  }
0x21b: {  	v12 =	vmul.f32 $1.442695020e+00, v12;
	[tilespmem:s0+$0x5AA0] =	vst v11;
	s0 =	smov.u32 s1;
	s1 =	smov.u32 s3;
	p0 =	sne.s32 s5, $0x13C0  }
.Ltmp5:
0x21c: {  	s5 =	sadd.s32 $0x40, s5;
	v11 =	vadd.f32 v10, v9;
	v9 =	vld [tilespmem:s6+$0x28A0];
	(pc) =	sbr.rel @p0 .LBB2_13-.Ltmp5, $3  }
0x21d: {  	s3 =	smov.u32 s2;
	s2 =	smov.u32 s6;
	v10 =	vld [tilespmem:s6+$0x2DA0];
	(erf) = vpow2.f32 v12  }
0x21e: {  	v12 =	vmul.f32 $2.000000030e-01, v11;
	_ =	sdelay $0x1  }
0x21f: {  	v12 =	vmax.f32 v11, v12;
	v11 =	vpop (erf)  }
0x220: {  	_ = 	snop  }
0x221: {  	v9 =	vadd.f32 v10, v9;
	_ =	sdelay $0x1  }
0x222: {  	v10 =	vmul.f32 $2.000000030e-01, v9;
	_ =	sdelay $0x1  }
0x223: {  	v12 =	vmul.f32 $1.442695020e+00, v12;
	v9 =	vmax.f32 v9, v10  }
0x224: {  	v9 =	vmul.f32 $1.442695020e+00, v9  }
0x225: {  	(erf) = vpow2.f32 v12  }
0x226: {  	(erf) = vpow2.f32 v9;
	_ =	sdelay $0x6  }
0x227: {  	[tilespmem:s0+$0x5AA0] =	vst v11;
	v9 =	vpop (erf)  }
0x228: {  	[tilespmem:s1+$0x5AA0] =	vst v9;
	v9 =	vpop (erf)  }
0x229: {  	[tilespmem:s3+$0x5AA0] =	vst v9;
	v9 =	vpop (erf)  }
0x22a: {  	[tilespmem:s2+$0x5AA0] =	vst v9  }
0x22b: {  	_ =	swait.ge [sflag:s25], $0x2800  }
0x22c: {  	[sflag:s25] =	ssyncset.done $0x0  }
0x22d: {  	s26 =	simm.s32 $0x5AC0;
	[sflag:s25] =	ssyncadd.s32 $0xFFFFD800  }
0x22e: {  	v9 =	vld [tilespmem:s26+$0x10]  }
0x22f: {  	s3 =	simm.s32 $0x1A0  }
0x230: {  	v10 =	vld [tilespmem:s3+$0x80];
	_ =	sdelay $0x2  }
0x231: {  	v11 =	vperm.xlane v9, v1  }
0x232: {  	v12 =	vld [tilespmem:s26+$0xFFFFFFE0]  }
0x233: {  	v10 =	vmul.f32 v11, v10  }
0x234: {  	s0 =	simm.s32 $0x33A0;
	v11 =	vld [tilespmem:s3+$0xFFFFFF00]  }
0x235: {  	[tilespmem:s0+$0x80] =	vst v10  }
0x236: {  	v10 =	vld [tilespmem:s3+$0x90]  }
0x237: {  	v14 =	vld [tilespmem:s26+$0xFFFFFFF0];
	v15 =	vperm.xlane v12, v1  }
0x238: {  	v13 =	vld [tilespmem:s26+$0x0]  }
0x239: {  	v16 =	vld [tilespmem:s3+$0xFFFFFF80];
	v11 =	vmul.f32 v15, v11;
	v15 =	vperm.xlane v9, v2;
	_ =	sdelay $0x1  }
0x23a: {  	v17 =	vld [tilespmem:s3+$0x0];
	[tilespmem:s0+$0xFFFFFF00] =	vst v11;
	v10 =	vmul.f32 v15, v10  }
0x23b: {  	v11 =	vperm.xlane v14, v1;
	v15 =	vld [tilespmem:s3+$0xFFFFFF10]  }
0x23c: {  	[tilespmem:s0+$0x90] =	vst v10  }
0x23d: {  	v18 =	vperm.xlane v13, v1;
	v10 =	vmul.f32 v11, v16;
	v11 =	vld [tilespmem:s3+$0xA0]  }
0x23e: {  	v16 =	vperm.xlane v12, v2  }
0x23f: {  	v17 =	vmul.f32 v18, v17  }
0x240: {  	[tilespmem:s0+$0xFFFFFF80] =	vst v10;
	v15 =	vmul.f32 v16, v15;
	v16 =	vperm.xlane v9, v3  }
0x241: {  	[tilespmem:s0+$0x0] =	vst v17;
	v10 =	vld [tilespmem:s3+$0xFFFFFF90]  }
0x242: {  	v17 =	vld [tilespmem:s3+$0x10];
	[tilespmem:s0+$0xFFFFFF10] =	vst v15;
	v11 =	vmul.f32 v16, v11  }
0x243: {  	v16 =	vld [tilespmem:s3+$0xFFFFFF20]  }
0x244: {  	v15 =	vperm.xlane v14, v2;
	[tilespmem:s0+$0xA0] =	vst v11  }
0x245: {  	s16 =	simm.s32 $0x3A0;
	v18 =	vperm.xlane v13, v2;
	v11 =	vld [tilespmem:s3+$0xB0]  }
0x246: {  	s2 =	simm.s32 $0x5B00;
	v19 =	vld [tilespmem:s16+$0x80];
	v10 =	vmul.f32 v15, v10;
	v15 =	vperm.xlane v12, v3  }
0x247: {  	v24 =	vld [tilespmem:s2+$0xFFFFFFE0];
	v17 =	vmul.f32 v18, v17  }
0x248: {  	v28 =	vld [tilespmem:s16+$0xFFFFFF00];
	[tilespmem:s0+$0xFFFFFF90] =	vst v10;
	v10 =	vmul.f32 v15, v16;
	v15 =	vperm.xlane v9, v4  }
0x249: {  	[tilespmem:s0+$0x10] =	vst v17;
	v18 =	vld [tilespmem:s3+$0xFFFFFFA0]  }
0x24a: {  	[tilespmem:s0+$0xFFFFFF20] =	vst v10;
	v10 =	vld [tilespmem:s2+$0x10];
	v11 =	vmul.f32 v15, v11  }
0x24b: {  	v16 =	vld [tilespmem:s3+$0x20]  }
0x24c: {  	v21 =	vperm.xlane v14, v3;
	v17 =	vld [tilespmem:s3+$0xFFFFFF30];
	[tilespmem:s0+$0xB0] =	vst v11  }
0x24d: {  	v22 =	vperm.xlane v13, v3;
	v25 =	vperm.xlane v12, v4;
	v20 =	vld [tilespmem:s3+$0xC0]  }
0x24e: {  	v26 =	vperm.xlane v9, v5;
	v27 =	vperm.xlane v14, v4;
	v11 =	vld [tilespmem:s2+$0x0]  }
0x24f: {  	v15 =	vld [tilespmem:s2+$0xFFFFFFF0];
	v18 =	vmul.f32 v21, v18;
	v23 =	vperm.xlane v10, v1  }
0x250: {  	s28 =	simm.s32 $0x5A0;
	v29 =	vperm.xlane v12, v5;
	v21 =	vld [tilespmem:s16+$0x0];
	v16 =	vmul.f32 v22, v16  }
0x251: {  	v43 =	vld [tilespmem:s28+$0x80];
	v30 =	vperm.xlane v9, v6;
	[tilespmem:s0+$0xFFFFFFA0] =	vst v18;
	v19 =	vmul.f32 v23, v19  }
0x252: {  	s15 =	simm.s32 $0x35A0;
	v31 =	vperm.xlane v13, v6;
	[tilespmem:s0+$0x20] =	vst v16;
	v20 =	vmul.f32 v26, v20;
	v26 =	vld [tilespmem:s16+$0xFFFFFF80]  }
0x253: {  	v17 =	vmul.f32 v25, v17;
	v25 =	vld [tilespmem:s3+$0xFFFFFFB0];
	v16 =	vperm.xlane v11, v1;
	[tilespmem:s15+$0x80] =	vst v19  }
0x254: {  	v32 =	vperm.xlane v12, v7;
	v19 =	vperm.xlane v24, v1;
	[tilespmem:s0+$0xC0] =	vst v20;
	v20 =	vld [tilespmem:s16+$0x90]  }
0x255: {  	s5 =	simm.s32 $0x5B40;
	v18 =	vperm.xlane v15, v1;
	v16 =	vmul.f32 v16, v21;
	v22 =	vld [tilespmem:s3+$0xD0]  }
0x256: {  	v45 =	vld [tilespmem:s5+$0xFFFFFFE0];
	v33 =	vperm.xlane v14, v7;
	[tilespmem:s0+$0xFFFFFF30] =	vst v17;
	v19 =	vmul.f32 v19, v28  }
0x257: {  	v28 =	vld [tilespmem:s3+$0x30];
	[tilespmem:s15+$0x0] =	vst v16;
	v17 =	vmul.f32 v18, v26;
	v18 =	vperm.xlane v10, v2  }
0x258: {  	v38 =	vperm.xlane v24, v5;
	v25 =	vmul.f32 v27, v25;
	[tilespmem:s15+$0xFFFFFF00] =	vst v19;
	v26 =	vld [tilespmem:s3+$0xFFFFFF40]  }
0x259: {  	v42 =	vperm.xlane v24, v6;
	v21 =	vld [tilespmem:s16+$0xFFFFFF10];
	[tilespmem:s15+$0xFFFFFF80] =	vst v17;
	v17 =	vmul.f32 v18, v20  }
0x25a: {  	v23 =	vperm.xlane v13, v4;
	[tilespmem:s0+$0xFFFFFFB0] =	vst v25;
	v20 =	vmul.f32 v30, v22;
	v22 =	vld [tilespmem:s16+$0xFFFFFF90]  }
0x25b: {  	v58 =	vperm.xlane v10, v6;
	v36 =	vperm.xlane v15, v4;
	v27 =	vld [tilespmem:s16+$0x10];
	[tilespmem:s15+$0x90] =	vst v17  }
0x25c: {  	v17 =	vmul.f32 v23, v28;
	v23 =	vperm.xlane v24, v2;
	[tilespmem:s0+$0xD0] =	vst v20;
	v20 =	vld [tilespmem:s16+$0xA0]  }
0x25d: {  	v25 =	vperm.xlane v15, v2;
	v26 =	vmul.f32 v29, v26;
	v29 =	vld [tilespmem:s3+$0xFFFFFFC0]  }
0x25e: {  	v28 =	vld [tilespmem:s3+$0xE0];
	[tilespmem:s0+$0x30] =	vst v17;
	v17 =	vperm.xlane v11, v2;
	v21 =	vmul.f32 v23, v21  }
0x25f: {  	v23 =	vld [tilespmem:s3+$0x40];
	[tilespmem:s0+$0xFFFFFF40] =	vst v26;
	v22 =	vmul.f32 v25, v22;
	v25 =	vperm.xlane v10, v3  }
0x260: {  	v19 =	vperm.xlane v14, v5;
	v30 =	vld [tilespmem:s3+$0xFFFFFF50];
	[tilespmem:s15+$0xFFFFFF10] =	vst v21;
	v17 =	vmul.f32 v17, v27  }
0x261: {  	v47 =	vld [tilespmem:s28+$0xFFFFFF00];
	v26 =	vperm.xlane v9, v7;
	[tilespmem:s15+$0xFFFFFF90] =	vst v22;
	v20 =	vmul.f32 v25, v20  }
0x262: {  	v18 =	vperm.xlane v13, v5;
	[tilespmem:s15+$0x10] =	vst v17;
	v17 =	vmul.f32 v19, v29;
	v25 =	vld [tilespmem:s16+$0xFFFFFFA0]  }
0x263: {  	v16 =	vperm.xlane v12, v6;
	v22 =	vmul.f32 v26, v28;
	v19 =	vld [tilespmem:s16+$0x20];
	[tilespmem:s15+$0xA0] =	vst v20  }
0x264: {  	v39 =	vperm.xlane v15, v5;
	v21 =	vld [tilespmem:s16+$0xFFFFFF20];
	v18 =	vmul.f32 v18, v23;
	[tilespmem:s0+$0xFFFFFFC0] =	vst v17  }
0x265: {  	v23 =	vperm.xlane v15, v3;
	[tilespmem:s0+$0xE0] =	vst v22;
	v22 =	vld [tilespmem:s16+$0xB0];
	v16 =	vmul.f32 v16, v30  }
0x266: {  	v44 =	vperm.xlane v15, v6;
	v17 =	vperm.xlane v11, v3;
	v26 =	vld [tilespmem:s3+$0xFFFFFFD0];
	[tilespmem:s0+$0x40] =	vst v18  }
0x267: {  	v20 =	vperm.xlane v24, v3;
	v29 =	vld [tilespmem:s3+$0xF0];
	[tilespmem:s0+$0xFFFFFF50] =	vst v16;
	v16 =	vmul.f32 v23, v25  }
0x268: {  	v37 =	vperm.xlane v11, v4;
	v30 =	vld [tilespmem:s3+$0x50];
	v17 =	vmul.f32 v17, v19  }
0x269: {  	v18 =	vmul.f32 v20, v21;
	v20 =	vperm.xlane v10, v4;
	v34 =	vld [tilespmem:s3+$0xFFFFFF60];
	[tilespmem:s15+$0xFFFFFFA0] =	vst v16  }
0x26a: {  	v40 =	vperm.xlane v11, v5;
	v27 =	vperm.xlane v14, v6;
	[tilespmem:s15+$0x20] =	vst v17;
	v17 =	vld [tilespmem:s5+$0x10]  }
0x26b: {  	[tilespmem:s15+$0xFFFFFF20] =	vst v18;
	v19 =	vperm.xlane v14, v8;
	v16 =	vmul.f32 v20, v22;
	v14 =	vld [tilespmem:s16+$0xFFFFFFB0]  }
0x26c: {  	v9 =	vperm.xlane v9, v8;
	v21 =	vperm.xlane v13, v7;
	v35 =	vld [tilespmem:s16+$0xFFFFFF30]  }
0x26d: {  	v20 =	vperm.xlane v12, v8;
	v12 =	vmul.f32 v27, v26;
	v26 =	vld [tilespmem:s5+$0x0];
	[tilespmem:s15+$0xB0] =	vst v16  }
0x26e: {  	v18 =	vperm.xlane v13, v8;
	v27 =	vperm.xlane v24, v4;
	v16 =	vld [tilespmem:s16+$0xC0]  }
0x26f: {  	v22 =	vperm.xlane v10, v5;
	v13 =	vld [tilespmem:s16+$0x30];
	v46 =	vperm.xlane v17, v1  }
0x270: {  	[tilespmem:s0+$0xFFFFFFD0] =	vst v12;
	v12 =	vld [tilespmem:s5+$0xFFFFFFF0];
	v30 =	vmul.f32 v31, v30;
	v14 =	vmul.f32 v36, v14  }
0x271: {  	v41 =	vld [tilespmem:s3+$0xFFFFFFE0];
	v43 =	vmul.f32 v46, v43;
	v46 =	vmul.f32 v9, v29  }
0x272: {  	[tilespmem:s0+$0x50] =	vst v30;
	v9 =	vmul.f32 v27, v35;
	v27 =	vld [tilespmem:s28+$0xFFFFFF80];
	v29 =	vperm.xlane v15, v8  }
0x273: {  	s29 =	simm.s32 $0x37A0;
	v28 =	vmul.f32 v22, v16;
	v22 =	vperm.xlane v15, v7;
	v15 =	vld [tilespmem:s28+$0x0];
	[tilespmem:s15+$0xFFFFFFB0] =	vst v14  }
0x274: {  	v25 =	vperm.xlane v11, v6;
	v23 =	vperm.xlane v24, v7;
	[tilespmem:s29+$0x80] =	vst v43;
	v57 =	vld [tilespmem:s16+$0xFFFFFFC0]  }
0x275: {  	[tilespmem:s15+$0xFFFFFF30] =	vst v9;
	v9 =	vmul.f32 v37, v13;
	v13 =	vperm.xlane v45, v1;
	v43 =	vld [tilespmem:s3+$0x60]  }
0x276: {  	v30 =	vperm.xlane v17, v2;
	v14 =	vperm.xlane v12, v1;
	[tilespmem:s15+$0xC0] =	vst v28;
	v56 =	vld [tilespmem:s28+$0x90]  }
0x277: {  	v31 =	vld [tilespmem:s16+$0xFFFFFF40];
	[tilespmem:s15+$0x30] =	vst v9;
	v9 =	vperm.xlane v26, v1;
	v13 =	vmul.f32 v13, v47  }
0x278: {  	v28 =	vperm.xlane v24, v8;
	v24 =	vld [tilespmem:s16+$0xD0];
	v14 =	vmul.f32 v14, v27  }
0x279: {  	v16 =	vperm.xlane v11, v7;
	v27 =	vld [tilespmem:s16+$0x40];
	v15 =	vmul.f32 v9, v15;
	[tilespmem:s29+$0xFFFFFF00] =	vst v13  }
0x27a: {  	v9 =	vperm.xlane v11, v8;
	v11 =	vld [tilespmem:s28+$0xFFFFFF10];
	[tilespmem:s29+$0xFFFFFF80] =	vst v14;
	v14 =	vmul.f32 v32, v34  }
0x27b: {  	v54 =	vmul.f32 v39, v57;
	v13 =	vmul.f32 v30, v56;
	v30 =	vld [tilespmem:s28+$0xFFFFFF90];
	[tilespmem:s29+$0x0] =	vst v15  }
0x27c: {  	v60 =	vld [tilespmem:s28+$0x10];
	[tilespmem:s0+$0xFFFFFF60] =	vst v14  }
0x27d: {  	v61 =	vperm.xlane v45, v2;
	v24 =	vmul.f32 v58, v24;
	[tilespmem:s15+$0xFFFFFFC0] =	vst v54;
	v63 =	vld [tilespmem:s3+$0xFFFFFF70]  }
0x27e: {  	v50 =	vperm.xlane v17, v3;
	v15 =	vmul.f32 v33, v41;
	[tilespmem:s29+$0x90] =	vst v13;
	v32 =	vld [tilespmem:s16+$0xFFFFFFD0]  }
0x27f: {  	v59 =	vperm.xlane v12, v2;
	v31 =	vmul.f32 v38, v31;
	[tilespmem:s15+$0xD0] =	vst v24;
	v24 =	vld [tilespmem:s28+$0xA0]  }
0x280: {  	v51 =	vperm.xlane v26, v3;
	[tilespmem:s0+$0xFFFFFFE0] =	vst v15;
	v62 =	vld [tilespmem:s16+$0xE0];
	v11 =	vmul.f32 v61, v11  }
0x281: {  	v14 =	vperm.xlane v26, v2;
	[tilespmem:s15+$0xFFFFFF40] =	vst v31;
	v31 =	vld [tilespmem:s3+$0xFFFFFFF0];
	v30 =	vmul.f32 v59, v30  }
0x282: {  	v36 =	vperm.xlane v26, v6;
	v27 =	vmul.f32 v40, v27;
	v52 =	vld [tilespmem:s16+$0xFFFFFF50];
	[tilespmem:s29+$0xFFFFFF10] =	vst v11  }
0x283: {  	v11 =	vmul.f32 v14, v60;
	v14 =	vperm.xlane v10, v7;
	v53 =	vld [tilespmem:s28+$0xFFFFFF20];
	[tilespmem:s29+$0xFFFFFF90] =	vst v30  }
0x284: {  	v35 =	vperm.xlane v12, v6;
	[tilespmem:s15+$0x40] =	vst v27;
	v24 =	vmul.f32 v50, v24;
	v55 =	vld [tilespmem:s28+$0xFFFFFFA0]  }
0x285: {  	v47 =	vperm.xlane v45, v6;
	v27 =	vld [tilespmem:s16+$0x50];
	[tilespmem:s29+$0x10] =	vst v11;
	v11 =	vmul.f32 v14, v62  }
0x286: {  	v34 =	vperm.xlane v45, v7;
	v15 =	vperm.xlane v45, v3;
	v14 =	vld [tilespmem:s28+$0x20];
	[tilespmem:s29+$0xA0] =	vst v24  }
0x287: {  	s6 =	simm.s32 $0x5B80;
	v13 =	vperm.xlane v12, v3;
	v57 =	vld [tilespmem:s28+$0xB0];
	[tilespmem:s15+$0xE0] =	vst v11;
	v11 =	vmul.f32 v42, v52  }
0x288: {  	v21 =	vmul.f32 v21, v43;
	v42 =	vld [tilespmem:s6+$0xFFFFFFE0];
	v15 =	vmul.f32 v15, v53  }
0x289: {  	v56 =	vperm.xlane v12, v4;
	v58 =	vld [tilespmem:s16+$0xF0];
	[tilespmem:s15+$0xFFFFFF50] =	vst v11;
	v11 =	vmul.f32 v13, v55  }
0x28a: {  	v38 =	vperm.xlane v12, v5;
	v13 =	vperm.xlane v17, v4;
	v59 =	vld [tilespmem:s16+$0xFFFFFF60];
	[tilespmem:s29+$0xFFFFFF20] =	vst v15  }
0x28b: {  	v33 =	vperm.xlane v26, v5;
	v14 =	vmul.f32 v51, v14;
	v48 =	vld [tilespmem:s28+$0xFFFFFF30];
	[tilespmem:s29+$0xFFFFFFA0] =	vst v11  }
0x28c: {  	v40 =	vperm.xlane v45, v5;
	v11 =	vmul.f32 v13, v57;
	v49 =	vld [tilespmem:s28+$0xFFFFFFB0]  }
0x28d: {  	v10 =	vperm.xlane v10, v8;
	v30 =	vperm.xlane v45, v4;
	[tilespmem:s29+$0x20] =	vst v14;
	v14 =	vld [tilespmem:s6+$0x10]  }
0x28e: {  	v24 =	vperm.xlane v26, v4;
	v13 =	vmul.f32 v44, v32;
	v60 =	vld [tilespmem:s28+$0x30];
	[tilespmem:s29+$0xB0] =	vst v11  }
0x28f: {  	s26 =	simm.s32 $0x7A0;
	v25 =	vmul.f32 v25, v27;
	v41 =	vmul.f32 v10, v58;
	v61 =	vld [tilespmem:s28+$0xC0]  }
0x290: {  	v10 =	vperm.xlane v26, v8;
	[tilespmem:s15+$0xFFFFFFD0] =	vst v13;
	v13 =	vperm.xlane v26, v7;
	v26 =	vld [tilespmem:s26+$0x80]  }
0x291: {  	[tilespmem:s0+$0x60] =	vst v21;
	v50 =	vperm.xlane v17, v5;
	v19 =	vmul.f32 v19, v31;
	v62 =	vld [tilespmem:s16+$0xFFFFFFE0]  }
0x292: {  	[tilespmem:s15+$0x50] =	vst v25;
	v11 =	vperm.xlane v45, v8;
	v45 =	vld [tilespmem:s6+$0xFFFFFFF0];
	v23 =	vmul.f32 v23, v59  }
0x293: {  	[tilespmem:s15+$0xF0] =	vst v41;
	v41 =	vld [tilespmem:s6+$0x0];
	v25 =	vmul.f32 v30, v48;
	v31 =	vperm.xlane v14, v1  }
0x294: {  	v20 =	vmul.f32 v20, v63;
	v30 =	vld [tilespmem:s26+$0xFFFFFF00];
	[tilespmem:s15+$0xFFFFFF60] =	vst v23;
	v27 =	vmul.f32 v50, v61  }
0x295: {  	v23 =	vmul.f32 v56, v49;
	[tilespmem:s29+$0xFFFFFF30] =	vst v25;
	v26 =	vmul.f32 v31, v26;
	v31 =	vld [tilespmem:s26+$0x0]  }
0x296: {  	v55 =	vperm.xlane v17, v6;
	v21 =	vmul.f32 v22, v62;
	v22 =	vld [tilespmem:s26+$0xFFFFFF80];
	[tilespmem:s29+$0xC0] =	vst v27  }
0x297: {  	s5 =	simm.s32 $0x39A0;
	v15 =	vperm.xlane v12, v7;
	v24 =	vmul.f32 v24, v60;
	[tilespmem:s29+$0xFFFFFFB0] =	vst v23;
	v27 =	vld [tilespmem:s28+$0xD0]  }
0x298: {  	v12 =	vperm.xlane v12, v8;
	v56 =	vperm.xlane v42, v1;
	v59 =	vld [tilespmem:s28+$0xFFFFFFC0];
	[tilespmem:s5+$0x80] =	vst v26  }
0x299: {  	v25 =	vperm.xlane v45, v1;
	v23 =	vperm.xlane v41, v1;
	[tilespmem:s29+$0x30] =	vst v24;
	v57 =	vld [tilespmem:s26+$0x90]  }
0x29a: {  	v32 =	vperm.xlane v42, v4;
	v44 =	vld [tilespmem:s16+$0xFFFFFF70];
	[tilespmem:s15+$0xFFFFFFE0] =	vst v21;
	v21 =	vmul.f32 v56, v30  }
0x29b: {  	[tilespmem:s0+$0xFFFFFF70] =	vst v20;
	v60 =	vld [tilespmem:s28+$0x40];
	v23 =	vmul.f32 v23, v31;
	v22 =	vmul.f32 v25, v22  }
0x29c: {  	v26 =	vld [tilespmem:s28+$0xFFFFFF40];
	[tilespmem:s5+$0xFFFFFF00] =	vst v21;
	v25 =	vperm.xlane v14, v2;
	v24 =	vmul.f32 v55, v27  }
0x29d: {  	v63 =	vperm.xlane v45, v2;
	v39 =	vperm.xlane v45, v3;
	v52 =	vld [tilespmem:s26+$0xFFFFFF10];
	[tilespmem:s5+$0x0] =	vst v23  }
0x29e: {  	v38 =	vmul.f32 v38, v59;
	v21 =	vmul.f32 v25, v57;
	v25 =	vld [tilespmem:s26+$0x10];
	[tilespmem:s29+$0xD0] =	vst v24  }
0x29f: {  	v58 =	vperm.xlane v41, v2;
	v61 =	vperm.xlane v42, v3;
	[tilespmem:s5+$0xFFFFFF80] =	vst v22;
	v24 =	vld [tilespmem:s28+$0xE0]  }
0x2a0: {  	v51 =	vperm.xlane v41, v3;
	v43 =	vmul.f32 v33, v60;
	[tilespmem:s29+$0xFFFFFFC0] =	vst v38;
	v22 =	vld [tilespmem:s26+$0xFFFFFF90]  }
0x2a1: {  	v62 =	vperm.xlane v17, v7;
	v27 =	vperm.xlane v42, v2;
	v38 =	vld [tilespmem:s28+$0xFFFFFFD0];
	[tilespmem:s5+$0x90] =	vst v21  }
0x2a2: {  	v17 =	vperm.xlane v17, v8;
	v26 =	vmul.f32 v40, v26;
	[tilespmem:s29+$0x40] =	vst v43;
	v20 =	vld [tilespmem:s26+$0xA0]  }
0x2a3: {  	[tilespmem:s0+$0xFFFFFFF0] =	vst v19;
	v30 =	vperm.xlane v41, v4;
	v43 =	vld [tilespmem:s28+$0x50];
	v27 =	vmul.f32 v27, v52  }
0x2a4: {  	v31 =	vperm.xlane v45, v4;
	[tilespmem:s29+$0xFFFFFF40] =	vst v26;
	v52 =	vld [tilespmem:s16+$0xFFFFFFF0];
	v19 =	vmul.f32 v62, v24  }
0x2a5: {  	v26 =	vperm.xlane v14, v3;
	[tilespmem:s5+$0xFFFFFF10] =	vst v27;
	v22 =	vmul.f32 v63, v22;
	v63 =	vld [tilespmem:s28+$0xFFFFFF50]  }
0x2a6: {  	v23 =	vperm.xlane v45, v5;
	v57 =	vld [tilespmem:s26+$0xFFFFFF20];
	[tilespmem:s29+$0xE0] =	vst v19;
	v19 =	vmul.f32 v58, v25  }
0x2a7: {  	v33 =	vperm.xlane v45, v7;
	[tilespmem:s5+$0xFFFFFF90] =	vst v22;
	v20 =	vmul.f32 v26, v20;
	v56 =	vld [tilespmem:s28+$0xF0]  }
0x2a8: {  	v60 =	vperm.xlane v14, v4;
	v21 =	vperm.xlane v42, v5;
	v22 =	vld [tilespmem:s26+$0xFFFFFFA0];
	[tilespmem:s5+$0x10] =	vst v19  }
0x2a9: {  	v27 =	vperm.xlane v42, v6;
	v38 =	vmul.f32 v35, v38;
	[tilespmem:s5+$0xA0] =	vst v20;
	v58 =	vld [tilespmem:s26+$0x20]  }
0x2aa: {  	v35 =	vmul.f32 v28, v44;
	v53 =	vld [tilespmem:s26+$0xB0];
	v37 =	vmul.f32 v47, v63  }
0x2ab: {  	[tilespmem:s0+$0xF0] =	vst v46;
	v43 =	vmul.f32 v36, v43;
	v59 =	vmul.f32 v61, v57  }
0x2ac: {  	v49 =	vld [tilespmem:s16+$0x60];
	v26 =	vperm.xlane v45, v6;
	[tilespmem:s29+$0xFFFFFF50] =	vst v37;
	v17 =	vmul.f32 v17, v56  }
0x2ad: {  	v36 =	vmul.f32 v29, v52;
	[tilespmem:s5+$0xFFFFFF20] =	vst v59;
	v22 =	vmul.f32 v39, v22;
	v61 =	vld [tilespmem:s28+$0xFFFFFF60]  }
0x2ae: {  	v24 =	vperm.xlane v41, v5;
	v62 =	vld [tilespmem:s3+$0x70];
	[tilespmem:s29+$0xF0] =	vst v17;
	v17 =	vmul.f32 v51, v58  }
0x2af: {  	v20 =	vperm.xlane v41, v7;
	v39 =	vld [tilespmem:s26+$0xFFFFFF30];
	[tilespmem:s5+$0xFFFFFFA0] =	vst v22;
	v63 =	vmul.f32 v60, v53  }
0x2b0: {  	v25 =	vperm.xlane v41, v6;
	v19 =	vperm.xlane v42, v7;
	v40 =	vld [tilespmem:s26+$0xFFFFFFB0];
	[tilespmem:s5+$0x20] =	vst v17  }
0x2b1: {  	v37 =	vmul.f32 v16, v49;
	[tilespmem:s5+$0xB0] =	vst v63;
	v17 =	vperm.xlane v41, v8;
	v41 =	vld [tilespmem:s26+$0x30]  }
0x2b2: {  	s1 =	simm.s32 $0x7A0;
	[tilespmem:s29+$0xFFFFFFD0] =	vst v38;
	v16 =	vperm.xlane v42, v8;
	v42 =	vld [tilespmem:s26+$0xC0];
	v28 =	vmul.f32 v34, v61  }
0x2b3: {  	s2 =	simm.s32 $0xC;
	s6 =	simm.s32 $0x5BC0;
	v38 =	vld [tilespmem:s28+$0xFFFFFFE0];
	[tilespmem:s29+$0x50] =	vst v43;
	s3 =	simm.s32 $0x39A0;
	v22 =	vperm.xlane v45, v8;
	v34 =	vmul.f32 v18, v62  }
.LBB2_15:
0x2b4: {  	v29 =	vld [tilespmem:s6+$0x10];
	s2 =	sadd.s32 $0x4, s2;
	v32 =	vmul.f32 v32, v39;
	[tilespmem:s29+$0xFFFFFF60] =	vst v28  }
0x2b5: {  	v39 =	vperm.xlane v14, v5;
	s26 =	sadd.s32 $0x200, s26;
	v18 =	vld [tilespmem:s6+$0xFFFFFFF0];
	p0 =	slt.u32 s2, $0x4C;
	v31 =	vmul.f32 v31, v40;
	[tilespmem:s15+$0x60] =	vst v37  }
0x2b6: {  	v37 =	vld [tilespmem:s26+$0x80];
	[tilespmem:s5+$0xFFFFFF30] =	vst v32;
	v30 =	vmul.f32 v30, v41  }
0x2b7: {  	v28 =	vld [tilespmem:s6+$0x0];
	[tilespmem:s5+$0xFFFFFFB0] =	vst v31;
	v31 =	vmul.f32 v39, v42  }
0x2b8: {  	v39 =	vld [tilespmem:s6+$0xFFFFFFE0];
	[tilespmem:s5+$0x30] =	vst v30;
	v30 =	vmul.f32 v15, v38;
	v15 =	vmov v33  }
0x2b9: {  	v32 =	vld [tilespmem:s26+$0xFFFFFF00];
	v33 =	vperm.xlane v29, v1;
	[tilespmem:s5+$0xC0] =	vst v31  }
0x2ba: {  	v31 =	vperm.xlane v18, v1;
	v38 =	vperm.xlane v18, v2;
	v40 =	vld [tilespmem:s1+$0xD0];
	[tilespmem:s29+$0xFFFFFFE0] =	vst v30  }
0x2bb: {  	v41 =	vperm.xlane v18, v3;
	v30 =	vld [tilespmem:s26+$0xFFFFFF80];
	v33 =	vmul.f32 v33, v37;
	[tilespmem:s15+$0xFFFFFF70] =	vst v35  }
0x2bc: {  	s5 =	sadd.s32 $0x200, s5;
	v35 =	vld [tilespmem:s26+$0x0];
	v37 =	vperm.xlane v28, v1;
	v42 =	vperm.xlane v28, v2;
	[tilespmem:s15+$0xFFFFFFF0] =	vst v36  }
0x2bd: {  	v43 =	vperm.xlane v14, v6;
	v36 =	vperm.xlane v39, v1;
	[tilespmem:s5+$0x80] =	vst v33;
	v33 =	vld [tilespmem:s1+$0xFFFFFF40]  }
0x2be: {  	v44 =	vperm.xlane v39, v2;
	v45 =	vperm.xlane v39, v3;
	v46 =	vld [tilespmem:s26+$0x90];
	[tilespmem:s0+$0x70] =	vst v34;
	s0 =	smov.u32 s15;
	s15 =	smov.u32 s29;
	s29 =	smov.u32 s3  }
0x2bf: {  	s3 =	smov.u32 s5;
	v32 =	vmul.f32 v36, v32;
	v34 =	vld [tilespmem:s1+$0xFFFFFFC0];
	v36 =	vmul.f32 v43, v40  }
0x2c0: {  	v40 =	vperm.xlane v28, v3;
	v30 =	vmul.f32 v31, v30;
	v43 =	vld [tilespmem:s1+$0x40]  }
0x2c1: {  	v35 =	vmul.f32 v37, v35;
	v37 =	vperm.xlane v29, v2;
	[tilespmem:s29+$0xD0] =	vst v36;
	v36 =	vld [tilespmem:s28+$0x60]  }
0x2c2: {  	v31 =	vperm.xlane v18, v4;
	[tilespmem:s5+$0xFFFFFF00] =	vst v32;
	v32 =	vperm.xlane v39, v4;
	v47 =	vld [tilespmem:s1+$0xE0]  }
0x2c3: {  	v48 =	vld [tilespmem:s26+$0xFFFFFF10];
	[tilespmem:s5+$0xFFFFFF80] =	vst v30;
	v30 =	vperm.xlane v28, v4;
	v37 =	vmul.f32 v37, v46  }
0x2c4: {  	v50 =	vperm.xlane v18, v5;
	v46 =	vperm.xlane v39, v5;
	v49 =	vld [tilespmem:s26+$0xFFFFFF90];
	[tilespmem:s5+$0x0] =	vst v35  }
0x2c5: {  	v51 =	vperm.xlane v28, v5;
	v35 =	vld [tilespmem:s26+$0x10];
	[tilespmem:s5+$0x90] =	vst v37;
	v37 =	vperm.xlane v14, v7  }
0x2c6: {  	v33 =	vmul.f32 v21, v33;
	v34 =	vmul.f32 v23, v34;
	v23 =	vmovc v50;
	v21 =	vmov v46;
	v52 =	vld [tilespmem:s26+$0xA0]  }
0x2c7: {  	v43 =	vmul.f32 v24, v43;
	v24 =	vmov v51;
	v37 =	vmul.f32 v37, v47;
	v46 =	vld [tilespmem:s28+$0xFFFFFF70]  }
0x2c8: {  	v47 =	vperm.xlane v39, v6;
	v44 =	vmul.f32 v44, v48;
	[tilespmem:s29+$0xFFFFFF40] =	vst v33;
	v48 =	vld [tilespmem:s28+$0xFFFFFFF0]  }
0x2c9: {  	v33 =	vmul.f32 v38, v49;
	v38 =	vperm.xlane v29, v3;
	v49 =	vld [tilespmem:s1+$0xFFFFFF50];
	[tilespmem:s29+$0xE0] =	vst v37  }
0x2ca: {  	[tilespmem:s5+$0xFFFFFF10] =	vst v44;
	v44 =	vperm.xlane v18, v6;
	v35 =	vmul.f32 v42, v35;
	v42 =	vld [tilespmem:s1+$0xF0]  }
0x2cb: {  	v51 =	vperm.xlane v28, v6;
	v50 =	vld [tilespmem:s26+$0xFFFFFF20];
	[tilespmem:s5+$0xFFFFFF90] =	vst v33;
	v37 =	vmul.f32 v38, v52  }
0x2cc: {  	v38 =	vperm.xlane v39, v7;
	v33 =	vperm.xlane v18, v7;
	v52 =	vld [tilespmem:s26+$0xFFFFFFA0];
	[tilespmem:s5+$0x10] =	vst v35  }
0x2cd: {  	v54 =	vperm.xlane v14, v8;
	v53 =	vperm.xlane v28, v7;
	v14 =	vmov v29;
	v35 =	vld [tilespmem:s26+$0x20];
	[tilespmem:s5+$0xA0] =	vst v37  }
0x2ce: {  	v37 =	vmul.f32 v13, v36;
	v13 =	vmovc v20;
	v29 =	vld [tilespmem:s26+$0xB0];
	v49 =	vmul.f32 v27, v49;
	[tilespmem:s29+$0xFFFFFFC0] =	vst v34;
	v27 =	vmov v47  }
0x2cf: {  	v20 =	vmov v53;
	v34 =	vperm.xlane v39, v8;
	v36 =	vld [tilespmem:s1+$0xFFFFFFD0];
	[tilespmem:s29+$0x40] =	vst v43;
	v39 =	vmul.f32 v54, v42  }
0x2d0: {  	v18 =	vperm.xlane v18, v8;
	v42 =	vmul.f32 v45, v50;
	[tilespmem:s29+$0xFFFFFF50] =	vst v49;
	v43 =	vld [tilespmem:s1+$0x50]  }
0x2d1: {  	v45 =	vperm.xlane v14, v4;
	v41 =	vmul.f32 v41, v52;
	v47 =	vld [tilespmem:s1+$0xFFFFFF60];
	[tilespmem:s29+$0xF0] =	vst v39  }
0x2d2: {  	v49 =	vperm.xlane v28, v8;
	[tilespmem:s5+$0xFFFFFF20] =	vst v42;
	v42 =	vmul.f32 v40, v35;
	v50 =	vld [tilespmem:s16+$0x70];
	s16 =	smov.u32 s28;
	s28 =	smov.u32 s1;
	s1 =	smov.u32 s26  }
.Ltmp6:
0x2d3: {  	v35 =	vmul.f32 v11, v46;
	v11 =	vmovc v16;
	v16 =	vmov v34;
	v39 =	vld [tilespmem:s26+$0xFFFFFF30];
	[tilespmem:s5+$0xFFFFFFA0] =	vst v41;
	v28 =	vmul.f32 v45, v29;
	(pc) =	sbr.rel @p0 .LBB2_15-.Ltmp6, $4  }
0x2d4: {  	v40 =	vld [tilespmem:s26+$0xFFFFFFB0];
	[tilespmem:s5+$0x20] =	vst v42;
	v29 =	vmul.f32 v26, v36;
	v36 =	vmul.f32 v12, v48;
	v26 =	vmovc v44;
	v12 =	vmov v22  }
0x2d5: {  	v22 =	vmov v18;
	v41 =	vld [tilespmem:s26+$0x30];
	[tilespmem:s5+$0xB0] =	vst v28;
	v34 =	vmul.f32 v25, v43;
	v25 =	vmov v51  }
0x2d6: {  	v42 =	vld [tilespmem:s26+$0xC0];
	v28 =	vmul.f32 v19, v47;
	[tilespmem:s29+$0xFFFFFFD0] =	vst v29;
	v19 =	vmov v38  }
0x2d7: {  	s6 =	sadd.s32 $0x40, s6;
	v38 =	vld [tilespmem:s28+$0xFFFFFFE0];
	[tilespmem:s29+$0x50] =	vst v34;
	v34 =	vmul.f32 v9, v50;
	v9 =	vmovc v10;
	v10 =	vmov v17;
	v17 =	vmov v49  }
0x2d8: {  	_ = 	snop  }
0x2d9: {  	v29 =	vmul.f32 v31, v40  }
0x2da: {  	v18 =	vmul.f32 v32, v39  }
0x2db: {  	v44 =	vmul.f32 v30, v41;
	[tilespmem:s5+$0xFFFFFFB0] =	vst v29  }
0x2dc: {  	[tilespmem:s5+$0xFFFFFF30] =	vst v18;
	v47 =	vld [tilespmem:s1+$0xFFFFFFC0]  }
0x2dd: {  	v45 =	vld [tilespmem:s1+$0xFFFFFF40];
	[tilespmem:s5+$0x30] =	vst v44  }
0x2de: {  	v43 =	vperm.xlane v14, v5;
	v18 =	vld [tilespmem:s1+$0x40];
	_ =	sdelay $0x1  }
0x2df: {  	v46 =	vmul.f32 v43, v42  }
0x2e0: {  	v23 =	vmul.f32 v23, v47  }
0x2e1: {  	[tilespmem:s5+$0xC0] =	vst v46;
	v21 =	vmul.f32 v21, v45  }
0x2e2: {  	v30 =	vld [tilespmem:s1+$0xD0];
	v18 =	vmul.f32 v24, v18;
	[tilespmem:s3+$0xFFFFFFC0] =	vst v23  }
0x2e3: {  	[tilespmem:s3+$0xFFFFFF40] =	vst v21;
	v50 =	vld [tilespmem:s1+$0xFFFFFFD0]  }
0x2e4: {  	v21 =	vld [tilespmem:s1+$0xFFFFFF50];
	[tilespmem:s3+$0x40] =	vst v18  }
0x2e5: {  	v48 =	vperm.xlane v14, v6;
	v18 =	vld [tilespmem:s1+$0x50]  }
0x2e6: {  	[tilespmem:s29+$0xFFFFFF60] =	vst v28  }
0x2e7: {  	[tilespmem:s15+$0x60] =	vst v37;
	v49 =	vmul.f32 v48, v30  }
0x2e8: {  	[tilespmem:s15+$0xFFFFFF70] =	vst v35;
	v24 =	vmul.f32 v26, v50  }
0x2e9: {  	v54 =	vld [tilespmem:s28+$0x60];
	[tilespmem:s3+$0xD0] =	vst v49;
	v21 =	vmul.f32 v27, v21  }
0x2ea: {  	v23 =	vld [tilespmem:s1+$0xE0];
	v18 =	vmul.f32 v25, v18;
	[tilespmem:s3+$0xFFFFFFD0] =	vst v24  }
0x2eb: {  	[tilespmem:s3+$0xFFFFFF50] =	vst v21;
	v53 =	vld [tilespmem:s1+$0xFFFFFFE0]  }
0x2ec: {  	v21 =	vld [tilespmem:s1+$0xFFFFFF60];
	[tilespmem:s3+$0x50] =	vst v18  }
0x2ed: {  	v51 =	vperm.xlane v14, v7;
	[tilespmem:s15+$0xFFFFFFF0] =	vst v36;
	v15 =	vmul.f32 v15, v38;
	v55 =	vld [tilespmem:s1+$0x60]  }
0x2ee: {  	v57 =	vld [tilespmem:s28+$0xFFFFFF70];
	[tilespmem:s0+$0x70] =	vst v34;
	v13 =	vmul.f32 v13, v54  }
0x2ef: {  	v60 =	vld [tilespmem:s16+$0x70];
	[tilespmem:s29+$0xFFFFFFE0] =	vst v15;
	v52 =	vmul.f32 v51, v23  }
0x2f0: {  	v58 =	vld [tilespmem:s28+$0xFFFFFFF0];
	[tilespmem:s29+$0x60] =	vst v13;
	v23 =	vmul.f32 v33, v53  }
0x2f1: {  	v62 =	vld [tilespmem:s28+$0x70];
	[tilespmem:s3+$0xE0] =	vst v52;
	v19 =	vmul.f32 v19, v21  }
0x2f2: {  	v56 =	vld [tilespmem:s1+$0xF0];
	v15 =	vmul.f32 v20, v55;
	[tilespmem:s3+$0xFFFFFFE0] =	vst v23  }
0x2f3: {  	v11 =	vmul.f32 v11, v57;
	[tilespmem:s3+$0xFFFFFF60] =	vst v19;
	v61 =	vld [tilespmem:s1+$0xFFFFFFF0]  }
0x2f4: {  	v9 =	vmul.f32 v9, v60;
	v19 =	vld [tilespmem:s1+$0xFFFFFF70];
	[tilespmem:s3+$0x60] =	vst v15  }
0x2f5: {  	v59 =	vperm.xlane v14, v8;
	[tilespmem:s29+$0xFFFFFF70] =	vst v11;
	v12 =	vmul.f32 v12, v58;
	v63 =	vld [tilespmem:s1+$0x70]  }
0x2f6: {  	[tilespmem:s15+$0x70] =	vst v9;
	v10 =	vmul.f32 v10, v62  }
0x2f7: {  	[tilespmem:s29+$0xFFFFFFF0] =	vst v12;
	v14 =	vmul.f32 v59, v56  }
0x2f8: {  	[tilespmem:s29+$0x70] =	vst v10;
	v9 =	vmul.f32 v22, v61  }
0x2f9: {  	[tilespmem:s3+$0xF0] =	vst v14;
	v11 =	vmul.f32 v16, v19  }
0x2fa: {  	[tilespmem:s3+$0xFFFFFFF0] =	vst v9;
	v9 =	vmul.f32 v17, v63  }
0x2fb: {  	[tilespmem:s3+$0xFFFFFF70] =	vst v11  }
0x2fc: {  	[tilespmem:s3+$0x70] =	vst v9  }
0x2fd: {  	[spmem:s7] =	stream.indirect.scatter.add.f32 [tilespmem:s17], [sflag:$0x3], $0x80, s20, s20, $0xb8;
	[tilespmem:$0x1C320] =	vst v63  }
0x2fe: {  	s31 =	sadd.s32 $0x1, s31;
	_ =	swait.ge [sflag:s18], $0x2800  }
0x2ff: {  	p0 =	sne.s32 s31, $0x7D;
	[sflag:s18] =	ssyncset.done $0x0  }
.Ltmp7:
0x300: {  	[sflag:s18] =	ssyncadd.s32 $0xFFFFD800;
	(pc) =	sbr.rel @p0 .LBB2_12-.Ltmp7, $4  }
0x301: {  	[spmem:s8] =	stream.indirect.scatter.add.f32 [tilespmem:s19], [sflag:$0x3], $0x10, s20, s20, $0xb8;
	[tilespmem:$0x1C320] =	vst v63  }
0x302: {  	_ =	swait.ge [sflag:s18], $0x500  }
0x303: {  	[sflag:s18] =	ssyncset.done $0x0  }
0x304: {  	[sflag:s18] =	ssyncadd.s32 $0xFFFFFB00  }
0x305: {  	[bflag:$0x0] =	sbarrier.arrive $0xFFFF  }
0x306: {  	s2 =	sld [smem:$0x7FC]  }
0x307: {  	s0 =	rddreg [dreg:$0x1c]  }
0x308: {  	s1 =	rddreg [dreg:$0x1f]  }
0x309: {  	[hbm:s0], [sflag:s1] =	dma.local [spmem:s2], $0x2780  }
0x30a: {  	_ =	swait.ge [sflag:s18], $0x2780  }
0x30b: {  	s30 =	sld [smem:$0x7FD]  }
0x30c: {  	[sflag:s18] =	ssyncset.done $0x0  }
0x30d: {  	s29 =	rddreg [dreg:$0x1d];
	[sflag:s18] =	ssyncadd.s32 $0xFFFFD880  }
0x30e: {  	[hbm:s29], [sflag:s1] =	dma.local [spmem:s30], $0x4F0  }
0x30f: {  	_ =	swait.ge [sflag:s18], $0x4F0  }
0x310: {  	s26 =	rddreg [dreg:$0x5]  }
0x311: {  	s31 =	rddreg [dreg:$0x1e];
	s26 =	sadd.s32 $0x1, s26  }
0x312: {  	p0 =	sne.s32 s26, s31  }
.Ltmp8:
0x313: {  	_ = 	snop;
	(pc) =	sbr.rel @p0 .LBB2_1-.Ltmp8, $3  }
0x314: {  	[sflag:s18] =	ssyncset.done $0x0  }
0x315: {  	[sflag:s18] =	ssyncadd.s32 $0xFFFFFB10  }
0x316: {  	[bflag:$0x0] =	sbarrier.arrive $0xFFFF;
	_ =	sdelay $0x1  }
0x317: {  	_ =	sfence.sel $0x180000  }
0x318: {  	[bflag:$0x0] =	sbarrier.arrive $0xFFFF  }
0x319: {  	_ =	strace $0x90000047  }
0x31a: {  	s0 =	stileid.u32;
	[bflag:$0x2] =	sbarrier.arrive $0xFFFF  }
0x31b: {  	p0 =	sne.s32 s0, $0x0;
	s0 =	rddreg [dreg:$0x4]  }
0x31c: {  	s0 =	sadd.s32 @!p0 $0x100000, s0  }
0x31d: {  	[sflag:s0] =	ssyncadd.tile.s32 @!p0 $0x1;
	_ =	shalt  }
.Lfunc_end2:
_tile_overlayer_lowered:
.L_overlay_start_2:
0x31e: {  	(tag) =	ssettag $0x2  }
0x31f: {  	s0 =	rddreg [dreg:$0x0];
	s2 =	stileid.u32  }
0x320: {  	s1 =	rddreg [dreg:$0x1];
	p0 =	sne.s32 s2, $0x0  }
0x321: {  	s3 =	rddreg [dreg:$0x2];
	[bflag:$0x3] =	sbarrier.arrive $0xFFFF;
	s2 =	simm.s32 @!p0 $0x1C03  }
0x322: {  	[timem:s3], [sflag:s2] =	dma.local @!p0 [hbm:s0], s1  }
0x323: {  	s0 =	simm.s32 @!p0 $0x3  }
0x324: {  	_ =	swait.ge @!p0 [sflag:s0], s1  }
0x325: {  	s1 =	ssub.s32 @!p0 $0x0, s1;
	[sflag:s0] =	ssyncset.done @!p0 $0x0  }
0x326: {  	[sflag:s0] =	ssyncadd.s32 @!p0 s1  }
0x327: {  	[bflag:$0x3] =	sbarrier.arrive $0xFFFF  }
0x328: {  	_ =	shalt  }

</sc_bundles>
